<compile_context>
chip_gen: v7x
topology: tpu7x:2x2x1
jax: 0.10.2.dev20260603
libtpu: 0.0.44.dev20260713+nightly
codegen_flags: <defaults>
</compile_context>

<pallas_src>
import jax
import jax.numpy as jnp
from jax import lax
from jax.experimental import pallas as pl
from jax.experimental.pallas import tpu as pltpu
from jax.experimental.pallas import tpu_sc as plsc

_B = 2048
_E = 16
_CK = 64
_TB = 256


def _shift_load(sbuf, off):
    return sbuf[pl.ds(off, 16)]


def _dispatch_body(eidx_hbm, x_hbm, xs_hbm, pos_hbm, ends_hbm, gridx_hbm,
                   eidx_v, sbuf, stage_v, grid_v, cnt_ref, start_ref, xv,
                   pos_v, endv, sem):
    c = lax.axis_index("c")
    s = lax.axis_index("s")
    iota = lax.iota(jnp.int32, 16)
    zero_v = iota * 0
    one_v = zero_v + 1
    sent_v = zero_v - 1

    pltpu.sync_copy(eidx_hbm.at[pl.ds(s * 128, 128)], eidx_v)
    k = 2 * s + c
    base = k * _CK
    xcp = pltpu.async_copy(x_hbm.at[pl.ds(base, _CK)], xv, sem)
    sbuf[pl.ds(0, 16)] = sent_v
    vregs = []
    lranks = []
    for half in range(2):
        cnt_ref[...] = zero_v
        for j in range(4):
            v = eidx_v[pl.ds(64 * half + 16 * j, 16)]
            sbuf[pl.ds(16, 16)] = v
            rank = zero_v
            for d in range(1, 16):
                rank = rank + jnp.where(
                    _shift_load(sbuf, 16 - d) == v, one_v, zero_v)
            before = plsc.load_gather(cnt_ref, [v])
            vregs.append(v)
            lranks.append(before + rank)
            plsc.store_scatter(cnt_ref, [v], before + rank + 1)
        stage_v[half, :] = cnt_ref[...]
    pltpu.sync_copy(stage_v, gridx_hbm.at[c].at[pl.ds(2 * s, 2)])
    plsc.subcore_barrier()

    pltpu.sync_copy(gridx_hbm.at[c], grid_v)
    k_v = zero_v + k
    tot = zero_v
    pre = zero_v
    for r in range(32):
        row = grid_v[r, :]
        tot = tot + row
        pre = pre + jnp.where(zero_v + r < k_v, row, zero_v)
    sbuf[pl.ds(0, 16)] = zero_v
    csum = tot
    for d in (1, 2, 4, 8):
        sbuf[pl.ds(16, 16)] = csum
        csum = csum + _shift_load(sbuf, 16 - d)
    ends = csum
    start_ref[...] = ends - tot + pre
    endv[...] = ends

    c_is_0 = (zero_v + c) == zero_v
    for j in range(4):
        v = jnp.where(c_is_0, vregs[j], vregs[4 + j])
        lr = jnp.where(c_is_0, lranks[j], lranks[4 + j])
        pos_v[pl.ds(16 * j, 16)] = plsc.load_gather(start_ref, [v]) + lr

    xcp.wait()
    pltpu.async_copy(xv, xs_hbm.at[pos_v], sem).wait()
    pltpu.sync_copy(pos_v, pos_hbm.at[pl.ds(base, _CK)])

    @pl.when(jnp.logical_and(c == 0, s == 0))
    def _():
        pltpu.sync_copy(endv, ends_hbm)


def _combine_body(pos_hbm, ys_hbm, out_hbm, pos_v, rows_v, sem):
    c = lax.axis_index("c")
    s = lax.axis_index("s")
    base = (2 * s + c) * _CK
    pltpu.sync_copy(pos_hbm.at[pl.ds(base, _CK)], pos_v)
    pltpu.async_copy(ys_hbm.at[pos_v], rows_v, sem).wait()
    pltpu.sync_copy(rows_v, out_hbm.at[pl.ds(base, _CK)])


def _tc_body(ends_ref, xs_ref, W1_ref, b1_ref, W2_ref, b2_ref, out_ref):
    t = pl.program_id(0)
    TB, O = out_ref.shape
    rows = xs_ref[...]
    rowid = lax.broadcasted_iota(jnp.int32, (TB, O), 0) + t * TB
    out_ref[...] = jnp.zeros((TB, O), jnp.float32)
    dn = (((1,), (1,)), ((), ()))
    for e in range(_E):
        end = ends_ref[e]
        start = jnp.int32(0) if e == 0 else ends_ref[e - 1]

        @pl.when(jnp.logical_and(end > t * TB, start < (t + 1) * TB))
        def _(e=e, start=start, end=end):
            h = lax.dot_general(rows, W1_ref[e], dn,
                                preferred_element_type=jnp.float32)
            h = jax.nn.relu(h + b1_ref[e:e + 1, :])
            y = lax.dot_general(h, W2_ref[e], dn,
                                preferred_element_type=jnp.float32)
            y = y + b2_ref[e:e + 1, :]
            mask = jnp.logical_and(rowid >= start, rowid < end)
            out_ref[...] = jnp.where(mask, y, out_ref[...])


def kernel(quant_fn, x, emb_idx, W1, b1, W2, b2):
    del quant_fn
    B, X = x.shape
    E, H, _ = W1.shape
    O = W2.shape[1]
    mesh = plsc.VectorSubcoreMesh(core_axis_name="c", subcore_axis_name="s")

    sc_params = pltpu.CompilerParams(needs_layout_passes=False)
    dispatch = pl.kernel(
        _dispatch_body,
        out_type=[
            jax.ShapeDtypeStruct((B, X), jnp.float32),
            jax.ShapeDtypeStruct((B,), jnp.int32),
            jax.ShapeDtypeStruct((E,), jnp.int32),
            jax.ShapeDtypeStruct((2, 32, E), jnp.int32),
        ],
        mesh=mesh,
        scratch_types=[
            pltpu.VMEM((128,), jnp.int32),
            pltpu.VMEM((48,), jnp.int32),
            pltpu.VMEM((2, 16), jnp.int32),
            pltpu.VMEM((32, 16), jnp.int32),
            pltpu.VMEM((16,), jnp.int32),
            pltpu.VMEM((16,), jnp.int32),
            pltpu.VMEM((_CK, X), jnp.float32),
            pltpu.VMEM((_CK,), jnp.int32),
            pltpu.VMEM((16,), jnp.int32),
            pltpu.SemaphoreType.DMA,
        ],
        compiler_params=sc_params,
    )
    xs, pos, ends, _ = dispatch(emb_idx, x)

    ys = pl.pallas_call(
        _tc_body,
        grid=(B // _TB,),
        in_specs=[
            pl.BlockSpec(memory_space=pltpu.SMEM),
            pl.BlockSpec((_TB, X), lambda i: (i, 0)),
            pl.BlockSpec((E, H, X), lambda i: (0, 0, 0)),
            pl.BlockSpec((E, H), lambda i: (0, 0)),
            pl.BlockSpec((E, O, H), lambda i: (0, 0, 0)),
            pl.BlockSpec((E, O), lambda i: (0, 0)),
        ],
        out_specs=pl.BlockSpec((_TB, O), lambda i: (i, 0)),
        out_shape=jax.ShapeDtypeStruct((B, O), jnp.float32),
    )(ends, xs, W1, b1, W2, b2)

    combine = pl.kernel(
        _combine_body,
        out_type=jax.ShapeDtypeStruct((B, O), jnp.float32),
        mesh=mesh,
        scratch_types=[
            pltpu.VMEM((_CK,), jnp.int32),
            pltpu.VMEM((_CK, O), jnp.float32),
            pltpu.SemaphoreType.DMA,
        ],
        compiler_params=sc_params,
    )
    return combine(pos, ys)

# --- scband reference (transcript-rebuilt; emitter-appended) ---
"""Pipeline reference for scband-batch-decoder-25340307047174 (READ-ONLY COPY).

The authoritative reference and input builder live on the scoring server;
editing this copy changes nothing except your own understanding.
"""

import jax, jax.numpy as jnp
import numpy as np

B = 2048
X_SIZE = 128
H_SIZE = 128
OUT_SIZE = 128
NUM_EMB = 16
EMBED_DIM = X_SIZE * H_SIZE + H_SIZE + H_SIZE * OUT_SIZE + OUT_SIZE  # 33024


def setup_inputs(seed: int = 0) -> dict:
    key = jax.random.key(seed)
    ks = jax.random.split(key, 8)
    quant_fn = jax.random.normal(ks[0], (B, EMBED_DIM), dtype=jnp.float32)
    x = jax.random.normal(ks[1], (B, X_SIZE), dtype=jnp.float32)
    emb_idx = jax.random.randint(ks[2], (B,), 0, NUM_EMB, dtype=jnp.int32)
    # Learned per-expert MLP parameters (nn.Linear convention: weight [out, in])
    W1 = jax.random.normal(ks[3], (NUM_EMB, H_SIZE, X_SIZE), dtype=jnp.float32) * (1.0 / np.sqrt(X_SIZE))
    b1 = jnp.zeros((NUM_EMB, H_SIZE), dtype=jnp.float32)
    W2 = jax.random.normal(ks[4], (NUM_EMB, OUT_SIZE, H_SIZE), dtype=jnp.float32) * (1.0 / np.sqrt(H_SIZE))
    b2 = jnp.zeros((NUM_EMB, OUT_SIZE), dtype=jnp.float32)
    return {"quant_fn": quant_fn, "x": x, "emb_idx": emb_idx,
            "W1": W1, "b1": b1, "W2": W2, "b2": b2}


def reference(quant_fn, x, emb_idx, W1, b1, W2, b2):
    # Faithful translation. Note: in the original torch code the codebook-weight
    # injection loop rebinds a local variable `p` and therefore does NOT mutate the
    # expert networks' parameters; quant_fn has no effect on the output.
    # The effective computation is: result[i] = net[emb_idx[i]](x[i]) with each
    # net being Linear(x,h) -> ReLU -> Linear(h,out). The per-unique-expert
    # batching + concat + argsort-restore in the torch code is exactly equivalent
    # to this per-token formulation.
    _ = quant_fn  # unused, kept for faithfulness
    w1 = jnp.take(W1, emb_idx, axis=0)            # [B, H, X]
    bb1 = jnp.take(b1, emb_idx, axis=0)           # [B, H]
    h = jax.nn.relu(jnp.einsum('bi,bhi->bh', x, w1) + bb1)
    w2 = jnp.take(W2, emb_idx, axis=0)            # [B, O, H]
    bb2 = jnp.take(b2, emb_idx, axis=0)           # [B, O]
    out = jnp.einsum('bh,boh->bo', h, w2) + bb2   # [B, O]
    return out

if __name__ == "__main__":
    import jax
    _d = setup_inputs()
    print(jax.jit(kernel)(*tuple(_d.values())))

</pallas_src>

<mosaic_0001>
#map = affine_map<(d0, d1) -> (0)>
#map1 = affine_map<(d0, d1) -> (0, 0)>
module attributes {stable_mosaic.version = 14 : i64} {
  func.func @_combine_body(%arg0: i32, %arg1: i32, %arg2: memref<2048xi32, #tpu.memory_space<hbm>>, %arg3: memref<2048x128xf32, #tpu.memory_space<hbm>>, %arg4: memref<2048x128xf32, #tpu.memory_space<hbm>>, %arg5: memref<64xi32, #tpu.memory_space<vmem>>, %arg6: memref<64x128xf32, #tpu.memory_space<vmem>>, %arg7: memref<!tpu.dma_semaphore, #tpu.memory_space<semaphore_mem>>) attributes {dimension_semantics = [#tpu.dimension_semantics<core_parallel>, #tpu.dimension_semantics<subcore_parallel>], iteration_bounds = array<i64: 2, 16>, scalar_prefetch = 0 : i64, scratch_operands = 3 : i64, tpu.core_type = #tpu.core_type<sc_vector_subcore>, window_params = [{transform_indices = #map}, {transform_indices = #map1}, {transform_indices = #map1}]} {
    %mul3A = arith.constant 2 : i32
    %mul3A_0 = arith.muli %mul3A, %arg1 : i32
    %add3A = arith.addi %mul3A_0, %arg0 : i32
    %mul3A_1 = arith.constant 64 : i32
    %mul3A_2 = arith.muli %add3A, %mul3A_1 : i32
    "tpu.region"() ({
      %run_scoped3A = tpu.sem_alloc : memref<!tpu.dma_semaphore, #tpu.memory_space<semaphore_mem>>
      %dma_start3A_7 = tpu.memref_slice %arg2[%mul3A_2] : memref<2048xi32, #tpu.memory_space<hbm>> -> memref<64xi32, #tpu.memory_space<hbm>>
      %dma_start3A_8 = tpu.memref_slice %arg2[%mul3A_2] : memref<2048xi32, #tpu.memory_space<hbm>> -> memref<64xi32, #tpu.memory_space<hbm>>
      tpu.enqueue_dma source(%dma_start3A_8 : memref<64xi32, #tpu.memory_space<hbm>>) target(%arg5 : memref<64xi32, #tpu.memory_space<vmem>>) target_semaphore(%run_scoped3A : memref<!tpu.dma_semaphore, #tpu.memory_space<semaphore_mem>>)
      %dma_wait3A_9 = tpu.memref_slice %arg2[%mul3A_2] : memref<2048xi32, #tpu.memory_space<hbm>> -> memref<64xi32, #tpu.memory_space<hbm>>
      %dma_wait3A_10 = tpu.memref_slice %arg2[%mul3A_2] : memref<2048xi32, #tpu.memory_space<hbm>> -> memref<64xi32, #tpu.memory_space<hbm>>
      tpu.wait_dma2 semaphore(%run_scoped3A : memref<!tpu.dma_semaphore, #tpu.memory_space<semaphore_mem>>) src(%dma_wait3A_10 : memref<64xi32, #tpu.memory_space<hbm>>) dst(%arg5 : memref<64xi32, #tpu.memory_space<vmem>>)
      tpu.yield
    }) : () -> ()
    %dma_start3A = arith.constant 0 : i32
    %dma_start3A_3 = arith.constant 0 : i32
    %dma_start3A_4 = tpu.memref_slice %arg3[%dma_start3A, %dma_start3A_3] : memref<2048x128xf32, #tpu.memory_space<hbm>> -> memref<2048x128xf32, #tpu.memory_space<hbm>>
    tpu.enqueue_indirect_dma source(%dma_start3A_4 : memref<2048x128xf32, #tpu.memory_space<hbm>>) target(%arg6 : memref<64x128xf32, #tpu.memory_space<vmem>>) offsets(%arg5 : memref<64xi32, #tpu.memory_space<vmem>>) semaphore(%arg7 : memref<!tpu.dma_semaphore, #tpu.memory_space<semaphore_mem>>)
    %dma_wait3A = arith.constant 0 : i32
    %dma_wait3A_5 = arith.constant 0 : i32
    %dma_wait3A_6 = tpu.memref_slice %arg3[%dma_wait3A, %dma_wait3A_5] : memref<2048x128xf32, #tpu.memory_space<hbm>> -> memref<2048x128xf32, #tpu.memory_space<hbm>>
    tpu.wait_indirect_dma semaphore(%arg7 : memref<!tpu.dma_semaphore, #tpu.memory_space<semaphore_mem>>) src(%dma_wait3A_6 : memref<2048x128xf32, #tpu.memory_space<hbm>>) dst(%arg6 : memref<64x128xf32, #tpu.memory_space<vmem>>)
    "tpu.region"() ({
      %run_scoped3A = tpu.sem_alloc : memref<!tpu.dma_semaphore, #tpu.memory_space<semaphore_mem>>
      %dma_start3A_7 = arith.constant 0 : i32
      %dma_start3A_8 = tpu.memref_slice %arg4[%mul3A_2, %dma_start3A_7] : memref<2048x128xf32, #tpu.memory_space<hbm>> -> memref<64x128xf32, #tpu.memory_space<hbm>>
      %dma_start3A_9 = arith.constant 0 : i32
      %dma_start3A_10 = tpu.memref_slice %arg4[%mul3A_2, %dma_start3A_9] : memref<2048x128xf32, #tpu.memory_space<hbm>> -> memref<64x128xf32, #tpu.memory_space<hbm>>
      tpu.enqueue_dma source(%arg6 : memref<64x128xf32, #tpu.memory_space<vmem>>) target(%dma_start3A_10 : memref<64x128xf32, #tpu.memory_space<hbm>>) target_semaphore(%run_scoped3A : memref<!tpu.dma_semaphore, #tpu.memory_space<semaphore_mem>>)
      %dma_wait3A_11 = arith.constant 0 : i32
      %dma_wait3A_12 = tpu.memref_slice %arg4[%mul3A_2, %dma_wait3A_11] : memref<2048x128xf32, #tpu.memory_space<hbm>> -> memref<64x128xf32, #tpu.memory_space<hbm>>
      %dma_wait3A_13 = arith.constant 0 : i32
      %dma_wait3A_14 = tpu.memref_slice %arg4[%mul3A_2, %dma_wait3A_13] : memref<2048x128xf32, #tpu.memory_space<hbm>> -> memref<64x128xf32, #tpu.memory_space<hbm>>
      tpu.wait_dma2 semaphore(%run_scoped3A : memref<!tpu.dma_semaphore, #tpu.memory_space<semaphore_mem>>) src(%arg6 : memref<64x128xf32, #tpu.memory_space<vmem>>) dst(%dma_wait3A_14 : memref<64x128xf32, #tpu.memory_space<hbm>>)
      tpu.yield
    }) : () -> ()
    return
  }
}

#map = affine_map<(d0, d1) -> (0)>
#map1 = affine_map<(d0, d1) -> (0, 0)>
#map2 = affine_map<(d0, d1) -> (0, 0, 0)>
module attributes {stable_mosaic.version = 14 : i64} {
  func.func @_dispatch_body(%arg0: i32, %arg1: i32, %arg2: memref<2048xi32, #tpu.memory_space<hbm>>, %arg3: memref<2048x128xf32, #tpu.memory_space<hbm>>, %arg4: memref<2048x128xf32, #tpu.memory_space<hbm>>, %arg5: memref<2048xi32, #tpu.memory_space<hbm>>, %arg6: memref<16xi32, #tpu.memory_space<hbm>>, %arg7: memref<2x32x16xi32, #tpu.memory_space<hbm>>, %arg8: memref<128xi32, #tpu.memory_space<vmem>>, %arg9: memref<48xi32, #tpu.memory_space<vmem>>, %arg10: memref<2x16xi32, #tpu.memory_space<vmem>>, %arg11: memref<32x16xi32, #tpu.memory_space<vmem>>, %arg12: memref<16xi32, #tpu.memory_space<vmem>>, %arg13: memref<16xi32, #tpu.memory_space<vmem>>, %arg14: memref<64x128xf32, #tpu.memory_space<vmem>>, %arg15: memref<64xi32, #tpu.memory_space<vmem>>, %arg16: memref<16xi32, #tpu.memory_space<vmem>>, %arg17: memref<!tpu.dma_semaphore, #tpu.memory_space<semaphore_mem>>) attributes {dimension_semantics = [#tpu.dimension_semantics<core_parallel>, #tpu.dimension_semantics<subcore_parallel>], iteration_bounds = array<i64: 2, 16>, scalar_prefetch = 0 : i64, scratch_operands = 10 : i64, tpu.core_type = #tpu.core_type<sc_vector_subcore>, window_params = [{transform_indices = #map}, {transform_indices = #map1}, {transform_indices = #map1}, {transform_indices = #map}, {transform_indices = #map}, {transform_indices = #map2}]} {
    %iota3A = tpu.iota {dimensions = array<i32: 0>} : vector<16xi32>
    %mul3A = arith.constant 0 : i32
    %mul3A_0 = vector.broadcast %mul3A : i32 to vector<16xi32>
    %mul3A_1 = arith.muli %iota3A, %mul3A_0 : vector<16xi32>
    %add3A = arith.constant 1 : i32
    %add3A_2 = vector.broadcast %add3A : i32 to vector<16xi32>
    %add3A_3 = arith.addi %mul3A_1, %add3A_2 : vector<16xi32>
    %sub3A = arith.constant 1 : i32
    %sub3A_4 = vector.broadcast %sub3A : i32 to vector<16xi32>
    %sub3A_5 = arith.subi %mul3A_1, %sub3A_4 : vector<16xi32>
    %mul3A_6 = arith.constant 128 : i32
    %mul3A_7 = arith.muli %arg1, %mul3A_6 : i32
    "tpu.region"() ({
      %run_scoped3A = tpu.sem_alloc : memref<!tpu.dma_semaphore, #tpu.memory_space<semaphore_mem>>
      %dma_start3A_1133 = tpu.memref_slice %arg2[%mul3A_7] : memref<2048xi32, #tpu.memory_space<hbm>> -> memref<128xi32, #tpu.memory_space<hbm>>
      %dma_start3A_1134 = tpu.memref_slice %arg2[%mul3A_7] : memref<2048xi32, #tpu.memory_space<hbm>> -> memref<128xi32, #tpu.memory_space<hbm>>
      tpu.enqueue_dma source(%dma_start3A_1134 : memref<128xi32, #tpu.memory_space<hbm>>) target(%arg8 : memref<128xi32, #tpu.memory_space<vmem>>) target_semaphore(%run_scoped3A : memref<!tpu.dma_semaphore, #tpu.memory_space<semaphore_mem>>)
      %dma_wait3A_1135 = tpu.memref_slice %arg2[%mul3A_7] : memref<2048xi32, #tpu.memory_space<hbm>> -> memref<128xi32, #tpu.memory_space<hbm>>
      %dma_wait3A_1136 = tpu.memref_slice %arg2[%mul3A_7] : memref<2048xi32, #tpu.memory_space<hbm>> -> memref<128xi32, #tpu.memory_space<hbm>>
      tpu.wait_dma2 semaphore(%run_scoped3A : memref<!tpu.dma_semaphore, #tpu.memory_space<semaphore_mem>>) src(%dma_wait3A_1136 : memref<128xi32, #tpu.memory_space<hbm>>) dst(%arg8 : memref<128xi32, #tpu.memory_space<vmem>>)
      tpu.yield
    }) : () -> ()
    %mul3A_8 = arith.constant 2 : i32
    %mul3A_9 = arith.muli %mul3A_8, %arg1 : i32
    %add3A_10 = arith.addi %mul3A_9, %arg0 : i32
    %mul3A_11 = arith.constant 64 : i32
    %mul3A_12 = arith.muli %add3A_10, %mul3A_11 : i32
    %dma_start3A = arith.constant 0 : i32
    %dma_start3A_13 = tpu.memref_slice %arg3[%mul3A_12, %dma_start3A] : memref<2048x128xf32, #tpu.memory_space<hbm>> -> memref<64x128xf32, #tpu.memory_space<hbm>>
    %dma_start3A_14 = arith.constant 0 : i32
    %dma_start3A_15 = tpu.memref_slice %arg3[%mul3A_12, %dma_start3A_14] : memref<2048x128xf32, #tpu.memory_space<hbm>> -> memref<64x128xf32, #tpu.memory_space<hbm>>
    tpu.enqueue_dma source(%dma_start3A_15 : memref<64x128xf32, #tpu.memory_space<hbm>>) target(%arg14 : memref<64x128xf32, #tpu.memory_space<vmem>>) target_semaphore(%arg17 : memref<!tpu.dma_semaphore, #tpu.memory_space<semaphore_mem>>)
    %swap3A = arith.constant 0 : index
    %swap3A_16 = tpu.vector_load %arg9[%swap3A] {strides = array<i32>} : memref<48xi32, #tpu.memory_space<vmem>>, vector<16xi32>,
    tpu.vector_store %arg9[%swap3A], %sub3A_5 {strides = array<i32>} : memref<48xi32, #tpu.memory_space<vmem>>, vector<16xi32>,
    %swap3A_17 = arith.constant 0 : index
    %swap3A_18 = tpu.vector_load %arg12[%swap3A_17] {strides = array<i32>} : memref<16xi32, #tpu.memory_space<vmem>>, vector<16xi32>,
    tpu.vector_store %arg12[%swap3A_17], %mul3A_1 {strides = array<i32>} : memref<16xi32, #tpu.memory_space<vmem>>, vector<16xi32>,
    %get3A = arith.constant 0 : index
    %get3A_19 = tpu.vector_load %arg8[%get3A] {strides = array<i32>} : memref<128xi32, #tpu.memory_space<vmem>>, vector<16xi32>,
    %swap3A_20 = arith.constant 16 : index
    %swap3A_21 = tpu.vector_load %arg9[%swap3A_20] {strides = array<i32>} : memref<48xi32, #tpu.memory_space<vmem>>, vector<16xi32>,
    tpu.vector_store %arg9[%swap3A_20], %get3A_19 {strides = array<i32>} : memref<48xi32, #tpu.memory_space<vmem>>, vector<16xi32>,
    %get3A_22 = arith.constant 15 : index
    %get3A_23 = tpu.vector_load %arg9[%get3A_22] {strides = array<i32>} : memref<48xi32, #tpu.memory_space<vmem>>, vector<16xi32>,
    %eq3A = arith.cmpi eq, %get3A_23, %get3A_19 : vector<16xi32>
    %select_n3A = arith.select %eq3A, %add3A_3, %mul3A_1 : vector<16xi1>, vector<16xi32>
    %add3A_24 = arith.addi %mul3A_1, %select_n3A : vector<16xi32>
    %get3A_25 = arith.constant 14 : index
    %get3A_26 = tpu.vector_load %arg9[%get3A_25] {strides = array<i32>} : memref<48xi32, #tpu.memory_space<vmem>>, vector<16xi32>,
    %eq3A_27 = arith.cmpi eq, %get3A_26, %get3A_19 : vector<16xi32>
    %select_n3A_28 = arith.select %eq3A_27, %add3A_3, %mul3A_1 : vector<16xi1>, vector<16xi32>
    %add3A_29 = arith.addi %add3A_24, %select_n3A_28 : vector<16xi32>
    %get3A_30 = arith.constant 13 : index
    %get3A_31 = tpu.vector_load %arg9[%get3A_30] {strides = array<i32>} : memref<48xi32, #tpu.memory_space<vmem>>, vector<16xi32>,
    %eq3A_32 = arith.cmpi eq, %get3A_31, %get3A_19 : vector<16xi32>
    %select_n3A_33 = arith.select %eq3A_32, %add3A_3, %mul3A_1 : vector<16xi1>, vector<16xi32>
    %add3A_34 = arith.addi %add3A_29, %select_n3A_33 : vector<16xi32>
    %get3A_35 = arith.constant 12 : index
    %get3A_36 = tpu.vector_load %arg9[%get3A_35] {strides = array<i32>} : memref<48xi32, #tpu.memory_space<vmem>>, vector<16xi32>,
    %eq3A_37 = arith.cmpi eq, %get3A_36, %get3A_19 : vector<16xi32>
    %select_n3A_38 = arith.select %eq3A_37, %add3A_3, %mul3A_1 : vector<16xi1>, vector<16xi32>
    %add3A_39 = arith.addi %add3A_34, %select_n3A_38 : vector<16xi32>
    %get3A_40 = arith.constant 11 : index
    %get3A_41 = tpu.vector_load %arg9[%get3A_40] {strides = array<i32>} : memref<48xi32, #tpu.memory_space<vmem>>, vector<16xi32>,
    %eq3A_42 = arith.cmpi eq, %get3A_41, %get3A_19 : vector<16xi32>
    %select_n3A_43 = arith.select %eq3A_42, %add3A_3, %mul3A_1 : vector<16xi1>, vector<16xi32>
    %add3A_44 = arith.addi %add3A_39, %select_n3A_43 : vector<16xi32>
    %get3A_45 = arith.constant 10 : index
    %get3A_46 = tpu.vector_load %arg9[%get3A_45] {strides = array<i32>} : memref<48xi32, #tpu.memory_space<vmem>>, vector<16xi32>,
    %eq3A_47 = arith.cmpi eq, %get3A_46, %get3A_19 : vector<16xi32>
    %select_n3A_48 = arith.select %eq3A_47, %add3A_3, %mul3A_1 : vector<16xi1>, vector<16xi32>
    %add3A_49 = arith.addi %add3A_44, %select_n3A_48 : vector<16xi32>
    %get3A_50 = arith.constant 9 : index
    %get3A_51 = tpu.vector_load %arg9[%get3A_50] {strides = array<i32>} : memref<48xi32, #tpu.memory_space<vmem>>, vector<16xi32>,
    %eq3A_52 = arith.cmpi eq, %get3A_51, %get3A_19 : vector<16xi32>
    %select_n3A_53 = arith.select %eq3A_52, %add3A_3, %mul3A_1 : vector<16xi1>, vector<16xi32>
    %add3A_54 = arith.addi %add3A_49, %select_n3A_53 : vector<16xi32>
    %get3A_55 = arith.constant 8 : index
    %get3A_56 = tpu.vector_load %arg9[%get3A_55] {strides = array<i32>} : memref<48xi32, #tpu.memory_space<vmem>>, vector<16xi32>,
    %eq3A_57 = arith.cmpi eq, %get3A_56, %get3A_19 : vector<16xi32>
    %select_n3A_58 = arith.select %eq3A_57, %add3A_3, %mul3A_1 : vector<16xi1>, vector<16xi32>
    %add3A_59 = arith.addi %add3A_54, %select_n3A_58 : vector<16xi32>
    %get3A_60 = arith.constant 7 : index
    %get3A_61 = tpu.vector_load %arg9[%get3A_60] {strides = array<i32>} : memref<48xi32, #tpu.memory_space<vmem>>, vector<16xi32>,
    %eq3A_62 = arith.cmpi eq, %get3A_61, %get3A_19 : vector<16xi32>
    %select_n3A_63 = arith.select %eq3A_62, %add3A_3, %mul3A_1 : vector<16xi1>, vector<16xi32>
    %add3A_64 = arith.addi %add3A_59, %select_n3A_63 : vector<16xi32>
    %get3A_65 = arith.constant 6 : index
    %get3A_66 = tpu.vector_load %arg9[%get3A_65] {strides = array<i32>} : memref<48xi32, #tpu.memory_space<vmem>>, vector<16xi32>,
    %eq3A_67 = arith.cmpi eq, %get3A_66, %get3A_19 : vector<16xi32>
    %select_n3A_68 = arith.select %eq3A_67, %add3A_3, %mul3A_1 : vector<16xi1>, vector<16xi32>
    %add3A_69 = arith.addi %add3A_64, %select_n3A_68 : vector<16xi32>
    %get3A_70 = arith.constant 5 : index
    %get3A_71 = tpu.vector_load %arg9[%get3A_70] {strides = array<i32>} : memref<48xi32, #tpu.memory_space<vmem>>, vector<16xi32>,
    %eq3A_72 = arith.cmpi eq, %get3A_71, %get3A_19 : vector<16xi32>
    %select_n3A_73 = arith.select %eq3A_72, %add3A_3, %mul3A_1 : vector<16xi1>, vector<16xi32>
    %add3A_74 = arith.addi %add3A_69, %select_n3A_73 : vector<16xi32>
    %get3A_75 = arith.constant 4 : index
    %get3A_76 = tpu.vector_load %arg9[%get3A_75] {strides = array<i32>} : memref<48xi32, #tpu.memory_space<vmem>>, vector<16xi32>,
    %eq3A_77 = arith.cmpi eq, %get3A_76, %get3A_19 : vector<16xi32>
    %select_n3A_78 = arith.select %eq3A_77, %add3A_3, %mul3A_1 : vector<16xi1>, vector<16xi32>
    %add3A_79 = arith.addi %add3A_74, %select_n3A_78 : vector<16xi32>
    %get3A_80 = arith.constant 3 : index
    %get3A_81 = tpu.vector_load %arg9[%get3A_80] {strides = array<i32>} : memref<48xi32, #tpu.memory_space<vmem>>, vector<16xi32>,
    %eq3A_82 = arith.cmpi eq, %get3A_81, %get3A_19 : vector<16xi32>
    %select_n3A_83 = arith.select %eq3A_82, %add3A_3, %mul3A_1 : vector<16xi1>, vector<16xi32>
    %add3A_84 = arith.addi %add3A_79, %select_n3A_83 : vector<16xi32>
    %get3A_85 = arith.constant 2 : index
    %get3A_86 = tpu.vector_load %arg9[%get3A_85] {strides = array<i32>} : memref<48xi32, #tpu.memory_space<vmem>>, vector<16xi32>,
    %eq3A_87 = arith.cmpi eq, %get3A_86, %get3A_19 : vector<16xi32>
    %select_n3A_88 = arith.select %eq3A_87, %add3A_3, %mul3A_1 : vector<16xi1>, vector<16xi32>
    %add3A_89 = arith.addi %add3A_84, %select_n3A_88 : vector<16xi32>
    %get3A_90 = arith.constant 1 : index
    %get3A_91 = tpu.vector_load %arg9[%get3A_90] {strides = array<i32>} : memref<48xi32, #tpu.memory_space<vmem>>, vector<16xi32>,
    %eq3A_92 = arith.cmpi eq, %get3A_91, %get3A_19 : vector<16xi32>
    %select_n3A_93 = arith.select %eq3A_92, %add3A_3, %mul3A_1 : vector<16xi1>, vector<16xi32>
    %add3A_94 = arith.addi %add3A_89, %select_n3A_93 : vector<16xi32>
    %gather3A = tpu.vector_load_idx %arg12[%get3A_19] : memref<16xi32, #tpu.memory_space<vmem>>[vector<16xi32>], vector<16xi32>,
    %add3A_95 = arith.addi %gather3A, %add3A_94 : vector<16xi32>
    %add3A_96 = arith.addi %gather3A, %add3A_94 : vector<16xi32>
    %add3A_97 = arith.constant 1 : i32
    %add3A_98 = vector.broadcast %add3A_97 : i32 to vector<16xi32>
    %add3A_99 = arith.addi %add3A_96, %add3A_98 : vector<16xi32>
    tpu.vector_store_idx %arg12[%get3A_19], %add3A_99 : memref<16xi32, #tpu.memory_space<vmem>>[vector<16xi32>], vector<16xi32>,
    %get3A_100 = arith.constant 16 : index
    %get3A_101 = tpu.vector_load %arg8[%get3A_100] {strides = array<i32>} : memref<128xi32, #tpu.memory_space<vmem>>, vector<16xi32>,
    %swap3A_102 = arith.constant 16 : index
    %swap3A_103 = tpu.vector_load %arg9[%swap3A_102] {strides = array<i32>} : memref<48xi32, #tpu.memory_space<vmem>>, vector<16xi32>,
    tpu.vector_store %arg9[%swap3A_102], %get3A_101 {strides = array<i32>} : memref<48xi32, #tpu.memory_space<vmem>>, vector<16xi32>,
    %get3A_104 = arith.constant 15 : index
    %get3A_105 = tpu.vector_load %arg9[%get3A_104] {strides = array<i32>} : memref<48xi32, #tpu.memory_space<vmem>>, vector<16xi32>,
    %eq3A_106 = arith.cmpi eq, %get3A_105, %get3A_101 : vector<16xi32>
    %select_n3A_107 = arith.select %eq3A_106, %add3A_3, %mul3A_1 : vector<16xi1>, vector<16xi32>
    %add3A_108 = arith.addi %mul3A_1, %select_n3A_107 : vector<16xi32>
    %get3A_109 = arith.constant 14 : index
    %get3A_110 = tpu.vector_load %arg9[%get3A_109] {strides = array<i32>} : memref<48xi32, #tpu.memory_space<vmem>>, vector<16xi32>,
    %eq3A_111 = arith.cmpi eq, %get3A_110, %get3A_101 : vector<16xi32>
    %select_n3A_112 = arith.select %eq3A_111, %add3A_3, %mul3A_1 : vector<16xi1>, vector<16xi32>
    %add3A_113 = arith.addi %add3A_108, %select_n3A_112 : vector<16xi32>
    %get3A_114 = arith.constant 13 : index
    %get3A_115 = tpu.vector_load %arg9[%get3A_114] {strides = array<i32>} : memref<48xi32, #tpu.memory_space<vmem>>, vector<16xi32>,
    %eq3A_116 = arith.cmpi eq, %get3A_115, %get3A_101 : vector<16xi32>
    %select_n3A_117 = arith.select %eq3A_116, %add3A_3, %mul3A_1 : vector<16xi1>, vector<16xi32>
    %add3A_118 = arith.addi %add3A_113, %select_n3A_117 : vector<16xi32>
    %get3A_119 = arith.constant 12 : index
    %get3A_120 = tpu.vector_load %arg9[%get3A_119] {strides = array<i32>} : memref<48xi32, #tpu.memory_space<vmem>>, vector<16xi32>,
    %eq3A_121 = arith.cmpi eq, %get3A_120, %get3A_101 : vector<16xi32>
    %select_n3A_122 = arith.select %eq3A_121, %add3A_3, %mul3A_1 : vector<16xi1>, vector<16xi32>
    %add3A_123 = arith.addi %add3A_118, %select_n3A_122 : vector<16xi32>
    %get3A_124 = arith.constant 11 : index
    %get3A_125 = tpu.vector_load %arg9[%get3A_124] {strides = array<i32>} : memref<48xi32, #tpu.memory_space<vmem>>, vector<16xi32>,
    %eq3A_126 = arith.cmpi eq, %get3A_125, %get3A_101 : vector<16xi32>
    %select_n3A_127 = arith.select %eq3A_126, %add3A_3, %mul3A_1 : vector<16xi1>, vector<16xi32>
    %add3A_128 = arith.addi %add3A_123, %select_n3A_127 : vector<16xi32>
    %get3A_129 = arith.constant 10 : index
    %get3A_130 = tpu.vector_load %arg9[%get3A_129] {strides = array<i32>} : memref<48xi32, #tpu.memory_space<vmem>>, vector<16xi32>,
    %eq3A_131 = arith.cmpi eq, %get3A_130, %get3A_101 : vector<16xi32>
    %select_n3A_132 = arith.select %eq3A_131, %add3A_3, %mul3A_1 : vector<16xi1>, vector<16xi32>
    %add3A_133 = arith.addi %add3A_128, %select_n3A_132 : vector<16xi32>
    %get3A_134 = arith.constant 9 : index
    %get3A_135 = tpu.vector_load %arg9[%get3A_134] {strides = array<i32>} : memref<48xi32, #tpu.memory_space<vmem>>, vector<16xi32>,
    %eq3A_136 = arith.cmpi eq, %get3A_135, %get3A_101 : vector<16xi32>
    %select_n3A_137 = arith.select %eq3A_136, %add3A_3, %mul3A_1 : vector<16xi1>, vector<16xi32>
    %add3A_138 = arith.addi %add3A_133, %select_n3A_137 : vector<16xi32>
    %get3A_139 = arith.constant 8 : index
    %get3A_140 = tpu.vector_load %arg9[%get3A_139] {strides = array<i32>} : memref<48xi32, #tpu.memory_space<vmem>>, vector<16xi32>,
    %eq3A_141 = arith.cmpi eq, %get3A_140, %get3A_101 : vector<16xi32>
    %select_n3A_142 = arith.select %eq3A_141, %add3A_3, %mul3A_1 : vector<16xi1>, vector<16xi32>
    %add3A_143 = arith.addi %add3A_138, %select_n3A_142 : vector<16xi32>
    %get3A_144 = arith.constant 7 : index
    %get3A_145 = tpu.vector_load %arg9[%get3A_144] {strides = array<i32>} : memref<48xi32, #tpu.memory_space<vmem>>, vector<16xi32>,
    %eq3A_146 = arith.cmpi eq, %get3A_145, %get3A_101 : vector<16xi32>
    %select_n3A_147 = arith.select %eq3A_146, %add3A_3, %mul3A_1 : vector<16xi1>, vector<16xi32>
    %add3A_148 = arith.addi %add3A_143, %select_n3A_147 : vector<16xi32>
    %get3A_149 = arith.constant 6 : index
    %get3A_150 = tpu.vector_load %arg9[%get3A_149] {strides = array<i32>} : memref<48xi32, #tpu.memory_space<vmem>>, vector<16xi32>,
    %eq3A_151 = arith.cmpi eq, %get3A_150, %get3A_101 : vector<16xi32>
    %select_n3A_152 = arith.select %eq3A_151, %add3A_3, %mul3A_1 : vector<16xi1>, vector<16xi32>
    %add3A_153 = arith.addi %add3A_148, %select_n3A_152 : vector<16xi32>
    %get3A_154 = arith.constant 5 : index
    %get3A_155 = tpu.vector_load %arg9[%get3A_154] {strides = array<i32>} : memref<48xi32, #tpu.memory_space<vmem>>, vector<16xi32>,
    %eq3A_156 = arith.cmpi eq, %get3A_155, %get3A_101 : vector<16xi32>
    %select_n3A_157 = arith.select %eq3A_156, %add3A_3, %mul3A_1 : vector<16xi1>, vector<16xi32>
    %add3A_158 = arith.addi %add3A_153, %select_n3A_157 : vector<16xi32>
    %get3A_159 = arith.constant 4 : index
    %get3A_160 = tpu.vector_load %arg9[%get3A_159] {strides = array<i32>} : memref<48xi32, #tpu.memory_space<vmem>>, vector<16xi32>,
    %eq3A_161 = arith.cmpi eq, %get3A_160, %get3A_101 : vector<16xi32>
    %select_n3A_162 = arith.select %eq3A_161, %add3A_3, %mul3A_1 : vector<16xi1>, vector<16xi32>
    %add3A_163 = arith.addi %add3A_158, %select_n3A_162 : vector<16xi32>
    %get3A_164 = arith.constant 3 : index
    %get3A_165 = tpu.vector_load %arg9[%get3A_164] {strides = array<i32>} : memref<48xi32, #tpu.memory_space<vmem>>, vector<16xi32>,
    %eq3A_166 = arith.cmpi eq, %get3A_165, %get3A_101 : vector<16xi32>
    %select_n3A_167 = arith.select %eq3A_166, %add3A_3, %mul3A_1 : vector<16xi1>, vector<16xi32>
    %add3A_168 = arith.addi %add3A_163, %select_n3A_167 : vector<16xi32>
    %get3A_169 = arith.constant 2 : index
    %get3A_170 = tpu.vector_load %arg9[%get3A_169] {strides = array<i32>} : memref<48xi32, #tpu.memory_space<vmem>>, vector<16xi32>,
    %eq3A_171 = arith.cmpi eq, %get3A_170, %get3A_101 : vector<16xi32>
    %select_n3A_172 = arith.select %eq3A_171, %add3A_3, %mul3A_1 : vector<16xi1>, vector<16xi32>
    %add3A_173 = arith.addi %add3A_168, %select_n3A_172 : vector<16xi32>
    %get3A_174 = arith.constant 1 : index
    %get3A_175 = tpu.vector_load %arg9[%get3A_174] {strides = array<i32>} : memref<48xi32, #tpu.memory_space<vmem>>, vector<16xi32>,
    %eq3A_176 = arith.cmpi eq, %get3A_175, %get3A_101 : vector<16xi32>
    %select_n3A_177 = arith.select %eq3A_176, %add3A_3, %mul3A_1 : vector<16xi1>, vector<16xi32>
    %add3A_178 = arith.addi %add3A_173, %select_n3A_177 : vector<16xi32>
    %gather3A_179 = tpu.vector_load_idx %arg12[%get3A_101] : memref<16xi32, #tpu.memory_space<vmem>>[vector<16xi32>], vector<16xi32>,
    %add3A_180 = arith.addi %gather3A_179, %add3A_178 : vector<16xi32>
    %add3A_181 = arith.addi %gather3A_179, %add3A_178 : vector<16xi32>
    %add3A_182 = arith.constant 1 : i32
    %add3A_183 = vector.broadcast %add3A_182 : i32 to vector<16xi32>
    %add3A_184 = arith.addi %add3A_181, %add3A_183 : vector<16xi32>
    tpu.vector_store_idx %arg12[%get3A_101], %add3A_184 : memref<16xi32, #tpu.memory_space<vmem>>[vector<16xi32>], vector<16xi32>,
    %get3A_185 = arith.constant 32 : index
    %get3A_186 = tpu.vector_load %arg8[%get3A_185] {strides = array<i32>} : memref<128xi32, #tpu.memory_space<vmem>>, vector<16xi32>,
    %swap3A_187 = arith.constant 16 : index
    %swap3A_188 = tpu.vector_load %arg9[%swap3A_187] {strides = array<i32>} : memref<48xi32, #tpu.memory_space<vmem>>, vector<16xi32>,
    tpu.vector_store %arg9[%swap3A_187], %get3A_186 {strides = array<i32>} : memref<48xi32, #tpu.memory_space<vmem>>, vector<16xi32>,
    %get3A_189 = arith.constant 15 : index
    %get3A_190 = tpu.vector_load %arg9[%get3A_189] {strides = array<i32>} : memref<48xi32, #tpu.memory_space<vmem>>, vector<16xi32>,
    %eq3A_191 = arith.cmpi eq, %get3A_190, %get3A_186 : vector<16xi32>
    %select_n3A_192 = arith.select %eq3A_191, %add3A_3, %mul3A_1 : vector<16xi1>, vector<16xi32>
    %add3A_193 = arith.addi %mul3A_1, %select_n3A_192 : vector<16xi32>
    %get3A_194 = arith.constant 14 : index
    %get3A_195 = tpu.vector_load %arg9[%get3A_194] {strides = array<i32>} : memref<48xi32, #tpu.memory_space<vmem>>, vector<16xi32>,
    %eq3A_196 = arith.cmpi eq, %get3A_195, %get3A_186 : vector<16xi32>
    %select_n3A_197 = arith.select %eq3A_196, %add3A_3, %mul3A_1 : vector<16xi1>, vector<16xi32>
    %add3A_198 = arith.addi %add3A_193, %select_n3A_197 : vector<16xi32>
    %get3A_199 = arith.constant 13 : index
    %get3A_200 = tpu.vector_load %arg9[%get3A_199] {strides = array<i32>} : memref<48xi32, #tpu.memory_space<vmem>>, vector<16xi32>,
    %eq3A_201 = arith.cmpi eq, %get3A_200, %get3A_186 : vector<16xi32>
    %select_n3A_202 = arith.select %eq3A_201, %add3A_3, %mul3A_1 : vector<16xi1>, vector<16xi32>
    %add3A_203 = arith.addi %add3A_198, %select_n3A_202 : vector<16xi32>
    %get3A_204 = arith.constant 12 : index
    %get3A_205 = tpu.vector_load %arg9[%get3A_204] {strides = array<i32>} : memref<48xi32, #tpu.memory_space<vmem>>, vector<16xi32>,
    %eq3A_206 = arith.cmpi eq, %get3A_205, %get3A_186 : vector<16xi32>
    %select_n3A_207 = arith.select %eq3A_206, %add3A_3, %mul3A_1 : vector<16xi1>, vector<16xi32>
    %add3A_208 = arith.addi %add3A_203, %select_n3A_207 : vector<16xi32>
    %get3A_209 = arith.constant 11 : index
    %get3A_210 = tpu.vector_load %arg9[%get3A_209] {strides = array<i32>} : memref<48xi32, #tpu.memory_space<vmem>>, vector<16xi32>,
    %eq3A_211 = arith.cmpi eq, %get3A_210, %get3A_186 : vector<16xi32>
    %select_n3A_212 = arith.select %eq3A_211, %add3A_3, %mul3A_1 : vector<16xi1>, vector<16xi32>
    %add3A_213 = arith.addi %add3A_208, %select_n3A_212 : vector<16xi32>
    %get3A_214 = arith.constant 10 : index
    %get3A_215 = tpu.vector_load %arg9[%get3A_214] {strides = array<i32>} : memref<48xi32, #tpu.memory_space<vmem>>, vector<16xi32>,
    %eq3A_216 = arith.cmpi eq, %get3A_215, %get3A_186 : vector<16xi32>
    %select_n3A_217 = arith.select %eq3A_216, %add3A_3, %mul3A_1 : vector<16xi1>, vector<16xi32>
    %add3A_218 = arith.addi %add3A_213, %select_n3A_217 : vector<16xi32>
    %get3A_219 = arith.constant 9 : index
    %get3A_220 = tpu.vector_load %arg9[%get3A_219] {strides = array<i32>} : memref<48xi32, #tpu.memory_space<vmem>>, vector<16xi32>,
    %eq3A_221 = arith.cmpi eq, %get3A_220, %get3A_186 : vector<16xi32>
    %select_n3A_222 = arith.select %eq3A_221, %add3A_3, %mul3A_1 : vector<16xi1>, vector<16xi32>
    %add3A_223 = arith.addi %add3A_218, %select_n3A_222 : vector<16xi32>
    %get3A_224 = arith.constant 8 : index
    %get3A_225 = tpu.vector_load %arg9[%get3A_224] {strides = array<i32>} : memref<48xi32, #tpu.memory_space<vmem>>, vector<16xi32>,
    %eq3A_226 = arith.cmpi eq, %get3A_225, %get3A_186 : vector<16xi32>
    %select_n3A_227 = arith.select %eq3A_226, %add3A_3, %mul3A_1 : vector<16xi1>, vector<16xi32>
    %add3A_228 = arith.addi %add3A_223, %select_n3A_227 : vector<16xi32>
    %get3A_229 = arith.constant 7 : index
    %get3A_230 = tpu.vector_load %arg9[%get3A_229] {strides = array<i32>} : memref<48xi32, #tpu.memory_space<vmem>>, vector<16xi32>,
    %eq3A_231 = arith.cmpi eq, %get3A_230, %get3A_186 : vector<16xi32>
    %select_n3A_232 = arith.select %eq3A_231, %add3A_3, %mul3A_1 : vector<16xi1>, vector<16xi32>
    %add3A_233 = arith.addi %add3A_228, %select_n3A_232 : vector<16xi32>
    %get3A_234 = arith.constant 6 : index
    %get3A_235 = tpu.vector_load %arg9[%get3A_234] {strides = array<i32>} : memref<48xi32, #tpu.memory_space<vmem>>, vector<16xi32>,
    %eq3A_236 = arith.cmpi eq, %get3A_235, %get3A_186 : vector<16xi32>
    %select_n3A_237 = arith.select %eq3A_236, %add3A_3, %mul3A_1 : vector<16xi1>, vector<16xi32>
    %add3A_238 = arith.addi %add3A_233, %select_n3A_237 : vector<16xi32>
    %get3A_239 = arith.constant 5 : index
    %get3A_240 = tpu.vector_load %arg9[%get3A_239] {strides = array<i32>} : memref<48xi32, #tpu.memory_space<vmem>>, vector<16xi32>,
    %eq3A_241 = arith.cmpi eq, %get3A_240, %get3A_186 : vector<16xi32>
    %select_n3A_242 = arith.select %eq3A_241, %add3A_3, %mul3A_1 : vector<16xi1>, vector<16xi32>
    %add3A_243 = arith.addi %add3A_238, %select_n3A_242 : vector<16xi32>
    %get3A_244 = arith.constant 4 : index
    %get3A_245 = tpu.vector_load %arg9[%get3A_244] {strides = array<i32>} : memref<48xi32, #tpu.memory_space<vmem>>, vector<16xi32>,
    %eq3A_246 = arith.cmpi eq, %get3A_245, %get3A_186 : vector<16xi32>
    %select_n3A_247 = arith.select %eq3A_246, %add3A_3, %mul3A_1 : vector<16xi1>, vector<16xi32>
    %add3A_248 = arith.addi %add3A_243, %select_n3A_247 : vector<16xi32>
    %get3A_249 = arith.constant 3 : index
    %get3A_250 = tpu.vector_load %arg9[%get3A_249] {strides = array<i32>} : memref<48xi32, #tpu.memory_space<vmem>>, vector<16xi32>,
    %eq3A_251 = arith.cmpi eq, %get3A_250, %get3A_186 : vector<16xi32>
    %select_n3A_252 = arith.select %eq3A_251, %add3A_3, %mul3A_1 : vector<16xi1>, vector<16xi32>
    %add3A_253 = arith.addi %add3A_248, %select_n3A_252 : vector<16xi32>
    %get3A_254 = arith.constant 2 : index
    %get3A_255 = tpu.vector_load %arg9[%get3A_254] {strides = array<i32>} : memref<48xi32, #tpu.memory_space<vmem>>, vector<16xi32>,
    %eq3A_256 = arith.cmpi eq, %get3A_255, %get3A_186 : vector<16xi32>
    %select_n3A_257 = arith.select %eq3A_256, %add3A_3, %mul3A_1 : vector<16xi1>, vector<16xi32>
    %add3A_258 = arith.addi %add3A_253, %select_n3A_257 : vector<16xi32>
    %get3A_259 = arith.constant 1 : index
    %get3A_260 = tpu.vector_load %arg9[%get3A_259] {strides = array<i32>} : memref<48xi32, #tpu.memory_space<vmem>>, vector<16xi32>,
    %eq3A_261 = arith.cmpi eq, %get3A_260, %get3A_186 : vector<16xi32>
    %select_n3A_262 = arith.select %eq3A_261, %add3A_3, %mul3A_1 : vector<16xi1>, vector<16xi32>
    %add3A_263 = arith.addi %add3A_258, %select_n3A_262 : vector<16xi32>
    %gather3A_264 = tpu.vector_load_idx %arg12[%get3A_186] : memref<16xi32, #tpu.memory_space<vmem>>[vector<16xi32>], vector<16xi32>,
    %add3A_265 = arith.addi %gather3A_264, %add3A_263 : vector<16xi32>
    %add3A_266 = arith.addi %gather3A_264, %add3A_263 : vector<16xi32>
    %add3A_267 = arith.constant 1 : i32
    %add3A_268 = vector.broadcast %add3A_267 : i32 to vector<16xi32>
    %add3A_269 = arith.addi %add3A_266, %add3A_268 : vector<16xi32>
    tpu.vector_store_idx %arg12[%get3A_186], %add3A_269 : memref<16xi32, #tpu.memory_space<vmem>>[vector<16xi32>], vector<16xi32>,
    %get3A_270 = arith.constant 48 : index
    %get3A_271 = tpu.vector_load %arg8[%get3A_270] {strides = array<i32>} : memref<128xi32, #tpu.memory_space<vmem>>, vector<16xi32>,
    %swap3A_272 = arith.constant 16 : index
    %swap3A_273 = tpu.vector_load %arg9[%swap3A_272] {strides = array<i32>} : memref<48xi32, #tpu.memory_space<vmem>>, vector<16xi32>,
    tpu.vector_store %arg9[%swap3A_272], %get3A_271 {strides = array<i32>} : memref<48xi32, #tpu.memory_space<vmem>>, vector<16xi32>,
    %get3A_274 = arith.constant 15 : index
    %get3A_275 = tpu.vector_load %arg9[%get3A_274] {strides = array<i32>} : memref<48xi32, #tpu.memory_space<vmem>>, vector<16xi32>,
    %eq3A_276 = arith.cmpi eq, %get3A_275, %get3A_271 : vector<16xi32>
    %select_n3A_277 = arith.select %eq3A_276, %add3A_3, %mul3A_1 : vector<16xi1>, vector<16xi32>
    %add3A_278 = arith.addi %mul3A_1, %select_n3A_277 : vector<16xi32>
    %get3A_279 = arith.constant 14 : index
    %get3A_280 = tpu.vector_load %arg9[%get3A_279] {strides = array<i32>} : memref<48xi32, #tpu.memory_space<vmem>>, vector<16xi32>,
    %eq3A_281 = arith.cmpi eq, %get3A_280, %get3A_271 : vector<16xi32>
    %select_n3A_282 = arith.select %eq3A_281, %add3A_3, %mul3A_1 : vector<16xi1>, vector<16xi32>
    %add3A_283 = arith.addi %add3A_278, %select_n3A_282 : vector<16xi32>
    %get3A_284 = arith.constant 13 : index
    %get3A_285 = tpu.vector_load %arg9[%get3A_284] {strides = array<i32>} : memref<48xi32, #tpu.memory_space<vmem>>, vector<16xi32>,
    %eq3A_286 = arith.cmpi eq, %get3A_285, %get3A_271 : vector<16xi32>
    %select_n3A_287 = arith.select %eq3A_286, %add3A_3, %mul3A_1 : vector<16xi1>, vector<16xi32>
    %add3A_288 = arith.addi %add3A_283, %select_n3A_287 : vector<16xi32>
    %get3A_289 = arith.constant 12 : index
    %get3A_290 = tpu.vector_load %arg9[%get3A_289] {strides = array<i32>} : memref<48xi32, #tpu.memory_space<vmem>>, vector<16xi32>,
    %eq3A_291 = arith.cmpi eq, %get3A_290, %get3A_271 : vector<16xi32>
    %select_n3A_292 = arith.select %eq3A_291, %add3A_3, %mul3A_1 : vector<16xi1>, vector<16xi32>
    %add3A_293 = arith.addi %add3A_288, %select_n3A_292 : vector<16xi32>
    %get3A_294 = arith.constant 11 : index
    %get3A_295 = tpu.vector_load %arg9[%get3A_294] {strides = array<i32>} : memref<48xi32, #tpu.memory_space<vmem>>, vector<16xi32>,
    %eq3A_296 = arith.cmpi eq, %get3A_295, %get3A_271 : vector<16xi32>
    %select_n3A_297 = arith.select %eq3A_296, %add3A_3, %mul3A_1 : vector<16xi1>, vector<16xi32>
    %add3A_298 = arith.addi %add3A_293, %select_n3A_297 : vector<16xi32>
    %get3A_299 = arith.constant 10 : index
    %get3A_300 = tpu.vector_load %arg9[%get3A_299] {strides = array<i32>} : memref<48xi32, #tpu.memory_space<vmem>>, vector<16xi32>,
    %eq3A_301 = arith.cmpi eq, %get3A_300, %get3A_271 : vector<16xi32>
    %select_n3A_302 = arith.select %eq3A_301, %add3A_3, %mul3A_1 : vector<16xi1>, vector<16xi32>
    %add3A_303 = arith.addi %add3A_298, %select_n3A_302 : vector<16xi32>
    %get3A_304 = arith.constant 9 : index
    %get3A_305 = tpu.vector_load %arg9[%get3A_304] {strides = array<i32>} : memref<48xi32, #tpu.memory_space<vmem>>, vector<16xi32>,
    %eq3A_306 = arith.cmpi eq, %get3A_305, %get3A_271 : vector<16xi32>
    %select_n3A_307 = arith.select %eq3A_306, %add3A_3, %mul3A_1 : vector<16xi1>, vector<16xi32>
    %add3A_308 = arith.addi %add3A_303, %select_n3A_307 : vector<16xi32>
    %get3A_309 = arith.constant 8 : index
    %get3A_310 = tpu.vector_load %arg9[%get3A_309] {strides = array<i32>} : memref<48xi32, #tpu.memory_space<vmem>>, vector<16xi32>,
    %eq3A_311 = arith.cmpi eq, %get3A_310, %get3A_271 : vector<16xi32>
    %select_n3A_312 = arith.select %eq3A_311, %add3A_3, %mul3A_1 : vector<16xi1>, vector<16xi32>
    %add3A_313 = arith.addi %add3A_308, %select_n3A_312 : vector<16xi32>
    %get3A_314 = arith.constant 7 : index
    %get3A_315 = tpu.vector_load %arg9[%get3A_314] {strides = array<i32>} : memref<48xi32, #tpu.memory_space<vmem>>, vector<16xi32>,
    %eq3A_316 = arith.cmpi eq, %get3A_315, %get3A_271 : vector<16xi32>
    %select_n3A_317 = arith.select %eq3A_316, %add3A_3, %mul3A_1 : vector<16xi1>, vector<16xi32>
    %add3A_318 = arith.addi %add3A_313, %select_n3A_317 : vector<16xi32>
    %get3A_319 = arith.constant 6 : index
    %get3A_320 = tpu.vector_load %arg9[%get3A_319] {strides = array<i32>} : memref<48xi32, #tpu.memory_space<vmem>>, vector<16xi32>,
    %eq3A_321 = arith.cmpi eq, %get3A_320, %get3A_271 : vector<16xi32>
    %select_n3A_322 = arith.select %eq3A_321, %add3A_3, %mul3A_1 : vector<16xi1>, vector<16xi32>
    %add3A_323 = arith.addi %add3A_318, %select_n3A_322 : vector<16xi32>
    %get3A_324 = arith.constant 5 : index
    %get3A_325 = tpu.vector_load %arg9[%get3A_324] {strides = array<i32>} : memref<48xi32, #tpu.memory_space<vmem>>, vector<16xi32>,
    %eq3A_326 = arith.cmpi eq, %get3A_325, %get3A_271 : vector<16xi32>
    %select_n3A_327 = arith.select %eq3A_326, %add3A_3, %mul3A_1 : vector<16xi1>, vector<16xi32>
    %add3A_328 = arith.addi %add3A_323, %select_n3A_327 : vector<16xi32>
    %get3A_329 = arith.constant 4 : index
    %get3A_330 = tpu.vector_load %arg9[%get3A_329] {strides = array<i32>} : memref<48xi32, #tpu.memory_space<vmem>>, vector<16xi32>,
    %eq3A_331 = arith.cmpi eq, %get3A_330, %get3A_271 : vector<16xi32>
    %select_n3A_332 = arith.select %eq3A_331, %add3A_3, %mul3A_1 : vector<16xi1>, vector<16xi32>
    %add3A_333 = arith.addi %add3A_328, %select_n3A_332 : vector<16xi32>
    %get3A_334 = arith.constant 3 : index
    %get3A_335 = tpu.vector_load %arg9[%get3A_334] {strides = array<i32>} : memref<48xi32, #tpu.memory_space<vmem>>, vector<16xi32>,
    %eq3A_336 = arith.cmpi eq, %get3A_335, %get3A_271 : vector<16xi32>
    %select_n3A_337 = arith.select %eq3A_336, %add3A_3, %mul3A_1 : vector<16xi1>, vector<16xi32>
    %add3A_338 = arith.addi %add3A_333, %select_n3A_337 : vector<16xi32>
    %get3A_339 = arith.constant 2 : index
    %get3A_340 = tpu.vector_load %arg9[%get3A_339] {strides = array<i32>} : memref<48xi32, #tpu.memory_space<vmem>>, vector<16xi32>,
    %eq3A_341 = arith.cmpi eq, %get3A_340, %get3A_271 : vector<16xi32>
    %select_n3A_342 = arith.select %eq3A_341, %add3A_3, %mul3A_1 : vector<16xi1>, vector<16xi32>
    %add3A_343 = arith.addi %add3A_338, %select_n3A_342 : vector<16xi32>
    %get3A_344 = arith.constant 1 : index
    %get3A_345 = tpu.vector_load %arg9[%get3A_344] {strides = array<i32>} : memref<48xi32, #tpu.memory_space<vmem>>, vector<16xi32>,
    %eq3A_346 = arith.cmpi eq, %get3A_345, %get3A_271 : vector<16xi32>
    %select_n3A_347 = arith.select %eq3A_346, %add3A_3, %mul3A_1 : vector<16xi1>, vector<16xi32>
    %add3A_348 = arith.addi %add3A_343, %select_n3A_347 : vector<16xi32>
    %gather3A_349 = tpu.vector_load_idx %arg12[%get3A_271] : memref<16xi32, #tpu.memory_space<vmem>>[vector<16xi32>], vector<16xi32>,
    %add3A_350 = arith.addi %gather3A_349, %add3A_348 : vector<16xi32>
    %add3A_351 = arith.addi %gather3A_349, %add3A_348 : vector<16xi32>
    %add3A_352 = arith.constant 1 : i32
    %add3A_353 = vector.broadcast %add3A_352 : i32 to vector<16xi32>
    %add3A_354 = arith.addi %add3A_351, %add3A_353 : vector<16xi32>
    tpu.vector_store_idx %arg12[%get3A_271], %add3A_354 : memref<16xi32, #tpu.memory_space<vmem>>[vector<16xi32>], vector<16xi32>,
    %get3A_355 = arith.constant 0 : index
    %get3A_356 = tpu.vector_load %arg12[%get3A_355] {strides = array<i32>} : memref<16xi32, #tpu.memory_space<vmem>>, vector<16xi32>,
    %swap3A_357 = arith.constant 0 : i32
    %swap3A_358 = arith.index_cast %swap3A_357 : i32 to index
    %swap3A_359 = arith.constant 0 : index
    %swap3A_360 = tpu.vector_load %arg10[%swap3A_358, %swap3A_359] {strides = array<i32>} : memref<2x16xi32, #tpu.memory_space<vmem>>, vector<16xi32>,
    tpu.vector_store %arg10[%swap3A_358, %swap3A_359], %get3A_356 {strides = array<i32>} : memref<2x16xi32, #tpu.memory_space<vmem>>, vector<16xi32>,
    %swap3A_361 = arith.constant 0 : index
    %swap3A_362 = tpu.vector_load %arg12[%swap3A_361] {strides = array<i32>} : memref<16xi32, #tpu.memory_space<vmem>>, vector<16xi32>,
    tpu.vector_store %arg12[%swap3A_361], %mul3A_1 {strides = array<i32>} : memref<16xi32, #tpu.memory_space<vmem>>, vector<16xi32>,
    %get3A_363 = arith.constant 64 : index
    %get3A_364 = tpu.vector_load %arg8[%get3A_363] {strides = array<i32>} : memref<128xi32, #tpu.memory_space<vmem>>, vector<16xi32>,
    %swap3A_365 = arith.constant 16 : index
    %swap3A_366 = tpu.vector_load %arg9[%swap3A_365] {strides = array<i32>} : memref<48xi32, #tpu.memory_space<vmem>>, vector<16xi32>,
    tpu.vector_store %arg9[%swap3A_365], %get3A_364 {strides = array<i32>} : memref<48xi32, #tpu.memory_space<vmem>>, vector<16xi32>,
    %get3A_367 = arith.constant 15 : index
    %get3A_368 = tpu.vector_load %arg9[%get3A_367] {strides = array<i32>} : memref<48xi32, #tpu.memory_space<vmem>>, vector<16xi32>,
    %eq3A_369 = arith.cmpi eq, %get3A_368, %get3A_364 : vector<16xi32>
    %select_n3A_370 = arith.select %eq3A_369, %add3A_3, %mul3A_1 : vector<16xi1>, vector<16xi32>
    %add3A_371 = arith.addi %mul3A_1, %select_n3A_370 : vector<16xi32>
    %get3A_372 = arith.constant 14 : index
    %get3A_373 = tpu.vector_load %arg9[%get3A_372] {strides = array<i32>} : memref<48xi32, #tpu.memory_space<vmem>>, vector<16xi32>,
    %eq3A_374 = arith.cmpi eq, %get3A_373, %get3A_364 : vector<16xi32>
    %select_n3A_375 = arith.select %eq3A_374, %add3A_3, %mul3A_1 : vector<16xi1>, vector<16xi32>
    %add3A_376 = arith.addi %add3A_371, %select_n3A_375 : vector<16xi32>
    %get3A_377 = arith.constant 13 : index
    %get3A_378 = tpu.vector_load %arg9[%get3A_377] {strides = array<i32>} : memref<48xi32, #tpu.memory_space<vmem>>, vector<16xi32>,
    %eq3A_379 = arith.cmpi eq, %get3A_378, %get3A_364 : vector<16xi32>
    %select_n3A_380 = arith.select %eq3A_379, %add3A_3, %mul3A_1 : vector<16xi1>, vector<16xi32>
    %add3A_381 = arith.addi %add3A_376, %select_n3A_380 : vector<16xi32>
    %get3A_382 = arith.constant 12 : index
    %get3A_383 = tpu.vector_load %arg9[%get3A_382] {strides = array<i32>} : memref<48xi32, #tpu.memory_space<vmem>>, vector<16xi32>,
    %eq3A_384 = arith.cmpi eq, %get3A_383, %get3A_364 : vector<16xi32>
    %select_n3A_385 = arith.select %eq3A_384, %add3A_3, %mul3A_1 : vector<16xi1>, vector<16xi32>
    %add3A_386 = arith.addi %add3A_381, %select_n3A_385 : vector<16xi32>
    %get3A_387 = arith.constant 11 : index
    %get3A_388 = tpu.vector_load %arg9[%get3A_387] {strides = array<i32>} : memref<48xi32, #tpu.memory_space<vmem>>, vector<16xi32>,
    %eq3A_389 = arith.cmpi eq, %get3A_388, %get3A_364 : vector<16xi32>
    %select_n3A_390 = arith.select %eq3A_389, %add3A_3, %mul3A_1 : vector<16xi1>, vector<16xi32>
    %add3A_391 = arith.addi %add3A_386, %select_n3A_390 : vector<16xi32>
    %get3A_392 = arith.constant 10 : index
    %get3A_393 = tpu.vector_load %arg9[%get3A_392] {strides = array<i32>} : memref<48xi32, #tpu.memory_space<vmem>>, vector<16xi32>,
    %eq3A_394 = arith.cmpi eq, %get3A_393, %get3A_364 : vector<16xi32>
    %select_n3A_395 = arith.select %eq3A_394, %add3A_3, %mul3A_1 : vector<16xi1>, vector<16xi32>
    %add3A_396 = arith.addi %add3A_391, %select_n3A_395 : vector<16xi32>
    %get3A_397 = arith.constant 9 : index
    %get3A_398 = tpu.vector_load %arg9[%get3A_397] {strides = array<i32>} : memref<48xi32, #tpu.memory_space<vmem>>, vector<16xi32>,
    %eq3A_399 = arith.cmpi eq, %get3A_398, %get3A_364 : vector<16xi32>
    %select_n3A_400 = arith.select %eq3A_399, %add3A_3, %mul3A_1 : vector<16xi1>, vector<16xi32>
    %add3A_401 = arith.addi %add3A_396, %select_n3A_400 : vector<16xi32>
    %get3A_402 = arith.constant 8 : index
    %get3A_403 = tpu.vector_load %arg9[%get3A_402] {strides = array<i32>} : memref<48xi32, #tpu.memory_space<vmem>>, vector<16xi32>,
    %eq3A_404 = arith.cmpi eq, %get3A_403, %get3A_364 : vector<16xi32>
    %select_n3A_405 = arith.select %eq3A_404, %add3A_3, %mul3A_1 : vector<16xi1>, vector<16xi32>
    %add3A_406 = arith.addi %add3A_401, %select_n3A_405 : vector<16xi32>
    %get3A_407 = arith.constant 7 : index
    %get3A_408 = tpu.vector_load %arg9[%get3A_407] {strides = array<i32>} : memref<48xi32, #tpu.memory_space<vmem>>, vector<16xi32>,
    %eq3A_409 = arith.cmpi eq, %get3A_408, %get3A_364 : vector<16xi32>
    %select_n3A_410 = arith.select %eq3A_409, %add3A_3, %mul3A_1 : vector<16xi1>, vector<16xi32>
    %add3A_411 = arith.addi %add3A_406, %select_n3A_410 : vector<16xi32>
    %get3A_412 = arith.constant 6 : index
    %get3A_413 = tpu.vector_load %arg9[%get3A_412] {strides = array<i32>} : memref<48xi32, #tpu.memory_space<vmem>>, vector<16xi32>,
    %eq3A_414 = arith.cmpi eq, %get3A_413, %get3A_364 : vector<16xi32>
    %select_n3A_415 = arith.select %eq3A_414, %add3A_3, %mul3A_1 : vector<16xi1>, vector<16xi32>
    %add3A_416 = arith.addi %add3A_411, %select_n3A_415 : vector<16xi32>
    %get3A_417 = arith.constant 5 : index
    %get3A_418 = tpu.vector_load %arg9[%get3A_417] {strides = array<i32>} : memref<48xi32, #tpu.memory_space<vmem>>, vector<16xi32>,
    %eq3A_419 = arith.cmpi eq, %get3A_418, %get3A_364 : vector<16xi32>
    %select_n3A_420 = arith.select %eq3A_419, %add3A_3, %mul3A_1 : vector<16xi1>, vector<16xi32>
    %add3A_421 = arith.addi %add3A_416, %select_n3A_420 : vector<16xi32>
    %get3A_422 = arith.constant 4 : index
    %get3A_423 = tpu.vector_load %arg9[%get3A_422] {strides = array<i32>} : memref<48xi32, #tpu.memory_space<vmem>>, vector<16xi32>,
    %eq3A_424 = arith.cmpi eq, %get3A_423, %get3A_364 : vector<16xi32>
    %select_n3A_425 = arith.select %eq3A_424, %add3A_3, %mul3A_1 : vector<16xi1>, vector<16xi32>
    %add3A_426 = arith.addi %add3A_421, %select_n3A_425 : vector<16xi32>
    %get3A_427 = arith.constant 3 : index
    %get3A_428 = tpu.vector_load %arg9[%get3A_427] {strides = array<i32>} : memref<48xi32, #tpu.memory_space<vmem>>, vector<16xi32>,
    %eq3A_429 = arith.cmpi eq, %get3A_428, %get3A_364 : vector<16xi32>
    %select_n3A_430 = arith.select %eq3A_429, %add3A_3, %mul3A_1 : vector<16xi1>, vector<16xi32>
    %add3A_431 = arith.addi %add3A_426, %select_n3A_430 : vector<16xi32>
    %get3A_432 = arith.constant 2 : index
    %get3A_433 = tpu.vector_load %arg9[%get3A_432] {strides = array<i32>} : memref<48xi32, #tpu.memory_space<vmem>>, vector<16xi32>,
    %eq3A_434 = arith.cmpi eq, %get3A_433, %get3A_364 : vector<16xi32>
    %select_n3A_435 = arith.select %eq3A_434, %add3A_3, %mul3A_1 : vector<16xi1>, vector<16xi32>
    %add3A_436 = arith.addi %add3A_431, %select_n3A_435 : vector<16xi32>
    %get3A_437 = arith.constant 1 : index
    %get3A_438 = tpu.vector_load %arg9[%get3A_437] {strides = array<i32>} : memref<48xi32, #tpu.memory_space<vmem>>, vector<16xi32>,
    %eq3A_439 = arith.cmpi eq, %get3A_438, %get3A_364 : vector<16xi32>
    %select_n3A_440 = arith.select %eq3A_439, %add3A_3, %mul3A_1 : vector<16xi1>, vector<16xi32>
    %add3A_441 = arith.addi %add3A_436, %select_n3A_440 : vector<16xi32>
    %gather3A_442 = tpu.vector_load_idx %arg12[%get3A_364] : memref<16xi32, #tpu.memory_space<vmem>>[vector<16xi32>], vector<16xi32>,
    %add3A_443 = arith.addi %gather3A_442, %add3A_441 : vector<16xi32>
    %add3A_444 = arith.addi %gather3A_442, %add3A_441 : vector<16xi32>
    %add3A_445 = arith.constant 1 : i32
    %add3A_446 = vector.broadcast %add3A_445 : i32 to vector<16xi32>
    %add3A_447 = arith.addi %add3A_444, %add3A_446 : vector<16xi32>
    tpu.vector_store_idx %arg12[%get3A_364], %add3A_447 : memref<16xi32, #tpu.memory_space<vmem>>[vector<16xi32>], vector<16xi32>,
    %get3A_448 = arith.constant 80 : index
    %get3A_449 = tpu.vector_load %arg8[%get3A_448] {strides = array<i32>} : memref<128xi32, #tpu.memory_space<vmem>>, vector<16xi32>,
    %swap3A_450 = arith.constant 16 : index
    %swap3A_451 = tpu.vector_load %arg9[%swap3A_450] {strides = array<i32>} : memref<48xi32, #tpu.memory_space<vmem>>, vector<16xi32>,
    tpu.vector_store %arg9[%swap3A_450], %get3A_449 {strides = array<i32>} : memref<48xi32, #tpu.memory_space<vmem>>, vector<16xi32>,
    %get3A_452 = arith.constant 15 : index
    %get3A_453 = tpu.vector_load %arg9[%get3A_452] {strides = array<i32>} : memref<48xi32, #tpu.memory_space<vmem>>, vector<16xi32>,
    %eq3A_454 = arith.cmpi eq, %get3A_453, %get3A_449 : vector<16xi32>
    %select_n3A_455 = arith.select %eq3A_454, %add3A_3, %mul3A_1 : vector<16xi1>, vector<16xi32>
    %add3A_456 = arith.addi %mul3A_1, %select_n3A_455 : vector<16xi32>
    %get3A_457 = arith.constant 14 : index
    %get3A_458 = tpu.vector_load %arg9[%get3A_457] {strides = array<i32>} : memref<48xi32, #tpu.memory_space<vmem>>, vector<16xi32>,
    %eq3A_459 = arith.cmpi eq, %get3A_458, %get3A_449 : vector<16xi32>
    %select_n3A_460 = arith.select %eq3A_459, %add3A_3, %mul3A_1 : vector<16xi1>, vector<16xi32>
    %add3A_461 = arith.addi %add3A_456, %select_n3A_460 : vector<16xi32>
    %get3A_462 = arith.constant 13 : index
    %get3A_463 = tpu.vector_load %arg9[%get3A_462] {strides = array<i32>} : memref<48xi32, #tpu.memory_space<vmem>>, vector<16xi32>,
    %eq3A_464 = arith.cmpi eq, %get3A_463, %get3A_449 : vector<16xi32>
    %select_n3A_465 = arith.select %eq3A_464, %add3A_3, %mul3A_1 : vector<16xi1>, vector<16xi32>
    %add3A_466 = arith.addi %add3A_461, %select_n3A_465 : vector<16xi32>
    %get3A_467 = arith.constant 12 : index
    %get3A_468 = tpu.vector_load %arg9[%get3A_467] {strides = array<i32>} : memref<48xi32, #tpu.memory_space<vmem>>, vector<16xi32>,
    %eq3A_469 = arith.cmpi eq, %get3A_468, %get3A_449 : vector<16xi32>
    %select_n3A_470 = arith.select %eq3A_469, %add3A_3, %mul3A_1 : vector<16xi1>, vector<16xi32>
    %add3A_471 = arith.addi %add3A_466, %select_n3A_470 : vector<16xi32>
    %get3A_472 = arith.constant 11 : index
    %get3A_473 = tpu.vector_load %arg9[%get3A_472] {strides = array<i32>} : memref<48xi32, #tpu.memory_space<vmem>>, vector<16xi32>,
    %eq3A_474 = arith.cmpi eq, %get3A_473, %get3A_449 : vector<16xi32>
    %select_n3A_475 = arith.select %eq3A_474, %add3A_3, %mul3A_1 : vector<16xi1>, vector<16xi32>
    %add3A_476 = arith.addi %add3A_471, %select_n3A_475 : vector<16xi32>
    %get3A_477 = arith.constant 10 : index
    %get3A_478 = tpu.vector_load %arg9[%get3A_477] {strides = array<i32>} : memref<48xi32, #tpu.memory_space<vmem>>, vector<16xi32>,
    %eq3A_479 = arith.cmpi eq, %get3A_478, %get3A_449 : vector<16xi32>
    %select_n3A_480 = arith.select %eq3A_479, %add3A_3, %mul3A_1 : vector<16xi1>, vector<16xi32>
    %add3A_481 = arith.addi %add3A_476, %select_n3A_480 : vector<16xi32>
    %get3A_482 = arith.constant 9 : index
    %get3A_483 = tpu.vector_load %arg9[%get3A_482] {strides = array<i32>} : memref<48xi32, #tpu.memory_space<vmem>>, vector<16xi32>,
    %eq3A_484 = arith.cmpi eq, %get3A_483, %get3A_449 : vector<16xi32>
    %select_n3A_485 = arith.select %eq3A_484, %add3A_3, %mul3A_1 : vector<16xi1>, vector<16xi32>
    %add3A_486 = arith.addi %add3A_481, %select_n3A_485 : vector<16xi32>
    %get3A_487 = arith.constant 8 : index
    %get3A_488 = tpu.vector_load %arg9[%get3A_487] {strides = array<i32>} : memref<48xi32, #tpu.memory_space<vmem>>, vector<16xi32>,
    %eq3A_489 = arith.cmpi eq, %get3A_488, %get3A_449 : vector<16xi32>
    %select_n3A_490 = arith.select %eq3A_489, %add3A_3, %mul3A_1 : vector<16xi1>, vector<16xi32>
    %add3A_491 = arith.addi %add3A_486, %select_n3A_490 : vector<16xi32>
    %get3A_492 = arith.constant 7 : index
    %get3A_493 = tpu.vector_load %arg9[%get3A_492] {strides = array<i32>} : memref<48xi32, #tpu.memory_space<vmem>>, vector<16xi32>,
    %eq3A_494 = arith.cmpi eq, %get3A_493, %get3A_449 : vector<16xi32>
    %select_n3A_495 = arith.select %eq3A_494, %add3A_3, %mul3A_1 : vector<16xi1>, vector<16xi32>
    %add3A_496 = arith.addi %add3A_491, %select_n3A_495 : vector<16xi32>
    %get3A_497 = arith.constant 6 : index
    %get3A_498 = tpu.vector_load %arg9[%get3A_497] {strides = array<i32>} : memref<48xi32, #tpu.memory_space<vmem>>, vector<16xi32>,
    %eq3A_499 = arith.cmpi eq, %get3A_498, %get3A_449 : vector<16xi32>
    %select_n3A_500 = arith.select %eq3A_499, %add3A_3, %mul3A_1 : vector<16xi1>, vector<16xi32>
    %add3A_501 = arith.addi %add3A_496, %select_n3A_500 : vector<16xi32>
    %get3A_502 = arith.constant 5 : index
    %get3A_503 = tpu.vector_load %arg9[%get3A_502] {strides = array<i32>} : memref<48xi32, #tpu.memory_space<vmem>>, vector<16xi32>,
    %eq3A_504 = arith.cmpi eq, %get3A_503, %get3A_449 : vector<16xi32>
    %select_n3A_505 = arith.select %eq3A_504, %add3A_3, %mul3A_1 : vector<16xi1>, vector<16xi32>
    %add3A_506 = arith.addi %add3A_501, %select_n3A_505 : vector<16xi32>
    %get3A_507 = arith.constant 4 : index
    %get3A_508 = tpu.vector_load %arg9[%get3A_507] {strides = array<i32>} : memref<48xi32, #tpu.memory_space<vmem>>, vector<16xi32>,
    %eq3A_509 = arith.cmpi eq, %get3A_508, %get3A_449 : vector<16xi32>
    %select_n3A_510 = arith.select %eq3A_509, %add3A_3, %mul3A_1 : vector<16xi1>, vector<16xi32>
    %add3A_511 = arith.addi %add3A_506, %select_n3A_510 : vector<16xi32>
    %get3A_512 = arith.constant 3 : index
    %get3A_513 = tpu.vector_load %arg9[%get3A_512] {strides = array<i32>} : memref<48xi32, #tpu.memory_space<vmem>>, vector<16xi32>,
    %eq3A_514 = arith.cmpi eq, %get3A_513, %get3A_449 : vector<16xi32>
    %select_n3A_515 = arith.select %eq3A_514, %add3A_3, %mul3A_1 : vector<16xi1>, vector<16xi32>
    %add3A_516 = arith.addi %add3A_511, %select_n3A_515 : vector<16xi32>
    %get3A_517 = arith.constant 2 : index
    %get3A_518 = tpu.vector_load %arg9[%get3A_517] {strides = array<i32>} : memref<48xi32, #tpu.memory_space<vmem>>, vector<16xi32>,
    %eq3A_519 = arith.cmpi eq, %get3A_518, %get3A_449 : vector<16xi32>
    %select_n3A_520 = arith.select %eq3A_519, %add3A_3, %mul3A_1 : vector<16xi1>, vector<16xi32>
    %add3A_521 = arith.addi %add3A_516, %select_n3A_520 : vector<16xi32>
    %get3A_522 = arith.constant 1 : index
    %get3A_523 = tpu.vector_load %arg9[%get3A_522] {strides = array<i32>} : memref<48xi32, #tpu.memory_space<vmem>>, vector<16xi32>,
    %eq3A_524 = arith.cmpi eq, %get3A_523, %get3A_449 : vector<16xi32>
    %select_n3A_525 = arith.select %eq3A_524, %add3A_3, %mul3A_1 : vector<16xi1>, vector<16xi32>
    %add3A_526 = arith.addi %add3A_521, %select_n3A_525 : vector<16xi32>
    %gather3A_527 = tpu.vector_load_idx %arg12[%get3A_449] : memref<16xi32, #tpu.memory_space<vmem>>[vector<16xi32>], vector<16xi32>,
    %add3A_528 = arith.addi %gather3A_527, %add3A_526 : vector<16xi32>
    %add3A_529 = arith.addi %gather3A_527, %add3A_526 : vector<16xi32>
    %add3A_530 = arith.constant 1 : i32
    %add3A_531 = vector.broadcast %add3A_530 : i32 to vector<16xi32>
    %add3A_532 = arith.addi %add3A_529, %add3A_531 : vector<16xi32>
    tpu.vector_store_idx %arg12[%get3A_449], %add3A_532 : memref<16xi32, #tpu.memory_space<vmem>>[vector<16xi32>], vector<16xi32>,
    %get3A_533 = arith.constant 96 : index
    %get3A_534 = tpu.vector_load %arg8[%get3A_533] {strides = array<i32>} : memref<128xi32, #tpu.memory_space<vmem>>, vector<16xi32>,
    %swap3A_535 = arith.constant 16 : index
    %swap3A_536 = tpu.vector_load %arg9[%swap3A_535] {strides = array<i32>} : memref<48xi32, #tpu.memory_space<vmem>>, vector<16xi32>,
    tpu.vector_store %arg9[%swap3A_535], %get3A_534 {strides = array<i32>} : memref<48xi32, #tpu.memory_space<vmem>>, vector<16xi32>,
    %get3A_537 = arith.constant 15 : index
    %get3A_538 = tpu.vector_load %arg9[%get3A_537] {strides = array<i32>} : memref<48xi32, #tpu.memory_space<vmem>>, vector<16xi32>,
    %eq3A_539 = arith.cmpi eq, %get3A_538, %get3A_534 : vector<16xi32>
    %select_n3A_540 = arith.select %eq3A_539, %add3A_3, %mul3A_1 : vector<16xi1>, vector<16xi32>
    %add3A_541 = arith.addi %mul3A_1, %select_n3A_540 : vector<16xi32>
    %get3A_542 = arith.constant 14 : index
    %get3A_543 = tpu.vector_load %arg9[%get3A_542] {strides = array<i32>} : memref<48xi32, #tpu.memory_space<vmem>>, vector<16xi32>,
    %eq3A_544 = arith.cmpi eq, %get3A_543, %get3A_534 : vector<16xi32>
    %select_n3A_545 = arith.select %eq3A_544, %add3A_3, %mul3A_1 : vector<16xi1>, vector<16xi32>
    %add3A_546 = arith.addi %add3A_541, %select_n3A_545 : vector<16xi32>
    %get3A_547 = arith.constant 13 : index
    %get3A_548 = tpu.vector_load %arg9[%get3A_547] {strides = array<i32>} : memref<48xi32, #tpu.memory_space<vmem>>, vector<16xi32>,
    %eq3A_549 = arith.cmpi eq, %get3A_548, %get3A_534 : vector<16xi32>
    %select_n3A_550 = arith.select %eq3A_549, %add3A_3, %mul3A_1 : vector<16xi1>, vector<16xi32>
    %add3A_551 = arith.addi %add3A_546, %select_n3A_550 : vector<16xi32>
    %get3A_552 = arith.constant 12 : index
    %get3A_553 = tpu.vector_load %arg9[%get3A_552] {strides = array<i32>} : memref<48xi32, #tpu.memory_space<vmem>>, vector<16xi32>,
    %eq3A_554 = arith.cmpi eq, %get3A_553, %get3A_534 : vector<16xi32>
    %select_n3A_555 = arith.select %eq3A_554, %add3A_3, %mul3A_1 : vector<16xi1>, vector<16xi32>
    %add3A_556 = arith.addi %add3A_551, %select_n3A_555 : vector<16xi32>
    %get3A_557 = arith.constant 11 : index
    %get3A_558 = tpu.vector_load %arg9[%get3A_557] {strides = array<i32>} : memref<48xi32, #tpu.memory_space<vmem>>, vector<16xi32>,
    %eq3A_559 = arith.cmpi eq, %get3A_558, %get3A_534 : vector<16xi32>
    %select_n3A_560 = arith.select %eq3A_559, %add3A_3, %mul3A_1 : vector<16xi1>, vector<16xi32>
    %add3A_561 = arith.addi %add3A_556, %select_n3A_560 : vector<16xi32>
    %get3A_562 = arith.constant 10 : index
    %get3A_563 = tpu.vector_load %arg9[%get3A_562] {strides = array<i32>} : memref<48xi32, #tpu.memory_space<vmem>>, vector<16xi32>,
    %eq3A_564 = arith.cmpi eq, %get3A_563, %get3A_534 : vector<16xi32>
    %select_n3A_565 = arith.select %eq3A_564, %add3A_3, %mul3A_1 : vector<16xi1>, vector<16xi32>
    %add3A_566 = arith.addi %add3A_561, %select_n3A_565 : vector<16xi32>
    %get3A_567 = arith.constant 9 : index
    %get3A_568 = tpu.vector_load %arg9[%get3A_567] {strides = array<i32>} : memref<48xi32, #tpu.memory_space<vmem>>, vector<16xi32>,
    %eq3A_569 = arith.cmpi eq, %get3A_568, %get3A_534 : vector<16xi32>
    %select_n3A_570 = arith.select %eq3A_569, %add3A_3, %mul3A_1 : vector<16xi1>, vector<16xi32>
    %add3A_571 = arith.addi %add3A_566, %select_n3A_570 : vector<16xi32>
    %get3A_572 = arith.constant 8 : index
    %get3A_573 = tpu.vector_load %arg9[%get3A_572] {strides = array<i32>} : memref<48xi32, #tpu.memory_space<vmem>>, vector<16xi32>,
    %eq3A_574 = arith.cmpi eq, %get3A_573, %get3A_534 : vector<16xi32>
    %select_n3A_575 = arith.select %eq3A_574, %add3A_3, %mul3A_1 : vector<16xi1>, vector<16xi32>
    %add3A_576 = arith.addi %add3A_571, %select_n3A_575 : vector<16xi32>
    %get3A_577 = arith.constant 7 : index
    %get3A_578 = tpu.vector_load %arg9[%get3A_577] {strides = array<i32>} : memref<48xi32, #tpu.memory_space<vmem>>, vector<16xi32>,
    %eq3A_579 = arith.cmpi eq, %get3A_578, %get3A_534 : vector<16xi32>
    %select_n3A_580 = arith.select %eq3A_579, %add3A_3, %mul3A_1 : vector<16xi1>, vector<16xi32>
    %add3A_581 = arith.addi %add3A_576, %select_n3A_580 : vector<16xi32>
    %get3A_582 = arith.constant 6 : index
    %get3A_583 = tpu.vector_load %arg9[%get3A_582] {strides = array<i32>} : memref<48xi32, #tpu.memory_space<vmem>>, vector<16xi32>,
    %eq3A_584 = arith.cmpi eq, %get3A_583, %get3A_534 : vector<16xi32>
    %select_n3A_585 = arith.select %eq3A_584, %add3A_3, %mul3A_1 : vector<16xi1>, vector<16xi32>
    %add3A_586 = arith.addi %add3A_581, %select_n3A_585 : vector<16xi32>
    %get3A_587 = arith.constant 5 : index
    %get3A_588 = tpu.vector_load %arg9[%get3A_587] {strides = array<i32>} : memref<48xi32, #tpu.memory_space<vmem>>, vector<16xi32>,
    %eq3A_589 = arith.cmpi eq, %get3A_588, %get3A_534 : vector<16xi32>
    %select_n3A_590 = arith.select %eq3A_589, %add3A_3, %mul3A_1 : vector<16xi1>, vector<16xi32>
    %add3A_591 = arith.addi %add3A_586, %select_n3A_590 : vector<16xi32>
    %get3A_592 = arith.constant 4 : index
    %get3A_593 = tpu.vector_load %arg9[%get3A_592] {strides = array<i32>} : memref<48xi32, #tpu.memory_space<vmem>>, vector<16xi32>,
    %eq3A_594 = arith.cmpi eq, %get3A_593, %get3A_534 : vector<16xi32>
    %select_n3A_595 = arith.select %eq3A_594, %add3A_3, %mul3A_1 : vector<16xi1>, vector<16xi32>
    %add3A_596 = arith.addi %add3A_591, %select_n3A_595 : vector<16xi32>
    %get3A_597 = arith.constant 3 : index
    %get3A_598 = tpu.vector_load %arg9[%get3A_597] {strides = array<i32>} : memref<48xi32, #tpu.memory_space<vmem>>, vector<16xi32>,
    %eq3A_599 = arith.cmpi eq, %get3A_598, %get3A_534 : vector<16xi32>
    %select_n3A_600 = arith.select %eq3A_599, %add3A_3, %mul3A_1 : vector<16xi1>, vector<16xi32>
    %add3A_601 = arith.addi %add3A_596, %select_n3A_600 : vector<16xi32>
    %get3A_602 = arith.constant 2 : index
    %get3A_603 = tpu.vector_load %arg9[%get3A_602] {strides = array<i32>} : memref<48xi32, #tpu.memory_space<vmem>>, vector<16xi32>,
    %eq3A_604 = arith.cmpi eq, %get3A_603, %get3A_534 : vector<16xi32>
    %select_n3A_605 = arith.select %eq3A_604, %add3A_3, %mul3A_1 : vector<16xi1>, vector<16xi32>
    %add3A_606 = arith.addi %add3A_601, %select_n3A_605 : vector<16xi32>
    %get3A_607 = arith.constant 1 : index
    %get3A_608 = tpu.vector_load %arg9[%get3A_607] {strides = array<i32>} : memref<48xi32, #tpu.memory_space<vmem>>, vector<16xi32>,
    %eq3A_609 = arith.cmpi eq, %get3A_608, %get3A_534 : vector<16xi32>
    %select_n3A_610 = arith.select %eq3A_609, %add3A_3, %mul3A_1 : vector<16xi1>, vector<16xi32>
    %add3A_611 = arith.addi %add3A_606, %select_n3A_610 : vector<16xi32>
    %gather3A_612 = tpu.vector_load_idx %arg12[%get3A_534] : memref<16xi32, #tpu.memory_space<vmem>>[vector<16xi32>], vector<16xi32>,
    %add3A_613 = arith.addi %gather3A_612, %add3A_611 : vector<16xi32>
    %add3A_614 = arith.addi %gather3A_612, %add3A_611 : vector<16xi32>
    %add3A_615 = arith.constant 1 : i32
    %add3A_616 = vector.broadcast %add3A_615 : i32 to vector<16xi32>
    %add3A_617 = arith.addi %add3A_614, %add3A_616 : vector<16xi32>
    tpu.vector_store_idx %arg12[%get3A_534], %add3A_617 : memref<16xi32, #tpu.memory_space<vmem>>[vector<16xi32>], vector<16xi32>,
    %get3A_618 = arith.constant 112 : index
    %get3A_619 = tpu.vector_load %arg8[%get3A_618] {strides = array<i32>} : memref<128xi32, #tpu.memory_space<vmem>>, vector<16xi32>,
    %swap3A_620 = arith.constant 16 : index
    %swap3A_621 = tpu.vector_load %arg9[%swap3A_620] {strides = array<i32>} : memref<48xi32, #tpu.memory_space<vmem>>, vector<16xi32>,
    tpu.vector_store %arg9[%swap3A_620], %get3A_619 {strides = array<i32>} : memref<48xi32, #tpu.memory_space<vmem>>, vector<16xi32>,
    %get3A_622 = arith.constant 15 : index
    %get3A_623 = tpu.vector_load %arg9[%get3A_622] {strides = array<i32>} : memref<48xi32, #tpu.memory_space<vmem>>, vector<16xi32>,
    %eq3A_624 = arith.cmpi eq, %get3A_623, %get3A_619 : vector<16xi32>
    %select_n3A_625 = arith.select %eq3A_624, %add3A_3, %mul3A_1 : vector<16xi1>, vector<16xi32>
    %add3A_626 = arith.addi %mul3A_1, %select_n3A_625 : vector<16xi32>
    %get3A_627 = arith.constant 14 : index
    %get3A_628 = tpu.vector_load %arg9[%get3A_627] {strides = array<i32>} : memref<48xi32, #tpu.memory_space<vmem>>, vector<16xi32>,
    %eq3A_629 = arith.cmpi eq, %get3A_628, %get3A_619 : vector<16xi32>
    %select_n3A_630 = arith.select %eq3A_629, %add3A_3, %mul3A_1 : vector<16xi1>, vector<16xi32>
    %add3A_631 = arith.addi %add3A_626, %select_n3A_630 : vector<16xi32>
    %get3A_632 = arith.constant 13 : index
    %get3A_633 = tpu.vector_load %arg9[%get3A_632] {strides = array<i32>} : memref<48xi32, #tpu.memory_space<vmem>>, vector<16xi32>,
    %eq3A_634 = arith.cmpi eq, %get3A_633, %get3A_619 : vector<16xi32>
    %select_n3A_635 = arith.select %eq3A_634, %add3A_3, %mul3A_1 : vector<16xi1>, vector<16xi32>
    %add3A_636 = arith.addi %add3A_631, %select_n3A_635 : vector<16xi32>
    %get3A_637 = arith.constant 12 : index
    %get3A_638 = tpu.vector_load %arg9[%get3A_637] {strides = array<i32>} : memref<48xi32, #tpu.memory_space<vmem>>, vector<16xi32>,
    %eq3A_639 = arith.cmpi eq, %get3A_638, %get3A_619 : vector<16xi32>
    %select_n3A_640 = arith.select %eq3A_639, %add3A_3, %mul3A_1 : vector<16xi1>, vector<16xi32>
    %add3A_641 = arith.addi %add3A_636, %select_n3A_640 : vector<16xi32>
    %get3A_642 = arith.constant 11 : index
    %get3A_643 = tpu.vector_load %arg9[%get3A_642] {strides = array<i32>} : memref<48xi32, #tpu.memory_space<vmem>>, vector<16xi32>,
    %eq3A_644 = arith.cmpi eq, %get3A_643, %get3A_619 : vector<16xi32>
    %select_n3A_645 = arith.select %eq3A_644, %add3A_3, %mul3A_1 : vector<16xi1>, vector<16xi32>
    %add3A_646 = arith.addi %add3A_641, %select_n3A_645 : vector<16xi32>
    %get3A_647 = arith.constant 10 : index
    %get3A_648 = tpu.vector_load %arg9[%get3A_647] {strides = array<i32>} : memref<48xi32, #tpu.memory_space<vmem>>, vector<16xi32>,
    %eq3A_649 = arith.cmpi eq, %get3A_648, %get3A_619 : vector<16xi32>
    %select_n3A_650 = arith.select %eq3A_649, %add3A_3, %mul3A_1 : vector<16xi1>, vector<16xi32>
    %add3A_651 = arith.addi %add3A_646, %select_n3A_650 : vector<16xi32>
    %get3A_652 = arith.constant 9 : index
    %get3A_653 = tpu.vector_load %arg9[%get3A_652] {strides = array<i32>} : memref<48xi32, #tpu.memory_space<vmem>>, vector<16xi32>,
    %eq3A_654 = arith.cmpi eq, %get3A_653, %get3A_619 : vector<16xi32>
    %select_n3A_655 = arith.select %eq3A_654, %add3A_3, %mul3A_1 : vector<16xi1>, vector<16xi32>
    %add3A_656 = arith.addi %add3A_651, %select_n3A_655 : vector<16xi32>
    %get3A_657 = arith.constant 8 : index
    %get3A_658 = tpu.vector_load %arg9[%get3A_657] {strides = array<i32>} : memref<48xi32, #tpu.memory_space<vmem>>, vector<16xi32>,
    %eq3A_659 = arith.cmpi eq, %get3A_658, %get3A_619 : vector<16xi32>
    %select_n3A_660 = arith.select %eq3A_659, %add3A_3, %mul3A_1 : vector<16xi1>, vector<16xi32>
    %add3A_661 = arith.addi %add3A_656, %select_n3A_660 : vector<16xi32>
    %get3A_662 = arith.constant 7 : index
    %get3A_663 = tpu.vector_load %arg9[%get3A_662] {strides = array<i32>} : memref<48xi32, #tpu.memory_space<vmem>>, vector<16xi32>,
    %eq3A_664 = arith.cmpi eq, %get3A_663, %get3A_619 : vector<16xi32>
    %select_n3A_665 = arith.select %eq3A_664, %add3A_3, %mul3A_1 : vector<16xi1>, vector<16xi32>
    %add3A_666 = arith.addi %add3A_661, %select_n3A_665 : vector<16xi32>
    %get3A_667 = arith.constant 6 : index
    %get3A_668 = tpu.vector_load %arg9[%get3A_667] {strides = array<i32>} : memref<48xi32, #tpu.memory_space<vmem>>, vector<16xi32>,
    %eq3A_669 = arith.cmpi eq, %get3A_668, %get3A_619 : vector<16xi32>
    %select_n3A_670 = arith.select %eq3A_669, %add3A_3, %mul3A_1 : vector<16xi1>, vector<16xi32>
    %add3A_671 = arith.addi %add3A_666, %select_n3A_670 : vector<16xi32>
    %get3A_672 = arith.constant 5 : index
    %get3A_673 = tpu.vector_load %arg9[%get3A_672] {strides = array<i32>} : memref<48xi32, #tpu.memory_space<vmem>>, vector<16xi32>,
    %eq3A_674 = arith.cmpi eq, %get3A_673, %get3A_619 : vector<16xi32>
    %select_n3A_675 = arith.select %eq3A_674, %add3A_3, %mul3A_1 : vector<16xi1>, vector<16xi32>
    %add3A_676 = arith.addi %add3A_671, %select_n3A_675 : vector<16xi32>
    %get3A_677 = arith.constant 4 : index
    %get3A_678 = tpu.vector_load %arg9[%get3A_677] {strides = array<i32>} : memref<48xi32, #tpu.memory_space<vmem>>, vector<16xi32>,
    %eq3A_679 = arith.cmpi eq, %get3A_678, %get3A_619 : vector<16xi32>
    %select_n3A_680 = arith.select %eq3A_679, %add3A_3, %mul3A_1 : vector<16xi1>, vector<16xi32>
    %add3A_681 = arith.addi %add3A_676, %select_n3A_680 : vector<16xi32>
    %get3A_682 = arith.constant 3 : index
    %get3A_683 = tpu.vector_load %arg9[%get3A_682] {strides = array<i32>} : memref<48xi32, #tpu.memory_space<vmem>>, vector<16xi32>,
    %eq3A_684 = arith.cmpi eq, %get3A_683, %get3A_619 : vector<16xi32>
    %select_n3A_685 = arith.select %eq3A_684, %add3A_3, %mul3A_1 : vector<16xi1>, vector<16xi32>
    %add3A_686 = arith.addi %add3A_681, %select_n3A_685 : vector<16xi32>
    %get3A_687 = arith.constant 2 : index
    %get3A_688 = tpu.vector_load %arg9[%get3A_687] {strides = array<i32>} : memref<48xi32, #tpu.memory_space<vmem>>, vector<16xi32>,
    %eq3A_689 = arith.cmpi eq, %get3A_688, %get3A_619 : vector<16xi32>
    %select_n3A_690 = arith.select %eq3A_689, %add3A_3, %mul3A_1 : vector<16xi1>, vector<16xi32>
    %add3A_691 = arith.addi %add3A_686, %select_n3A_690 : vector<16xi32>
    %get3A_692 = arith.constant 1 : index
    %get3A_693 = tpu.vector_load %arg9[%get3A_692] {strides = array<i32>} : memref<48xi32, #tpu.memory_space<vmem>>, vector<16xi32>,
    %eq3A_694 = arith.cmpi eq, %get3A_693, %get3A_619 : vector<16xi32>
    %select_n3A_695 = arith.select %eq3A_694, %add3A_3, %mul3A_1 : vector<16xi1>, vector<16xi32>
    %add3A_696 = arith.addi %add3A_691, %select_n3A_695 : vector<16xi32>
    %gather3A_697 = tpu.vector_load_idx %arg12[%get3A_619] : memref<16xi32, #tpu.memory_space<vmem>>[vector<16xi32>], vector<16xi32>,
    %add3A_698 = arith.addi %gather3A_697, %add3A_696 : vector<16xi32>
    %add3A_699 = arith.addi %gather3A_697, %add3A_696 : vector<16xi32>
    %add3A_700 = arith.constant 1 : i32
    %add3A_701 = vector.broadcast %add3A_700 : i32 to vector<16xi32>
    %add3A_702 = arith.addi %add3A_699, %add3A_701 : vector<16xi32>
    tpu.vector_store_idx %arg12[%get3A_619], %add3A_702 : memref<16xi32, #tpu.memory_space<vmem>>[vector<16xi32>], vector<16xi32>,
    %get3A_703 = arith.constant 0 : index
    %get3A_704 = tpu.vector_load %arg12[%get3A_703] {strides = array<i32>} : memref<16xi32, #tpu.memory_space<vmem>>, vector<16xi32>,
    %swap3A_705 = arith.constant 1 : i32
    %swap3A_706 = arith.index_cast %swap3A_705 : i32 to index
    %swap3A_707 = arith.constant 0 : index
    %swap3A_708 = tpu.vector_load %arg10[%swap3A_706, %swap3A_707] {strides = array<i32>} : memref<2x16xi32, #tpu.memory_space<vmem>>, vector<16xi32>,
    tpu.vector_store %arg10[%swap3A_706, %swap3A_707], %get3A_704 {strides = array<i32>} : memref<2x16xi32, #tpu.memory_space<vmem>>, vector<16xi32>,
    %mul3A_709 = arith.constant 2 : i32
    %mul3A_710 = arith.muli %mul3A_709, %arg1 : i32
    "tpu.region"() ({
      %run_scoped3A = tpu.sem_alloc : memref<!tpu.dma_semaphore, #tpu.memory_space<semaphore_mem>>
      %dma_start3A_1133 = arith.constant 0 : i32
      %dma_start3A_1134 = arith.constant 0 : i32
      %dma_start3A_1135 = tpu.memref_slice %arg7[%arg0, %dma_start3A_1133, %dma_start3A_1134] : memref<2x32x16xi32, #tpu.memory_space<hbm>> -> memref<1x32x16xi32, #tpu.memory_space<hbm>>
      %dma_start3A_1136 = tpu.memref_squeeze %dma_start3A_1135 : memref<1x32x16xi32, #tpu.memory_space<hbm>> -> memref<32x16xi32, #tpu.memory_space<hbm>>
      %dma_start3A_1137 = arith.constant 0 : i32
      %dma_start3A_1138 = tpu.memref_slice %dma_start3A_1136[%mul3A_710, %dma_start3A_1137] : memref<32x16xi32, #tpu.memory_space<hbm>> -> memref<2x16xi32, #tpu.memory_space<hbm>>
      %dma_start3A_1139 = arith.constant 0 : i32
      %dma_start3A_1140 = arith.constant 0 : i32
      %dma_start3A_1141 = tpu.memref_slice %arg7[%arg0, %dma_start3A_1139, %dma_start3A_1140] : memref<2x32x16xi32, #tpu.memory_space<hbm>> -> memref<1x32x16xi32, #tpu.memory_space<hbm>>
      %dma_start3A_1142 = tpu.memref_squeeze %dma_start3A_1141 : memref<1x32x16xi32, #tpu.memory_space<hbm>> -> memref<32x16xi32, #tpu.memory_space<hbm>>
      %dma_start3A_1143 = arith.constant 0 : i32
      %dma_start3A_1144 = tpu.memref_slice %dma_start3A_1142[%mul3A_710, %dma_start3A_1143] : memref<32x16xi32, #tpu.memory_space<hbm>> -> memref<2x16xi32, #tpu.memory_space<hbm>>
      tpu.enqueue_dma source(%arg10 : memref<2x16xi32, #tpu.memory_space<vmem>>) target(%dma_start3A_1144 : memref<2x16xi32, #tpu.memory_space<hbm>>) target_semaphore(%run_scoped3A : memref<!tpu.dma_semaphore, #tpu.memory_space<semaphore_mem>>)
      %dma_wait3A_1145 = arith.constant 0 : i32
      %dma_wait3A_1146 = arith.constant 0 : i32
      %dma_wait3A_1147 = tpu.memref_slice %arg7[%arg0, %dma_wait3A_1145, %dma_wait3A_1146] : memref<2x32x16xi32, #tpu.memory_space<hbm>> -> memref<1x32x16xi32, #tpu.memory_space<hbm>>
      %dma_wait3A_1148 = tpu.memref_squeeze %dma_wait3A_1147 : memref<1x32x16xi32, #tpu.memory_space<hbm>> -> memref<32x16xi32, #tpu.memory_space<hbm>>
      %dma_wait3A_1149 = arith.constant 0 : i32
      %dma_wait3A_1150 = tpu.memref_slice %dma_wait3A_1148[%mul3A_710, %dma_wait3A_1149] : memref<32x16xi32, #tpu.memory_space<hbm>> -> memref<2x16xi32, #tpu.memory_space<hbm>>
      %dma_wait3A_1151 = arith.constant 0 : i32
      %dma_wait3A_1152 = arith.constant 0 : i32
      %dma_wait3A_1153 = tpu.memref_slice %arg7[%arg0, %dma_wait3A_1151, %dma_wait3A_1152] : memref<2x32x16xi32, #tpu.memory_space<hbm>> -> memref<1x32x16xi32, #tpu.memory_space<hbm>>
      %dma_wait3A_1154 = tpu.memref_squeeze %dma_wait3A_1153 : memref<1x32x16xi32, #tpu.memory_space<hbm>> -> memref<32x16xi32, #tpu.memory_space<hbm>>
      %dma_wait3A_1155 = arith.constant 0 : i32
      %dma_wait3A_1156 = tpu.memref_slice %dma_wait3A_1154[%mul3A_710, %dma_wait3A_1155] : memref<32x16xi32, #tpu.memory_space<hbm>> -> memref<2x16xi32, #tpu.memory_space<hbm>>
      tpu.wait_dma2 semaphore(%run_scoped3A : memref<!tpu.dma_semaphore, #tpu.memory_space<semaphore_mem>>) src(%arg10 : memref<2x16xi32, #tpu.memory_space<vmem>>) dst(%dma_wait3A_1156 : memref<2x16xi32, #tpu.memory_space<hbm>>)
      tpu.yield
    }) : () -> ()
    %barrier3A = arith.constant 0 : index
    tpu.barrier barrier_id(%barrier3A)
    "tpu.region"() ({
      %run_scoped3A = tpu.sem_alloc : memref<!tpu.dma_semaphore, #tpu.memory_space<semaphore_mem>>
      %dma_start3A_1133 = arith.constant 0 : i32
      %dma_start3A_1134 = arith.constant 0 : i32
      %dma_start3A_1135 = tpu.memref_slice %arg7[%arg0, %dma_start3A_1133, %dma_start3A_1134] : memref<2x32x16xi32, #tpu.memory_space<hbm>> -> memref<1x32x16xi32, #tpu.memory_space<hbm>>
      %dma_start3A_1136 = tpu.memref_squeeze %dma_start3A_1135 : memref<1x32x16xi32, #tpu.memory_space<hbm>> -> memref<32x16xi32, #tpu.memory_space<hbm>>
      %dma_start3A_1137 = arith.constant 0 : i32
      %dma_start3A_1138 = arith.constant 0 : i32
      %dma_start3A_1139 = tpu.memref_slice %arg7[%arg0, %dma_start3A_1137, %dma_start3A_1138] : memref<2x32x16xi32, #tpu.memory_space<hbm>> -> memref<1x32x16xi32, #tpu.memory_space<hbm>>
      %dma_start3A_1140 = tpu.memref_squeeze %dma_start3A_1139 : memref<1x32x16xi32, #tpu.memory_space<hbm>> -> memref<32x16xi32, #tpu.memory_space<hbm>>
      tpu.enqueue_dma source(%dma_start3A_1140 : memref<32x16xi32, #tpu.memory_space<hbm>>) target(%arg11 : memref<32x16xi32, #tpu.memory_space<vmem>>) target_semaphore(%run_scoped3A : memref<!tpu.dma_semaphore, #tpu.memory_space<semaphore_mem>>)
      %dma_wait3A_1141 = arith.constant 0 : i32
      %dma_wait3A_1142 = arith.constant 0 : i32
      %dma_wait3A_1143 = tpu.memref_slice %arg7[%arg0, %dma_wait3A_1141, %dma_wait3A_1142] : memref<2x32x16xi32, #tpu.memory_space<hbm>> -> memref<1x32x16xi32, #tpu.memory_space<hbm>>
      %dma_wait3A_1144 = tpu.memref_squeeze %dma_wait3A_1143 : memref<1x32x16xi32, #tpu.memory_space<hbm>> -> memref<32x16xi32, #tpu.memory_space<hbm>>
      %dma_wait3A_1145 = arith.constant 0 : i32
      %dma_wait3A_1146 = arith.constant 0 : i32
      %dma_wait3A_1147 = tpu.memref_slice %arg7[%arg0, %dma_wait3A_1145, %dma_wait3A_1146] : memref<2x32x16xi32, #tpu.memory_space<hbm>> -> memref<1x32x16xi32, #tpu.memory_space<hbm>>
      %dma_wait3A_1148 = tpu.memref_squeeze %dma_wait3A_1147 : memref<1x32x16xi32, #tpu.memory_space<hbm>> -> memref<32x16xi32, #tpu.memory_space<hbm>>
      tpu.wait_dma2 semaphore(%run_scoped3A : memref<!tpu.dma_semaphore, #tpu.memory_space<semaphore_mem>>) src(%dma_wait3A_1148 : memref<32x16xi32, #tpu.memory_space<hbm>>) dst(%arg11 : memref<32x16xi32, #tpu.memory_space<vmem>>)
      tpu.yield
    }) : () -> ()
    %add3A_711 = vector.broadcast %add3A_10 : i32 to vector<16xi32>
    %add3A_712 = arith.addi %mul3A_1, %add3A_711 : vector<16xi32>
    %get3A_713 = arith.constant 0 : i32
    %get3A_714 = arith.index_cast %get3A_713 : i32 to index
    %get3A_715 = arith.constant 0 : index
    %get3A_716 = tpu.vector_load %arg11[%get3A_714, %get3A_715] {strides = array<i32>} : memref<32x16xi32, #tpu.memory_space<vmem>>, vector<16xi32>,
    %add3A_717 = arith.addi %mul3A_1, %get3A_716 : vector<16xi32>
    %add3A_718 = arith.constant 0 : i32
    %add3A_719 = vector.broadcast %add3A_718 : i32 to vector<16xi32>
    %add3A_720 = arith.addi %mul3A_1, %add3A_719 : vector<16xi32>
    %lt3A = arith.cmpi slt, %add3A_720, %add3A_712 : vector<16xi32>
    %select_n3A_721 = arith.select %lt3A, %get3A_716, %mul3A_1 : vector<16xi1>, vector<16xi32>
    %add3A_722 = arith.addi %mul3A_1, %select_n3A_721 : vector<16xi32>
    %get3A_723 = arith.constant 1 : i32
    %get3A_724 = arith.index_cast %get3A_723 : i32 to index
    %get3A_725 = arith.constant 0 : index
    %get3A_726 = tpu.vector_load %arg11[%get3A_724, %get3A_725] {strides = array<i32>} : memref<32x16xi32, #tpu.memory_space<vmem>>, vector<16xi32>,
    %add3A_727 = arith.addi %add3A_717, %get3A_726 : vector<16xi32>
    %add3A_728 = arith.constant 1 : i32
    %add3A_729 = vector.broadcast %add3A_728 : i32 to vector<16xi32>
    %add3A_730 = arith.addi %mul3A_1, %add3A_729 : vector<16xi32>
    %lt3A_731 = arith.cmpi slt, %add3A_730, %add3A_712 : vector<16xi32>
    %select_n3A_732 = arith.select %lt3A_731, %get3A_726, %mul3A_1 : vector<16xi1>, vector<16xi32>
    %add3A_733 = arith.addi %add3A_722, %select_n3A_732 : vector<16xi32>
    %get3A_734 = arith.constant 2 : i32
    %get3A_735 = arith.index_cast %get3A_734 : i32 to index
    %get3A_736 = arith.constant 0 : index
    %get3A_737 = tpu.vector_load %arg11[%get3A_735, %get3A_736] {strides = array<i32>} : memref<32x16xi32, #tpu.memory_space<vmem>>, vector<16xi32>,
    %add3A_738 = arith.addi %add3A_727, %get3A_737 : vector<16xi32>
    %add3A_739 = arith.constant 2 : i32
    %add3A_740 = vector.broadcast %add3A_739 : i32 to vector<16xi32>
    %add3A_741 = arith.addi %mul3A_1, %add3A_740 : vector<16xi32>
    %lt3A_742 = arith.cmpi slt, %add3A_741, %add3A_712 : vector<16xi32>
    %select_n3A_743 = arith.select %lt3A_742, %get3A_737, %mul3A_1 : vector<16xi1>, vector<16xi32>
    %add3A_744 = arith.addi %add3A_733, %select_n3A_743 : vector<16xi32>
    %get3A_745 = arith.constant 3 : i32
    %get3A_746 = arith.index_cast %get3A_745 : i32 to index
    %get3A_747 = arith.constant 0 : index
    %get3A_748 = tpu.vector_load %arg11[%get3A_746, %get3A_747] {strides = array<i32>} : memref<32x16xi32, #tpu.memory_space<vmem>>, vector<16xi32>,
    %add3A_749 = arith.addi %add3A_738, %get3A_748 : vector<16xi32>
    %add3A_750 = arith.constant 3 : i32
    %add3A_751 = vector.broadcast %add3A_750 : i32 to vector<16xi32>
    %add3A_752 = arith.addi %mul3A_1, %add3A_751 : vector<16xi32>
    %lt3A_753 = arith.cmpi slt, %add3A_752, %add3A_712 : vector<16xi32>
    %select_n3A_754 = arith.select %lt3A_753, %get3A_748, %mul3A_1 : vector<16xi1>, vector<16xi32>
    %add3A_755 = arith.addi %add3A_744, %select_n3A_754 : vector<16xi32>
    %get3A_756 = arith.constant 4 : i32
    %get3A_757 = arith.index_cast %get3A_756 : i32 to index
    %get3A_758 = arith.constant 0 : index
    %get3A_759 = tpu.vector_load %arg11[%get3A_757, %get3A_758] {strides = array<i32>} : memref<32x16xi32, #tpu.memory_space<vmem>>, vector<16xi32>,
    %add3A_760 = arith.addi %add3A_749, %get3A_759 : vector<16xi32>
    %add3A_761 = arith.constant 4 : i32
    %add3A_762 = vector.broadcast %add3A_761 : i32 to vector<16xi32>
    %add3A_763 = arith.addi %mul3A_1, %add3A_762 : vector<16xi32>
    %lt3A_764 = arith.cmpi slt, %add3A_763, %add3A_712 : vector<16xi32>
    %select_n3A_765 = arith.select %lt3A_764, %get3A_759, %mul3A_1 : vector<16xi1>, vector<16xi32>
    %add3A_766 = arith.addi %add3A_755, %select_n3A_765 : vector<16xi32>
    %get3A_767 = arith.constant 5 : i32
    %get3A_768 = arith.index_cast %get3A_767 : i32 to index
    %get3A_769 = arith.constant 0 : index
    %get3A_770 = tpu.vector_load %arg11[%get3A_768, %get3A_769] {strides = array<i32>} : memref<32x16xi32, #tpu.memory_space<vmem>>, vector<16xi32>,
    %add3A_771 = arith.addi %add3A_760, %get3A_770 : vector<16xi32>
    %add3A_772 = arith.constant 5 : i32
    %add3A_773 = vector.broadcast %add3A_772 : i32 to vector<16xi32>
    %add3A_774 = arith.addi %mul3A_1, %add3A_773 : vector<16xi32>
    %lt3A_775 = arith.cmpi slt, %add3A_774, %add3A_712 : vector<16xi32>
    %select_n3A_776 = arith.select %lt3A_775, %get3A_770, %mul3A_1 : vector<16xi1>, vector<16xi32>
    %add3A_777 = arith.addi %add3A_766, %select_n3A_776 : vector<16xi32>
    %get3A_778 = arith.constant 6 : i32
    %get3A_779 = arith.index_cast %get3A_778 : i32 to index
    %get3A_780 = arith.constant 0 : index
    %get3A_781 = tpu.vector_load %arg11[%get3A_779, %get3A_780] {strides = array<i32>} : memref<32x16xi32, #tpu.memory_space<vmem>>, vector<16xi32>,
    %add3A_782 = arith.addi %add3A_771, %get3A_781 : vector<16xi32>
    %add3A_783 = arith.constant 6 : i32
    %add3A_784 = vector.broadcast %add3A_783 : i32 to vector<16xi32>
    %add3A_785 = arith.addi %mul3A_1, %add3A_784 : vector<16xi32>
    %lt3A_786 = arith.cmpi slt, %add3A_785, %add3A_712 : vector<16xi32>
    %select_n3A_787 = arith.select %lt3A_786, %get3A_781, %mul3A_1 : vector<16xi1>, vector<16xi32>
    %add3A_788 = arith.addi %add3A_777, %select_n3A_787 : vector<16xi32>
    %get3A_789 = arith.constant 7 : i32
    %get3A_790 = arith.index_cast %get3A_789 : i32 to index
    %get3A_791 = arith.constant 0 : index
    %get3A_792 = tpu.vector_load %arg11[%get3A_790, %get3A_791] {strides = array<i32>} : memref<32x16xi32, #tpu.memory_space<vmem>>, vector<16xi32>,
    %add3A_793 = arith.addi %add3A_782, %get3A_792 : vector<16xi32>
    %add3A_794 = arith.constant 7 : i32
    %add3A_795 = vector.broadcast %add3A_794 : i32 to vector<16xi32>
    %add3A_796 = arith.addi %mul3A_1, %add3A_795 : vector<16xi32>
    %lt3A_797 = arith.cmpi slt, %add3A_796, %add3A_712 : vector<16xi32>
    %select_n3A_798 = arith.select %lt3A_797, %get3A_792, %mul3A_1 : vector<16xi1>, vector<16xi32>
    %add3A_799 = arith.addi %add3A_788, %select_n3A_798 : vector<16xi32>
    %get3A_800 = arith.constant 8 : i32
    %get3A_801 = arith.index_cast %get3A_800 : i32 to index
    %get3A_802 = arith.constant 0 : index
    %get3A_803 = tpu.vector_load %arg11[%get3A_801, %get3A_802] {strides = array<i32>} : memref<32x16xi32, #tpu.memory_space<vmem>>, vector<16xi32>,
    %add3A_804 = arith.addi %add3A_793, %get3A_803 : vector<16xi32>
    %add3A_805 = arith.constant 8 : i32
    %add3A_806 = vector.broadcast %add3A_805 : i32 to vector<16xi32>
    %add3A_807 = arith.addi %mul3A_1, %add3A_806 : vector<16xi32>
    %lt3A_808 = arith.cmpi slt, %add3A_807, %add3A_712 : vector<16xi32>
    %select_n3A_809 = arith.select %lt3A_808, %get3A_803, %mul3A_1 : vector<16xi1>, vector<16xi32>
    %add3A_810 = arith.addi %add3A_799, %select_n3A_809 : vector<16xi32>
    %get3A_811 = arith.constant 9 : i32
    %get3A_812 = arith.index_cast %get3A_811 : i32 to index
    %get3A_813 = arith.constant 0 : index
    %get3A_814 = tpu.vector_load %arg11[%get3A_812, %get3A_813] {strides = array<i32>} : memref<32x16xi32, #tpu.memory_space<vmem>>, vector<16xi32>,
    %add3A_815 = arith.addi %add3A_804, %get3A_814 : vector<16xi32>
    %add3A_816 = arith.constant 9 : i32
    %add3A_817 = vector.broadcast %add3A_816 : i32 to vector<16xi32>
    %add3A_818 = arith.addi %mul3A_1, %add3A_817 : vector<16xi32>
    %lt3A_819 = arith.cmpi slt, %add3A_818, %add3A_712 : vector<16xi32>
    %select_n3A_820 = arith.select %lt3A_819, %get3A_814, %mul3A_1 : vector<16xi1>, vector<16xi32>
    %add3A_821 = arith.addi %add3A_810, %select_n3A_820 : vector<16xi32>
    %get3A_822 = arith.constant 10 : i32
    %get3A_823 = arith.index_cast %get3A_822 : i32 to index
    %get3A_824 = arith.constant 0 : index
    %get3A_825 = tpu.vector_load %arg11[%get3A_823, %get3A_824] {strides = array<i32>} : memref<32x16xi32, #tpu.memory_space<vmem>>, vector<16xi32>,
    %add3A_826 = arith.addi %add3A_815, %get3A_825 : vector<16xi32>
    %add3A_827 = arith.constant 10 : i32
    %add3A_828 = vector.broadcast %add3A_827 : i32 to vector<16xi32>
    %add3A_829 = arith.addi %mul3A_1, %add3A_828 : vector<16xi32>
    %lt3A_830 = arith.cmpi slt, %add3A_829, %add3A_712 : vector<16xi32>
    %select_n3A_831 = arith.select %lt3A_830, %get3A_825, %mul3A_1 : vector<16xi1>, vector<16xi32>
    %add3A_832 = arith.addi %add3A_821, %select_n3A_831 : vector<16xi32>
    %get3A_833 = arith.constant 11 : i32
    %get3A_834 = arith.index_cast %get3A_833 : i32 to index
    %get3A_835 = arith.constant 0 : index
    %get3A_836 = tpu.vector_load %arg11[%get3A_834, %get3A_835] {strides = array<i32>} : memref<32x16xi32, #tpu.memory_space<vmem>>, vector<16xi32>,
    %add3A_837 = arith.addi %add3A_826, %get3A_836 : vector<16xi32>
    %add3A_838 = arith.constant 11 : i32
    %add3A_839 = vector.broadcast %add3A_838 : i32 to vector<16xi32>
    %add3A_840 = arith.addi %mul3A_1, %add3A_839 : vector<16xi32>
    %lt3A_841 = arith.cmpi slt, %add3A_840, %add3A_712 : vector<16xi32>
    %select_n3A_842 = arith.select %lt3A_841, %get3A_836, %mul3A_1 : vector<16xi1>, vector<16xi32>
    %add3A_843 = arith.addi %add3A_832, %select_n3A_842 : vector<16xi32>
    %get3A_844 = arith.constant 12 : i32
    %get3A_845 = arith.index_cast %get3A_844 : i32 to index
    %get3A_846 = arith.constant 0 : index
    %get3A_847 = tpu.vector_load %arg11[%get3A_845, %get3A_846] {strides = array<i32>} : memref<32x16xi32, #tpu.memory_space<vmem>>, vector<16xi32>,
    %add3A_848 = arith.addi %add3A_837, %get3A_847 : vector<16xi32>
    %add3A_849 = arith.constant 12 : i32
    %add3A_850 = vector.broadcast %add3A_849 : i32 to vector<16xi32>
    %add3A_851 = arith.addi %mul3A_1, %add3A_850 : vector<16xi32>
    %lt3A_852 = arith.cmpi slt, %add3A_851, %add3A_712 : vector<16xi32>
    %select_n3A_853 = arith.select %lt3A_852, %get3A_847, %mul3A_1 : vector<16xi1>, vector<16xi32>
    %add3A_854 = arith.addi %add3A_843, %select_n3A_853 : vector<16xi32>
    %get3A_855 = arith.constant 13 : i32
    %get3A_856 = arith.index_cast %get3A_855 : i32 to index
    %get3A_857 = arith.constant 0 : index
    %get3A_858 = tpu.vector_load %arg11[%get3A_856, %get3A_857] {strides = array<i32>} : memref<32x16xi32, #tpu.memory_space<vmem>>, vector<16xi32>,
    %add3A_859 = arith.addi %add3A_848, %get3A_858 : vector<16xi32>
    %add3A_860 = arith.constant 13 : i32
    %add3A_861 = vector.broadcast %add3A_860 : i32 to vector<16xi32>
    %add3A_862 = arith.addi %mul3A_1, %add3A_861 : vector<16xi32>
    %lt3A_863 = arith.cmpi slt, %add3A_862, %add3A_712 : vector<16xi32>
    %select_n3A_864 = arith.select %lt3A_863, %get3A_858, %mul3A_1 : vector<16xi1>, vector<16xi32>
    %add3A_865 = arith.addi %add3A_854, %select_n3A_864 : vector<16xi32>
    %get3A_866 = arith.constant 14 : i32
    %get3A_867 = arith.index_cast %get3A_866 : i32 to index
    %get3A_868 = arith.constant 0 : index
    %get3A_869 = tpu.vector_load %arg11[%get3A_867, %get3A_868] {strides = array<i32>} : memref<32x16xi32, #tpu.memory_space<vmem>>, vector<16xi32>,
    %add3A_870 = arith.addi %add3A_859, %get3A_869 : vector<16xi32>
    %add3A_871 = arith.constant 14 : i32
    %add3A_872 = vector.broadcast %add3A_871 : i32 to vector<16xi32>
    %add3A_873 = arith.addi %mul3A_1, %add3A_872 : vector<16xi32>
    %lt3A_874 = arith.cmpi slt, %add3A_873, %add3A_712 : vector<16xi32>
    %select_n3A_875 = arith.select %lt3A_874, %get3A_869, %mul3A_1 : vector<16xi1>, vector<16xi32>
    %add3A_876 = arith.addi %add3A_865, %select_n3A_875 : vector<16xi32>
    %get3A_877 = arith.constant 15 : i32
    %get3A_878 = arith.index_cast %get3A_877 : i32 to index
    %get3A_879 = arith.constant 0 : index
    %get3A_880 = tpu.vector_load %arg11[%get3A_878, %get3A_879] {strides = array<i32>} : memref<32x16xi32, #tpu.memory_space<vmem>>, vector<16xi32>,
    %add3A_881 = arith.addi %add3A_870, %get3A_880 : vector<16xi32>
    %add3A_882 = arith.constant 15 : i32
    %add3A_883 = vector.broadcast %add3A_882 : i32 to vector<16xi32>
    %add3A_884 = arith.addi %mul3A_1, %add3A_883 : vector<16xi32>
    %lt3A_885 = arith.cmpi slt, %add3A_884, %add3A_712 : vector<16xi32>
    %select_n3A_886 = arith.select %lt3A_885, %get3A_880, %mul3A_1 : vector<16xi1>, vector<16xi32>
    %add3A_887 = arith.addi %add3A_876, %select_n3A_886 : vector<16xi32>
    %get3A_888 = arith.constant 16 : i32
    %get3A_889 = arith.index_cast %get3A_888 : i32 to index
    %get3A_890 = arith.constant 0 : index
    %get3A_891 = tpu.vector_load %arg11[%get3A_889, %get3A_890] {strides = array<i32>} : memref<32x16xi32, #tpu.memory_space<vmem>>, vector<16xi32>,
    %add3A_892 = arith.addi %add3A_881, %get3A_891 : vector<16xi32>
    %add3A_893 = arith.constant 16 : i32
    %add3A_894 = vector.broadcast %add3A_893 : i32 to vector<16xi32>
    %add3A_895 = arith.addi %mul3A_1, %add3A_894 : vector<16xi32>
    %lt3A_896 = arith.cmpi slt, %add3A_895, %add3A_712 : vector<16xi32>
    %select_n3A_897 = arith.select %lt3A_896, %get3A_891, %mul3A_1 : vector<16xi1>, vector<16xi32>
    %add3A_898 = arith.addi %add3A_887, %select_n3A_897 : vector<16xi32>
    %get3A_899 = arith.constant 17 : i32
    %get3A_900 = arith.index_cast %get3A_899 : i32 to index
    %get3A_901 = arith.constant 0 : index
    %get3A_902 = tpu.vector_load %arg11[%get3A_900, %get3A_901] {strides = array<i32>} : memref<32x16xi32, #tpu.memory_space<vmem>>, vector<16xi32>,
    %add3A_903 = arith.addi %add3A_892, %get3A_902 : vector<16xi32>
    %add3A_904 = arith.constant 17 : i32
    %add3A_905 = vector.broadcast %add3A_904 : i32 to vector<16xi32>
    %add3A_906 = arith.addi %mul3A_1, %add3A_905 : vector<16xi32>
    %lt3A_907 = arith.cmpi slt, %add3A_906, %add3A_712 : vector<16xi32>
    %select_n3A_908 = arith.select %lt3A_907, %get3A_902, %mul3A_1 : vector<16xi1>, vector<16xi32>
    %add3A_909 = arith.addi %add3A_898, %select_n3A_908 : vector<16xi32>
    %get3A_910 = arith.constant 18 : i32
    %get3A_911 = arith.index_cast %get3A_910 : i32 to index
    %get3A_912 = arith.constant 0 : index
    %get3A_913 = tpu.vector_load %arg11[%get3A_911, %get3A_912] {strides = array<i32>} : memref<32x16xi32, #tpu.memory_space<vmem>>, vector<16xi32>,
    %add3A_914 = arith.addi %add3A_903, %get3A_913 : vector<16xi32>
    %add3A_915 = arith.constant 18 : i32
    %add3A_916 = vector.broadcast %add3A_915 : i32 to vector<16xi32>
    %add3A_917 = arith.addi %mul3A_1, %add3A_916 : vector<16xi32>
    %lt3A_918 = arith.cmpi slt, %add3A_917, %add3A_712 : vector<16xi32>
    %select_n3A_919 = arith.select %lt3A_918, %get3A_913, %mul3A_1 : vector<16xi1>, vector<16xi32>
    %add3A_920 = arith.addi %add3A_909, %select_n3A_919 : vector<16xi32>
    %get3A_921 = arith.constant 19 : i32
    %get3A_922 = arith.index_cast %get3A_921 : i32 to index
    %get3A_923 = arith.constant 0 : index
    %get3A_924 = tpu.vector_load %arg11[%get3A_922, %get3A_923] {strides = array<i32>} : memref<32x16xi32, #tpu.memory_space<vmem>>, vector<16xi32>,
    %add3A_925 = arith.addi %add3A_914, %get3A_924 : vector<16xi32>
    %add3A_926 = arith.constant 19 : i32
    %add3A_927 = vector.broadcast %add3A_926 : i32 to vector<16xi32>
    %add3A_928 = arith.addi %mul3A_1, %add3A_927 : vector<16xi32>
    %lt3A_929 = arith.cmpi slt, %add3A_928, %add3A_712 : vector<16xi32>
    %select_n3A_930 = arith.select %lt3A_929, %get3A_924, %mul3A_1 : vector<16xi1>, vector<16xi32>
    %add3A_931 = arith.addi %add3A_920, %select_n3A_930 : vector<16xi32>
    %get3A_932 = arith.constant 20 : i32
    %get3A_933 = arith.index_cast %get3A_932 : i32 to index
    %get3A_934 = arith.constant 0 : index
    %get3A_935 = tpu.vector_load %arg11[%get3A_933, %get3A_934] {strides = array<i32>} : memref<32x16xi32, #tpu.memory_space<vmem>>, vector<16xi32>,
    %add3A_936 = arith.addi %add3A_925, %get3A_935 : vector<16xi32>
    %add3A_937 = arith.constant 20 : i32
    %add3A_938 = vector.broadcast %add3A_937 : i32 to vector<16xi32>
    %add3A_939 = arith.addi %mul3A_1, %add3A_938 : vector<16xi32>
    %lt3A_940 = arith.cmpi slt, %add3A_939, %add3A_712 : vector<16xi32>
    %select_n3A_941 = arith.select %lt3A_940, %get3A_935, %mul3A_1 : vector<16xi1>, vector<16xi32>
    %add3A_942 = arith.addi %add3A_931, %select_n3A_941 : vector<16xi32>
    %get3A_943 = arith.constant 21 : i32
    %get3A_944 = arith.index_cast %get3A_943 : i32 to index
    %get3A_945 = arith.constant 0 : index
    %get3A_946 = tpu.vector_load %arg11[%get3A_944, %get3A_945] {strides = array<i32>} : memref<32x16xi32, #tpu.memory_space<vmem>>, vector<16xi32>,
    %add3A_947 = arith.addi %add3A_936, %get3A_946 : vector<16xi32>
    %add3A_948 = arith.constant 21 : i32
    %add3A_949 = vector.broadcast %add3A_948 : i32 to vector<16xi32>
    %add3A_950 = arith.addi %mul3A_1, %add3A_949 : vector<16xi32>
    %lt3A_951 = arith.cmpi slt, %add3A_950, %add3A_712 : vector<16xi32>
    %select_n3A_952 = arith.select %lt3A_951, %get3A_946, %mul3A_1 : vector<16xi1>, vector<16xi32>
    %add3A_953 = arith.addi %add3A_942, %select_n3A_952 : vector<16xi32>
    %get3A_954 = arith.constant 22 : i32
    %get3A_955 = arith.index_cast %get3A_954 : i32 to index
    %get3A_956 = arith.constant 0 : index
    %get3A_957 = tpu.vector_load %arg11[%get3A_955, %get3A_956] {strides = array<i32>} : memref<32x16xi32, #tpu.memory_space<vmem>>, vector<16xi32>,
    %add3A_958 = arith.addi %add3A_947, %get3A_957 : vector<16xi32>
    %add3A_959 = arith.constant 22 : i32
    %add3A_960 = vector.broadcast %add3A_959 : i32 to vector<16xi32>
    %add3A_961 = arith.addi %mul3A_1, %add3A_960 : vector<16xi32>
    %lt3A_962 = arith.cmpi slt, %add3A_961, %add3A_712 : vector<16xi32>
    %select_n3A_963 = arith.select %lt3A_962, %get3A_957, %mul3A_1 : vector<16xi1>, vector<16xi32>
    %add3A_964 = arith.addi %add3A_953, %select_n3A_963 : vector<16xi32>
    %get3A_965 = arith.constant 23 : i32
    %get3A_966 = arith.index_cast %get3A_965 : i32 to index
    %get3A_967 = arith.constant 0 : index
    %get3A_968 = tpu.vector_load %arg11[%get3A_966, %get3A_967] {strides = array<i32>} : memref<32x16xi32, #tpu.memory_space<vmem>>, vector<16xi32>,
    %add3A_969 = arith.addi %add3A_958, %get3A_968 : vector<16xi32>
    %add3A_970 = arith.constant 23 : i32
    %add3A_971 = vector.broadcast %add3A_970 : i32 to vector<16xi32>
    %add3A_972 = arith.addi %mul3A_1, %add3A_971 : vector<16xi32>
    %lt3A_973 = arith.cmpi slt, %add3A_972, %add3A_712 : vector<16xi32>
    %select_n3A_974 = arith.select %lt3A_973, %get3A_968, %mul3A_1 : vector<16xi1>, vector<16xi32>
    %add3A_975 = arith.addi %add3A_964, %select_n3A_974 : vector<16xi32>
    %get3A_976 = arith.constant 24 : i32
    %get3A_977 = arith.index_cast %get3A_976 : i32 to index
    %get3A_978 = arith.constant 0 : index
    %get3A_979 = tpu.vector_load %arg11[%get3A_977, %get3A_978] {strides = array<i32>} : memref<32x16xi32, #tpu.memory_space<vmem>>, vector<16xi32>,
    %add3A_980 = arith.addi %add3A_969, %get3A_979 : vector<16xi32>
    %add3A_981 = arith.constant 24 : i32
    %add3A_982 = vector.broadcast %add3A_981 : i32 to vector<16xi32>
    %add3A_983 = arith.addi %mul3A_1, %add3A_982 : vector<16xi32>
    %lt3A_984 = arith.cmpi slt, %add3A_983, %add3A_712 : vector<16xi32>
    %select_n3A_985 = arith.select %lt3A_984, %get3A_979, %mul3A_1 : vector<16xi1>, vector<16xi32>
    %add3A_986 = arith.addi %add3A_975, %select_n3A_985 : vector<16xi32>
    %get3A_987 = arith.constant 25 : i32
    %get3A_988 = arith.index_cast %get3A_987 : i32 to index
    %get3A_989 = arith.constant 0 : index
    %get3A_990 = tpu.vector_load %arg11[%get3A_988, %get3A_989] {strides = array<i32>} : memref<32x16xi32, #tpu.memory_space<vmem>>, vector<16xi32>,
    %add3A_991 = arith.addi %add3A_980, %get3A_990 : vector<16xi32>
    %add3A_992 = arith.constant 25 : i32
    %add3A_993 = vector.broadcast %add3A_992 : i32 to vector<16xi32>
    %add3A_994 = arith.addi %mul3A_1, %add3A_993 : vector<16xi32>
    %lt3A_995 = arith.cmpi slt, %add3A_994, %add3A_712 : vector<16xi32>
    %select_n3A_996 = arith.select %lt3A_995, %get3A_990, %mul3A_1 : vector<16xi1>, vector<16xi32>
    %add3A_997 = arith.addi %add3A_986, %select_n3A_996 : vector<16xi32>
    %get3A_998 = arith.constant 26 : i32
    %get3A_999 = arith.index_cast %get3A_998 : i32 to index
    %get3A_1000 = arith.constant 0 : index
    %get3A_1001 = tpu.vector_load %arg11[%get3A_999, %get3A_1000] {strides = array<i32>} : memref<32x16xi32, #tpu.memory_space<vmem>>, vector<16xi32>,
    %add3A_1002 = arith.addi %add3A_991, %get3A_1001 : vector<16xi32>
    %add3A_1003 = arith.constant 26 : i32
    %add3A_1004 = vector.broadcast %add3A_1003 : i32 to vector<16xi32>
    %add3A_1005 = arith.addi %mul3A_1, %add3A_1004 : vector<16xi32>
    %lt3A_1006 = arith.cmpi slt, %add3A_1005, %add3A_712 : vector<16xi32>
    %select_n3A_1007 = arith.select %lt3A_1006, %get3A_1001, %mul3A_1 : vector<16xi1>, vector<16xi32>
    %add3A_1008 = arith.addi %add3A_997, %select_n3A_1007 : vector<16xi32>
    %get3A_1009 = arith.constant 27 : i32
    %get3A_1010 = arith.index_cast %get3A_1009 : i32 to index
    %get3A_1011 = arith.constant 0 : index
    %get3A_1012 = tpu.vector_load %arg11[%get3A_1010, %get3A_1011] {strides = array<i32>} : memref<32x16xi32, #tpu.memory_space<vmem>>, vector<16xi32>,
    %add3A_1013 = arith.addi %add3A_1002, %get3A_1012 : vector<16xi32>
    %add3A_1014 = arith.constant 27 : i32
    %add3A_1015 = vector.broadcast %add3A_1014 : i32 to vector<16xi32>
    %add3A_1016 = arith.addi %mul3A_1, %add3A_1015 : vector<16xi32>
    %lt3A_1017 = arith.cmpi slt, %add3A_1016, %add3A_712 : vector<16xi32>
    %select_n3A_1018 = arith.select %lt3A_1017, %get3A_1012, %mul3A_1 : vector<16xi1>, vector<16xi32>
    %add3A_1019 = arith.addi %add3A_1008, %select_n3A_1018 : vector<16xi32>
    %get3A_1020 = arith.constant 28 : i32
    %get3A_1021 = arith.index_cast %get3A_1020 : i32 to index
    %get3A_1022 = arith.constant 0 : index
    %get3A_1023 = tpu.vector_load %arg11[%get3A_1021, %get3A_1022] {strides = array<i32>} : memref<32x16xi32, #tpu.memory_space<vmem>>, vector<16xi32>,
    %add3A_1024 = arith.addi %add3A_1013, %get3A_1023 : vector<16xi32>
    %add3A_1025 = arith.constant 28 : i32
    %add3A_1026 = vector.broadcast %add3A_1025 : i32 to vector<16xi32>
    %add3A_1027 = arith.addi %mul3A_1, %add3A_1026 : vector<16xi32>
    %lt3A_1028 = arith.cmpi slt, %add3A_1027, %add3A_712 : vector<16xi32>
    %select_n3A_1029 = arith.select %lt3A_1028, %get3A_1023, %mul3A_1 : vector<16xi1>, vector<16xi32>
    %add3A_1030 = arith.addi %add3A_1019, %select_n3A_1029 : vector<16xi32>
    %get3A_1031 = arith.constant 29 : i32
    %get3A_1032 = arith.index_cast %get3A_1031 : i32 to index
    %get3A_1033 = arith.constant 0 : index
    %get3A_1034 = tpu.vector_load %arg11[%get3A_1032, %get3A_1033] {strides = array<i32>} : memref<32x16xi32, #tpu.memory_space<vmem>>, vector<16xi32>,
    %add3A_1035 = arith.addi %add3A_1024, %get3A_1034 : vector<16xi32>
    %add3A_1036 = arith.constant 29 : i32
    %add3A_1037 = vector.broadcast %add3A_1036 : i32 to vector<16xi32>
    %add3A_1038 = arith.addi %mul3A_1, %add3A_1037 : vector<16xi32>
    %lt3A_1039 = arith.cmpi slt, %add3A_1038, %add3A_712 : vector<16xi32>
    %select_n3A_1040 = arith.select %lt3A_1039, %get3A_1034, %mul3A_1 : vector<16xi1>, vector<16xi32>
    %add3A_1041 = arith.addi %add3A_1030, %select_n3A_1040 : vector<16xi32>
    %get3A_1042 = arith.constant 30 : i32
    %get3A_1043 = arith.index_cast %get3A_1042 : i32 to index
    %get3A_1044 = arith.constant 0 : index
    %get3A_1045 = tpu.vector_load %arg11[%get3A_1043, %get3A_1044] {strides = array<i32>} : memref<32x16xi32, #tpu.memory_space<vmem>>, vector<16xi32>,
    %add3A_1046 = arith.addi %add3A_1035, %get3A_1045 : vector<16xi32>
    %add3A_1047 = arith.constant 30 : i32
    %add3A_1048 = vector.broadcast %add3A_1047 : i32 to vector<16xi32>
    %add3A_1049 = arith.addi %mul3A_1, %add3A_1048 : vector<16xi32>
    %lt3A_1050 = arith.cmpi slt, %add3A_1049, %add3A_712 : vector<16xi32>
    %select_n3A_1051 = arith.select %lt3A_1050, %get3A_1045, %mul3A_1 : vector<16xi1>, vector<16xi32>
    %add3A_1052 = arith.addi %add3A_1041, %select_n3A_1051 : vector<16xi32>
    %get3A_1053 = arith.constant 31 : i32
    %get3A_1054 = arith.index_cast %get3A_1053 : i32 to index
    %get3A_1055 = arith.constant 0 : index
    %get3A_1056 = tpu.vector_load %arg11[%get3A_1054, %get3A_1055] {strides = array<i32>} : memref<32x16xi32, #tpu.memory_space<vmem>>, vector<16xi32>,
    %add3A_1057 = arith.addi %add3A_1046, %get3A_1056 : vector<16xi32>
    %add3A_1058 = arith.constant 31 : i32
    %add3A_1059 = vector.broadcast %add3A_1058 : i32 to vector<16xi32>
    %add3A_1060 = arith.addi %mul3A_1, %add3A_1059 : vector<16xi32>
    %lt3A_1061 = arith.cmpi slt, %add3A_1060, %add3A_712 : vector<16xi32>
    %select_n3A_1062 = arith.select %lt3A_1061, %get3A_1056, %mul3A_1 : vector<16xi1>, vector<16xi32>
    %add3A_1063 = arith.addi %add3A_1052, %select_n3A_1062 : vector<16xi32>
    %swap3A_1064 = arith.constant 0 : index
    %swap3A_1065 = tpu.vector_load %arg9[%swap3A_1064] {strides = array<i32>} : memref<48xi32, #tpu.memory_space<vmem>>, vector<16xi32>,
    tpu.vector_store %arg9[%swap3A_1064], %mul3A_1 {strides = array<i32>} : memref<48xi32, #tpu.memory_space<vmem>>, vector<16xi32>,
    %swap3A_1066 = arith.constant 16 : index
    %swap3A_1067 = tpu.vector_load %arg9[%swap3A_1066] {strides = array<i32>} : memref<48xi32, #tpu.memory_space<vmem>>, vector<16xi32>,
    tpu.vector_store %arg9[%swap3A_1066], %add3A_1057 {strides = array<i32>} : memref<48xi32, #tpu.memory_space<vmem>>, vector<16xi32>,
    %get3A_1068 = arith.constant 15 : index
    %get3A_1069 = tpu.vector_load %arg9[%get3A_1068] {strides = array<i32>} : memref<48xi32, #tpu.memory_space<vmem>>, vector<16xi32>,
    %add3A_1070 = arith.addi %add3A_1057, %get3A_1069 : vector<16xi32>
    %swap3A_1071 = arith.constant 16 : index
    %swap3A_1072 = tpu.vector_load %arg9[%swap3A_1071] {strides = array<i32>} : memref<48xi32, #tpu.memory_space<vmem>>, vector<16xi32>,
    tpu.vector_store %arg9[%swap3A_1071], %add3A_1070 {strides = array<i32>} : memref<48xi32, #tpu.memory_space<vmem>>, vector<16xi32>,
    %get3A_1073 = arith.constant 14 : index
    %get3A_1074 = tpu.vector_load %arg9[%get3A_1073] {strides = array<i32>} : memref<48xi32, #tpu.memory_space<vmem>>, vector<16xi32>,
    %add3A_1075 = arith.addi %add3A_1070, %get3A_1074 : vector<16xi32>
    %swap3A_1076 = arith.constant 16 : index
    %swap3A_1077 = tpu.vector_load %arg9[%swap3A_1076] {strides = array<i32>} : memref<48xi32, #tpu.memory_space<vmem>>, vector<16xi32>,
    tpu.vector_store %arg9[%swap3A_1076], %add3A_1075 {strides = array<i32>} : memref<48xi32, #tpu.memory_space<vmem>>, vector<16xi32>,
    %get3A_1078 = arith.constant 12 : index
    %get3A_1079 = tpu.vector_load %arg9[%get3A_1078] {strides = array<i32>} : memref<48xi32, #tpu.memory_space<vmem>>, vector<16xi32>,
    %add3A_1080 = arith.addi %add3A_1075, %get3A_1079 : vector<16xi32>
    %swap3A_1081 = arith.constant 16 : index
    %swap3A_1082 = tpu.vector_load %arg9[%swap3A_1081] {strides = array<i32>} : memref<48xi32, #tpu.memory_space<vmem>>, vector<16xi32>,
    tpu.vector_store %arg9[%swap3A_1081], %add3A_1080 {strides = array<i32>} : memref<48xi32, #tpu.memory_space<vmem>>, vector<16xi32>,
    %get3A_1083 = arith.constant 8 : index
    %get3A_1084 = tpu.vector_load %arg9[%get3A_1083] {strides = array<i32>} : memref<48xi32, #tpu.memory_space<vmem>>, vector<16xi32>,
    %add3A_1085 = arith.addi %add3A_1080, %get3A_1084 : vector<16xi32>
    %sub3A_1086 = arith.subi %add3A_1085, %add3A_1057 : vector<16xi32>
    %add3A_1087 = arith.addi %sub3A_1086, %add3A_1063 : vector<16xi32>
    %swap3A_1088 = arith.constant 0 : index
    %swap3A_1089 = tpu.vector_load %arg13[%swap3A_1088] {strides = array<i32>} : memref<16xi32, #tpu.memory_space<vmem>>, vector<16xi32>,
    tpu.vector_store %arg13[%swap3A_1088], %add3A_1087 {strides = array<i32>} : memref<16xi32, #tpu.memory_space<vmem>>, vector<16xi32>,
    %swap3A_1090 = arith.constant 0 : index
    %swap3A_1091 = tpu.vector_load %arg16[%swap3A_1090] {strides = array<i32>} : memref<16xi32, #tpu.memory_space<vmem>>, vector<16xi32>,
    tpu.vector_store %arg16[%swap3A_1090], %add3A_1085 {strides = array<i32>} : memref<16xi32, #tpu.memory_space<vmem>>, vector<16xi32>,
    %add3A_1092 = vector.broadcast %arg0 : i32 to vector<16xi32>
    %add3A_1093 = arith.addi %mul3A_1, %add3A_1092 : vector<16xi32>
    %eq3A_1094 = arith.cmpi eq, %add3A_1093, %mul3A_1 : vector<16xi32>
    %select_n3A_1095 = arith.select %eq3A_1094, %get3A_19, %get3A_364 : vector<16xi1>, vector<16xi32>
    %select_n3A_1096 = arith.select %eq3A_1094, %add3A_95, %add3A_443 : vector<16xi1>, vector<16xi32>
    %gather3A_1097 = tpu.vector_load_idx %arg13[%select_n3A_1095] : memref<16xi32, #tpu.memory_space<vmem>>[vector<16xi32>], vector<16xi32>,
    %add3A_1098 = arith.addi %gather3A_1097, %select_n3A_1096 : vector<16xi32>
    %swap3A_1099 = arith.constant 0 : index
    %swap3A_1100 = tpu.vector_load %arg15[%swap3A_1099] {strides = array<i32>} : memref<64xi32, #tpu.memory_space<vmem>>, vector<16xi32>,
    tpu.vector_store %arg15[%swap3A_1099], %add3A_1098 {strides = array<i32>} : memref<64xi32, #tpu.memory_space<vmem>>, vector<16xi32>,
    %select_n3A_1101 = arith.select %eq3A_1094, %get3A_101, %get3A_449 : vector<16xi1>, vector<16xi32>
    %select_n3A_1102 = arith.select %eq3A_1094, %add3A_180, %add3A_528 : vector<16xi1>, vector<16xi32>
    %gather3A_1103 = tpu.vector_load_idx %arg13[%select_n3A_1101] : memref<16xi32, #tpu.memory_space<vmem>>[vector<16xi32>], vector<16xi32>,
    %add3A_1104 = arith.addi %gather3A_1103, %select_n3A_1102 : vector<16xi32>
    %swap3A_1105 = arith.constant 16 : index
    %swap3A_1106 = tpu.vector_load %arg15[%swap3A_1105] {strides = array<i32>} : memref<64xi32, #tpu.memory_space<vmem>>, vector<16xi32>,
    tpu.vector_store %arg15[%swap3A_1105], %add3A_1104 {strides = array<i32>} : memref<64xi32, #tpu.memory_space<vmem>>, vector<16xi32>,
    %select_n3A_1107 = arith.select %eq3A_1094, %get3A_186, %get3A_534 : vector<16xi1>, vector<16xi32>
    %select_n3A_1108 = arith.select %eq3A_1094, %add3A_265, %add3A_613 : vector<16xi1>, vector<16xi32>
    %gather3A_1109 = tpu.vector_load_idx %arg13[%select_n3A_1107] : memref<16xi32, #tpu.memory_space<vmem>>[vector<16xi32>], vector<16xi32>,
    %add3A_1110 = arith.addi %gather3A_1109, %select_n3A_1108 : vector<16xi32>
    %swap3A_1111 = arith.constant 32 : index
    %swap3A_1112 = tpu.vector_load %arg15[%swap3A_1111] {strides = array<i32>} : memref<64xi32, #tpu.memory_space<vmem>>, vector<16xi32>,
    tpu.vector_store %arg15[%swap3A_1111], %add3A_1110 {strides = array<i32>} : memref<64xi32, #tpu.memory_space<vmem>>, vector<16xi32>,
    %select_n3A_1113 = arith.select %eq3A_1094, %get3A_271, %get3A_619 : vector<16xi1>, vector<16xi32>
    %select_n3A_1114 = arith.select %eq3A_1094, %add3A_350, %add3A_698 : vector<16xi1>, vector<16xi32>
    %gather3A_1115 = tpu.vector_load_idx %arg13[%select_n3A_1113] : memref<16xi32, #tpu.memory_space<vmem>>[vector<16xi32>], vector<16xi32>,
    %add3A_1116 = arith.addi %gather3A_1115, %select_n3A_1114 : vector<16xi32>
    %swap3A_1117 = arith.constant 48 : index
    %swap3A_1118 = tpu.vector_load %arg15[%swap3A_1117] {strides = array<i32>} : memref<64xi32, #tpu.memory_space<vmem>>, vector<16xi32>,
    tpu.vector_store %arg15[%swap3A_1117], %add3A_1116 {strides = array<i32>} : memref<64xi32, #tpu.memory_space<vmem>>, vector<16xi32>,
    %dma_wait3A = arith.constant 0 : i32
    %dma_wait3A_1119 = tpu.memref_slice %arg3[%mul3A_12, %dma_wait3A] : memref<2048x128xf32, #tpu.memory_space<hbm>> -> memref<64x128xf32, #tpu.memory_space<hbm>>
    %dma_wait3A_1120 = arith.constant 0 : i32
    %dma_wait3A_1121 = tpu.memref_slice %arg3[%mul3A_12, %dma_wait3A_1120] : memref<2048x128xf32, #tpu.memory_space<hbm>> -> memref<64x128xf32, #tpu.memory_space<hbm>>
    tpu.wait_dma2 semaphore(%arg17 : memref<!tpu.dma_semaphore, #tpu.memory_space<semaphore_mem>>) src(%dma_wait3A_1121 : memref<64x128xf32, #tpu.memory_space<hbm>>) dst(%arg14 : memref<64x128xf32, #tpu.memory_space<vmem>>)
    %dma_start3A_1122 = arith.constant 0 : i32
    %dma_start3A_1123 = arith.constant 0 : i32
    %dma_start3A_1124 = tpu.memref_slice %arg4[%dma_start3A_1122, %dma_start3A_1123] : memref<2048x128xf32, #tpu.memory_space<hbm>> -> memref<2048x128xf32, #tpu.memory_space<hbm>>
    tpu.enqueue_indirect_dma source(%arg14 : memref<64x128xf32, #tpu.memory_space<vmem>>) target(%dma_start3A_1124 : memref<2048x128xf32, #tpu.memory_space<hbm>>) offsets(%arg15 : memref<64xi32, #tpu.memory_space<vmem>>) semaphore(%arg17 : memref<!tpu.dma_semaphore, #tpu.memory_space<semaphore_mem>>)
    %dma_wait3A_1125 = arith.constant 0 : i32
    %dma_wait3A_1126 = arith.constant 0 : i32
    %dma_wait3A_1127 = tpu.memref_slice %arg4[%dma_wait3A_1125, %dma_wait3A_1126] : memref<2048x128xf32, #tpu.memory_space<hbm>> -> memref<2048x128xf32, #tpu.memory_space<hbm>>
    tpu.wait_indirect_dma semaphore(%arg17 : memref<!tpu.dma_semaphore, #tpu.memory_space<semaphore_mem>>) src(%arg14 : memref<64x128xf32, #tpu.memory_space<vmem>>) dst(%dma_wait3A_1127 : memref<2048x128xf32, #tpu.memory_space<hbm>>)
    "tpu.region"() ({
      %run_scoped3A = tpu.sem_alloc : memref<!tpu.dma_semaphore, #tpu.memory_space<semaphore_mem>>
      %dma_start3A_1133 = tpu.memref_slice %arg5[%mul3A_12] : memref<2048xi32, #tpu.memory_space<hbm>> -> memref<64xi32, #tpu.memory_space<hbm>>
      %dma_start3A_1134 = tpu.memref_slice %arg5[%mul3A_12] : memref<2048xi32, #tpu.memory_space<hbm>> -> memref<64xi32, #tpu.memory_space<hbm>>
      tpu.enqueue_dma source(%arg15 : memref<64xi32, #tpu.memory_space<vmem>>) target(%dma_start3A_1134 : memref<64xi32, #tpu.memory_space<hbm>>) target_semaphore(%run_scoped3A : memref<!tpu.dma_semaphore, #tpu.memory_space<semaphore_mem>>)
      %dma_wait3A_1135 = tpu.memref_slice %arg5[%mul3A_12] : memref<2048xi32, #tpu.memory_space<hbm>> -> memref<64xi32, #tpu.memory_space<hbm>>
      %dma_wait3A_1136 = tpu.memref_slice %arg5[%mul3A_12] : memref<2048xi32, #tpu.memory_space<hbm>> -> memref<64xi32, #tpu.memory_space<hbm>>
      tpu.wait_dma2 semaphore(%run_scoped3A : memref<!tpu.dma_semaphore, #tpu.memory_space<semaphore_mem>>) src(%arg15 : memref<64xi32, #tpu.memory_space<vmem>>) dst(%dma_wait3A_1136 : memref<64xi32, #tpu.memory_space<hbm>>)
      tpu.yield
    }) : () -> ()
    %eq3A_1128 = arith.constant 0 : i32
    %eq3A_1129 = arith.cmpi eq, %arg0, %eq3A_1128 : i32
    %eq3A_1130 = arith.constant 0 : i32
    %eq3A_1131 = arith.cmpi eq, %arg1, %eq3A_1130 : i32
    %and3A = arith.andi %eq3A_1129, %eq3A_1131 : i1
    %convert_element_type3A = arith.extui %and3A : i1 to i32
    %cond3A = arith.constant 0 : i32
    %cond3A_1132 = arith.cmpi ne, %convert_element_type3A, %cond3A : i32
    scf.if %cond3A_1132 {
      "tpu.region"() ({
        %run_scoped3A = tpu.sem_alloc : memref<!tpu.dma_semaphore, #tpu.memory_space<semaphore_mem>>
        tpu.enqueue_dma source(%arg16 : memref<16xi32, #tpu.memory_space<vmem>>) target(%arg6 : memref<16xi32, #tpu.memory_space<hbm>>) target_semaphore(%run_scoped3A : memref<!tpu.dma_semaphore, #tpu.memory_space<semaphore_mem>>)
        tpu.wait_dma2 semaphore(%run_scoped3A : memref<!tpu.dma_semaphore, #tpu.memory_space<semaphore_mem>>) src(%arg16 : memref<16xi32, #tpu.memory_space<vmem>>) dst(%arg6 : memref<16xi32, #tpu.memory_space<hbm>>)
        tpu.yield
      }) : () -> ()
    } else {
    }
    return
  }
}

module attributes {stable_mosaic.version = 14 : i64} {
  func.func @_tc_body(%arg0: i32, %arg1: memref<16xi32, #tpu.memory_space<smem>>, %arg2: memref<256x128xf32, #tpu.memory_space<vmem>>, %arg3: memref<16x128x128xf32, #tpu.memory_space<vmem>>, %arg4: memref<16x128xf32, #tpu.memory_space<vmem>>, %arg5: memref<16x128x128xf32, #tpu.memory_space<vmem>>, %arg6: memref<16x128xf32, #tpu.memory_space<vmem>>, %arg7: memref<256x128xf32, #tpu.memory_space<vmem>>) attributes {dimension_semantics = [#tpu.dimension_semantics<arbitrary>], iteration_bounds = array<i64: 8>, scalar_prefetch = 0 : i64, scratch_operands = 0 : i64, tpu.core_type = #tpu.core_type<tc>, window_params = [{transform_indices = @transform_0, window_bounds = array<i64: 16>}, {transform_indices = @transform_1, window_bounds = array<i64: 256, 128>}, {pipeline_mode = #tpu.pipeline_mode<synchronous>, transform_indices = @transform_2, window_bounds = array<i64: 16, 128, 128>}, {pipeline_mode = #tpu.pipeline_mode<synchronous>, transform_indices = @transform_3, window_bounds = array<i64: 16, 128>}, {pipeline_mode = #tpu.pipeline_mode<synchronous>, transform_indices = @transform_4, window_bounds = array<i64: 16, 128, 128>}, {pipeline_mode = #tpu.pipeline_mode<synchronous>, transform_indices = @transform_5, window_bounds = array<i64: 16, 128>}, {transform_indices = @transform_6, window_bounds = array<i64: 256, 128>}]} {
    %get3A = arith.constant 0 : index
    %get3A_0 = arith.constant 0 : index
    %get3A_1 = vector.load %arg2[%get3A, %get3A_0] : memref<256x128xf32, #tpu.memory_space<vmem>>, vector<256x128xf32>
    %iota3A = tpu.iota {dimensions = array<i32: 0>} : vector<256x128xi32>
    %mul3A = arith.constant 256 : i32
    %mul3A_2 = arith.muli %arg0, %mul3A : i32
    %add3A = vector.broadcast %mul3A_2 : i32 to vector<256x128xi32>
    %add3A_3 = arith.addi %iota3A, %add3A : vector<256x128xi32>
    %broadcast_in_dim3A = arith.constant 0.000000e+00 : f32
    %broadcast_in_dim3A_4 = vector.broadcast %broadcast_in_dim3A : f32 to vector<256x128xf32>
    %swap3A = arith.constant 0 : index
    %swap3A_5 = arith.constant 0 : index
    %swap3A_6 = vector.load %arg7[%swap3A, %swap3A_5] : memref<256x128xf32, #tpu.memory_space<vmem>>, vector<256x128xf32>
    tpu.vector_store %arg7[%swap3A, %swap3A_5], %broadcast_in_dim3A_4 {strides = array<i32>} : memref<256x128xf32, #tpu.memory_space<vmem>>, vector<256x128xf32>,
    %get3A_7 = arith.constant 0 : index
    %get3A_8 = memref.load %arg1[%get3A_7] : memref<16xi32, #tpu.memory_space<smem>>
    %mul3A_9 = arith.constant 256 : i32
    %mul3A_10 = arith.muli %arg0, %mul3A_9 : i32
    %gt3A = arith.cmpi sgt, %get3A_8, %mul3A_10 : i32
    %add3A_11 = arith.constant 1 : i32
    %add3A_12 = arith.addi %arg0, %add3A_11 : i32
    %mul3A_13 = arith.constant 256 : i32
    %mul3A_14 = arith.muli %add3A_12, %mul3A_13 : i32
    %lt3A = arith.constant 0 : i32
    %lt3A_15 = arith.cmpi slt, %lt3A, %mul3A_14 : i32
    %and3A = arith.andi %gt3A, %lt3A_15 : i1
    %convert_element_type3A = arith.extui %and3A : i1 to i32
    %cond3A = arith.constant 0 : i32
    %cond3A_16 = arith.constant 0 : i32
    %cond3A_17 = arith.cmpi ne, %convert_element_type3A, %cond3A_16 : i32
    scf.if %cond3A_17 {
      %get3A_258 = arith.constant 0 : index
      %get3A_259 = arith.constant 0 : index
      %get3A_260 = arith.constant 0 : index
      %get3A_261 = vector.load %arg3[%get3A_258, %get3A_259, %get3A_260] : memref<16x128x128xf32, #tpu.memory_space<vmem>>, vector<1x128x128xf32>
      %get3A_262 = vector.shape_cast %get3A_261 : vector<1x128x128xf32> to vector<128x128xf32>
      %dot_general3A = arith.constant dense<0.000000e+00> : vector<256x128xf32>
      %dot_general3A_263 = tpu.matmul %get3A_1, %get3A_262, %dot_general3A {dimension_numbers = #tpu.dot_dimension_numbers<[1], [1], [0], [0], [0, 0, 1, 0], [], []>, transpose_lhs_hint = false} : vector<256x128xf32>, vector<128x128xf32>, vector<256x128xf32> -> vector<256x128xf32>
      %get3A_264 = arith.constant 0 : index
      %get3A_265 = arith.constant 0 : index
      %get3A_266 = vector.load %arg4[%get3A_264, %get3A_265] : memref<16x128xf32, #tpu.memory_space<vmem>>, vector<1x128xf32>
      %add3A_267 = vector.broadcast %get3A_266 : vector<1x128xf32> to vector<256x128xf32>
      %add3A_268 = arith.addf %dot_general3A_263, %add3A_267 : vector<256x128xf32>
      %max3A = arith.constant 0.000000e+00 : f32
      %max3A_269 = vector.broadcast %max3A : f32 to vector<256x128xf32>
      %max3A_270 = arith.maximumf %add3A_268, %max3A_269 : vector<256x128xf32>
      %get3A_271 = arith.constant 0 : index
      %get3A_272 = arith.constant 0 : index
      %get3A_273 = arith.constant 0 : index
      %get3A_274 = vector.load %arg5[%get3A_271, %get3A_272, %get3A_273] : memref<16x128x128xf32, #tpu.memory_space<vmem>>, vector<1x128x128xf32>
      %get3A_275 = vector.shape_cast %get3A_274 : vector<1x128x128xf32> to vector<128x128xf32>
      %dot_general3A_276 = arith.constant dense<0.000000e+00> : vector<256x128xf32>
      %dot_general3A_277 = tpu.matmul %max3A_270, %get3A_275, %dot_general3A_276 {dimension_numbers = #tpu.dot_dimension_numbers<[1], [1], [0], [0], [0, 0, 1, 0], [], []>, transpose_lhs_hint = false} : vector<256x128xf32>, vector<128x128xf32>, vector<256x128xf32> -> vector<256x128xf32>
      %get3A_278 = arith.constant 0 : index
      %get3A_279 = arith.constant 0 : index
      %get3A_280 = vector.load %arg6[%get3A_278, %get3A_279] : memref<16x128xf32, #tpu.memory_space<vmem>>, vector<1x128xf32>
      %add3A_281 = vector.broadcast %get3A_280 : vector<1x128xf32> to vector<256x128xf32>
      %add3A_282 = arith.addf %dot_general3A_277, %add3A_281 : vector<256x128xf32>
      %ge3A = vector.broadcast %cond3A : i32 to vector<256x128xi32>
      %ge3A_283 = arith.cmpi sge, %add3A_3, %ge3A : vector<256x128xi32>
      %lt3A_284 = vector.broadcast %get3A_8 : i32 to vector<256x128xi32>
      %lt3A_285 = arith.cmpi slt, %add3A_3, %lt3A_284 : vector<256x128xi32>
      %and3A_286 = arith.andi %ge3A_283, %lt3A_285 : vector<256x128xi1>
      %get3A_287 = arith.constant 0 : index
      %get3A_288 = arith.constant 0 : index
      %get3A_289 = vector.load %arg7[%get3A_287, %get3A_288] : memref<256x128xf32, #tpu.memory_space<vmem>>, vector<256x128xf32>
      %select_n3A = arith.select %and3A_286, %add3A_282, %get3A_289 : vector<256x128xi1>, vector<256x128xf32>
      %swap3A_290 = arith.constant 0 : index
      %swap3A_291 = arith.constant 0 : index
      %swap3A_292 = vector.load %arg7[%swap3A_290, %swap3A_291] : memref<256x128xf32, #tpu.memory_space<vmem>>, vector<256x128xf32>
      tpu.vector_store %arg7[%swap3A_290, %swap3A_291], %select_n3A {strides = array<i32>} : memref<256x128xf32, #tpu.memory_space<vmem>>, vector<256x128xf32>,
    } else {
    }
    %get3A_18 = arith.constant 1 : index
    %get3A_19 = memref.load %arg1[%get3A_18] : memref<16xi32, #tpu.memory_space<smem>>
    %get3A_20 = arith.constant 0 : index
    %get3A_21 = memref.load %arg1[%get3A_20] : memref<16xi32, #tpu.memory_space<smem>>
    %mul3A_22 = arith.constant 256 : i32
    %mul3A_23 = arith.muli %arg0, %mul3A_22 : i32
    %gt3A_24 = arith.cmpi sgt, %get3A_19, %mul3A_23 : i32
    %add3A_25 = arith.constant 1 : i32
    %add3A_26 = arith.addi %arg0, %add3A_25 : i32
    %mul3A_27 = arith.constant 256 : i32
    %mul3A_28 = arith.muli %add3A_26, %mul3A_27 : i32
    %lt3A_29 = arith.cmpi slt, %get3A_21, %mul3A_28 : i32
    %and3A_30 = arith.andi %gt3A_24, %lt3A_29 : i1
    %convert_element_type3A_31 = arith.extui %and3A_30 : i1 to i32
    %cond3A_32 = arith.constant 0 : i32
    %cond3A_33 = arith.cmpi ne, %convert_element_type3A_31, %cond3A_32 : i32
    scf.if %cond3A_33 {
      %get3A_258 = arith.constant 1 : index
      %get3A_259 = arith.constant 0 : index
      %get3A_260 = arith.constant 0 : index
      %get3A_261 = vector.load %arg3[%get3A_258, %get3A_259, %get3A_260] : memref<16x128x128xf32, #tpu.memory_space<vmem>>, vector<1x128x128xf32>
      %get3A_262 = vector.shape_cast %get3A_261 : vector<1x128x128xf32> to vector<128x128xf32>
      %dot_general3A = arith.constant dense<0.000000e+00> : vector<256x128xf32>
      %dot_general3A_263 = tpu.matmul %get3A_1, %get3A_262, %dot_general3A {dimension_numbers = #tpu.dot_dimension_numbers<[1], [1], [0], [0], [0, 0, 1, 0], [], []>, transpose_lhs_hint = false} : vector<256x128xf32>, vector<128x128xf32>, vector<256x128xf32> -> vector<256x128xf32>
      %get3A_264 = arith.constant 1 : index
      %get3A_265 = arith.constant 0 : index
      %get3A_266 = vector.load %arg4[%get3A_264, %get3A_265] : memref<16x128xf32, #tpu.memory_space<vmem>>, vector<1x128xf32>
      %add3A_267 = vector.broadcast %get3A_266 : vector<1x128xf32> to vector<256x128xf32>
      %add3A_268 = arith.addf %dot_general3A_263, %add3A_267 : vector<256x128xf32>
      %max3A = arith.constant 0.000000e+00 : f32
      %max3A_269 = vector.broadcast %max3A : f32 to vector<256x128xf32>
      %max3A_270 = arith.maximumf %add3A_268, %max3A_269 : vector<256x128xf32>
      %get3A_271 = arith.constant 1 : index
      %get3A_272 = arith.constant 0 : index
      %get3A_273 = arith.constant 0 : index
      %get3A_274 = vector.load %arg5[%get3A_271, %get3A_272, %get3A_273] : memref<16x128x128xf32, #tpu.memory_space<vmem>>, vector<1x128x128xf32>
      %get3A_275 = vector.shape_cast %get3A_274 : vector<1x128x128xf32> to vector<128x128xf32>
      %dot_general3A_276 = arith.constant dense<0.000000e+00> : vector<256x128xf32>
      %dot_general3A_277 = tpu.matmul %max3A_270, %get3A_275, %dot_general3A_276 {dimension_numbers = #tpu.dot_dimension_numbers<[1], [1], [0], [0], [0, 0, 1, 0], [], []>, transpose_lhs_hint = false} : vector<256x128xf32>, vector<128x128xf32>, vector<256x128xf32> -> vector<256x128xf32>
      %get3A_278 = arith.constant 1 : index
      %get3A_279 = arith.constant 0 : index
      %get3A_280 = vector.load %arg6[%get3A_278, %get3A_279] : memref<16x128xf32, #tpu.memory_space<vmem>>, vector<1x128xf32>
      %add3A_281 = vector.broadcast %get3A_280 : vector<1x128xf32> to vector<256x128xf32>
      %add3A_282 = arith.addf %dot_general3A_277, %add3A_281 : vector<256x128xf32>
      %ge3A = vector.broadcast %get3A_21 : i32 to vector<256x128xi32>
      %ge3A_283 = arith.cmpi sge, %add3A_3, %ge3A : vector<256x128xi32>
      %lt3A_284 = vector.broadcast %get3A_19 : i32 to vector<256x128xi32>
      %lt3A_285 = arith.cmpi slt, %add3A_3, %lt3A_284 : vector<256x128xi32>
      %and3A_286 = arith.andi %ge3A_283, %lt3A_285 : vector<256x128xi1>
      %get3A_287 = arith.constant 0 : index
      %get3A_288 = arith.constant 0 : index
      %get3A_289 = vector.load %arg7[%get3A_287, %get3A_288] : memref<256x128xf32, #tpu.memory_space<vmem>>, vector<256x128xf32>
      %select_n3A = arith.select %and3A_286, %add3A_282, %get3A_289 : vector<256x128xi1>, vector<256x128xf32>
      %swap3A_290 = arith.constant 0 : index
      %swap3A_291 = arith.constant 0 : index
      %swap3A_292 = vector.load %arg7[%swap3A_290, %swap3A_291] : memref<256x128xf32, #tpu.memory_space<vmem>>, vector<256x128xf32>
      tpu.vector_store %arg7[%swap3A_290, %swap3A_291], %select_n3A {strides = array<i32>} : memref<256x128xf32, #tpu.memory_space<vmem>>, vector<256x128xf32>,
    } else {
    }
    %get3A_34 = arith.constant 2 : index
    %get3A_35 = memref.load %arg1[%get3A_34] : memref<16xi32, #tpu.memory_space<smem>>
    %get3A_36 = arith.constant 1 : index
    %get3A_37 = memref.load %arg1[%get3A_36] : memref<16xi32, #tpu.memory_space<smem>>
    %mul3A_38 = arith.constant 256 : i32
    %mul3A_39 = arith.muli %arg0, %mul3A_38 : i32
    %gt3A_40 = arith.cmpi sgt, %get3A_35, %mul3A_39 : i32
    %add3A_41 = arith.constant 1 : i32
    %add3A_42 = arith.addi %arg0, %add3A_41 : i32
    %mul3A_43 = arith.constant 256 : i32
    %mul3A_44 = arith.muli %add3A_42, %mul3A_43 : i32
    %lt3A_45 = arith.cmpi slt, %get3A_37, %mul3A_44 : i32
    %and3A_46 = arith.andi %gt3A_40, %lt3A_45 : i1
    %convert_element_type3A_47 = arith.extui %and3A_46 : i1 to i32
    %cond3A_48 = arith.constant 0 : i32
    %cond3A_49 = arith.cmpi ne, %convert_element_type3A_47, %cond3A_48 : i32
    scf.if %cond3A_49 {
      %get3A_258 = arith.constant 2 : index
      %get3A_259 = arith.constant 0 : index
      %get3A_260 = arith.constant 0 : index
      %get3A_261 = vector.load %arg3[%get3A_258, %get3A_259, %get3A_260] : memref<16x128x128xf32, #tpu.memory_space<vmem>>, vector<1x128x128xf32>
      %get3A_262 = vector.shape_cast %get3A_261 : vector<1x128x128xf32> to vector<128x128xf32>
      %dot_general3A = arith.constant dense<0.000000e+00> : vector<256x128xf32>
      %dot_general3A_263 = tpu.matmul %get3A_1, %get3A_262, %dot_general3A {dimension_numbers = #tpu.dot_dimension_numbers<[1], [1], [0], [0], [0, 0, 1, 0], [], []>, transpose_lhs_hint = false} : vector<256x128xf32>, vector<128x128xf32>, vector<256x128xf32> -> vector<256x128xf32>
      %get3A_264 = arith.constant 2 : index
      %get3A_265 = arith.constant 0 : index
      %get3A_266 = vector.load %arg4[%get3A_264, %get3A_265] : memref<16x128xf32, #tpu.memory_space<vmem>>, vector<1x128xf32>
      %add3A_267 = vector.broadcast %get3A_266 : vector<1x128xf32> to vector<256x128xf32>
      %add3A_268 = arith.addf %dot_general3A_263, %add3A_267 : vector<256x128xf32>
      %max3A = arith.constant 0.000000e+00 : f32
      %max3A_269 = vector.broadcast %max3A : f32 to vector<256x128xf32>
      %max3A_270 = arith.maximumf %add3A_268, %max3A_269 : vector<256x128xf32>
      %get3A_271 = arith.constant 2 : index
      %get3A_272 = arith.constant 0 : index
      %get3A_273 = arith.constant 0 : index
      %get3A_274 = vector.load %arg5[%get3A_271, %get3A_272, %get3A_273] : memref<16x128x128xf32, #tpu.memory_space<vmem>>, vector<1x128x128xf32>
      %get3A_275 = vector.shape_cast %get3A_274 : vector<1x128x128xf32> to vector<128x128xf32>
      %dot_general3A_276 = arith.constant dense<0.000000e+00> : vector<256x128xf32>
      %dot_general3A_277 = tpu.matmul %max3A_270, %get3A_275, %dot_general3A_276 {dimension_numbers = #tpu.dot_dimension_numbers<[1], [1], [0], [0], [0, 0, 1, 0], [], []>, transpose_lhs_hint = false} : vector<256x128xf32>, vector<128x128xf32>, vector<256x128xf32> -> vector<256x128xf32>
      %get3A_278 = arith.constant 2 : index
      %get3A_279 = arith.constant 0 : index
      %get3A_280 = vector.load %arg6[%get3A_278, %get3A_279] : memref<16x128xf32, #tpu.memory_space<vmem>>, vector<1x128xf32>
      %add3A_281 = vector.broadcast %get3A_280 : vector<1x128xf32> to vector<256x128xf32>
      %add3A_282 = arith.addf %dot_general3A_277, %add3A_281 : vector<256x128xf32>
      %ge3A = vector.broadcast %get3A_37 : i32 to vector<256x128xi32>
      %ge3A_283 = arith.cmpi sge, %add3A_3, %ge3A : vector<256x128xi32>
      %lt3A_284 = vector.broadcast %get3A_35 : i32 to vector<256x128xi32>
      %lt3A_285 = arith.cmpi slt, %add3A_3, %lt3A_284 : vector<256x128xi32>
      %and3A_286 = arith.andi %ge3A_283, %lt3A_285 : vector<256x128xi1>
      %get3A_287 = arith.constant 0 : index
      %get3A_288 = arith.constant 0 : index
      %get3A_289 = vector.load %arg7[%get3A_287, %get3A_288] : memref<256x128xf32, #tpu.memory_space<vmem>>, vector<256x128xf32>
      %select_n3A = arith.select %and3A_286, %add3A_282, %get3A_289 : vector<256x128xi1>, vector<256x128xf32>
      %swap3A_290 = arith.constant 0 : index
      %swap3A_291 = arith.constant 0 : index
      %swap3A_292 = vector.load %arg7[%swap3A_290, %swap3A_291] : memref<256x128xf32, #tpu.memory_space<vmem>>, vector<256x128xf32>
      tpu.vector_store %arg7[%swap3A_290, %swap3A_291], %select_n3A {strides = array<i32>} : memref<256x128xf32, #tpu.memory_space<vmem>>, vector<256x128xf32>,
    } else {
    }
    %get3A_50 = arith.constant 3 : index
    %get3A_51 = memref.load %arg1[%get3A_50] : memref<16xi32, #tpu.memory_space<smem>>
    %get3A_52 = arith.constant 2 : index
    %get3A_53 = memref.load %arg1[%get3A_52] : memref<16xi32, #tpu.memory_space<smem>>
    %mul3A_54 = arith.constant 256 : i32
    %mul3A_55 = arith.muli %arg0, %mul3A_54 : i32
    %gt3A_56 = arith.cmpi sgt, %get3A_51, %mul3A_55 : i32
    %add3A_57 = arith.constant 1 : i32
    %add3A_58 = arith.addi %arg0, %add3A_57 : i32
    %mul3A_59 = arith.constant 256 : i32
    %mul3A_60 = arith.muli %add3A_58, %mul3A_59 : i32
    %lt3A_61 = arith.cmpi slt, %get3A_53, %mul3A_60 : i32
    %and3A_62 = arith.andi %gt3A_56, %lt3A_61 : i1
    %convert_element_type3A_63 = arith.extui %and3A_62 : i1 to i32
    %cond3A_64 = arith.constant 0 : i32
    %cond3A_65 = arith.cmpi ne, %convert_element_type3A_63, %cond3A_64 : i32
    scf.if %cond3A_65 {
      %get3A_258 = arith.constant 3 : index
      %get3A_259 = arith.constant 0 : index
      %get3A_260 = arith.constant 0 : index
      %get3A_261 = vector.load %arg3[%get3A_258, %get3A_259, %get3A_260] : memref<16x128x128xf32, #tpu.memory_space<vmem>>, vector<1x128x128xf32>
      %get3A_262 = vector.shape_cast %get3A_261 : vector<1x128x128xf32> to vector<128x128xf32>
      %dot_general3A = arith.constant dense<0.000000e+00> : vector<256x128xf32>
      %dot_general3A_263 = tpu.matmul %get3A_1, %get3A_262, %dot_general3A {dimension_numbers = #tpu.dot_dimension_numbers<[1], [1], [0], [0], [0, 0, 1, 0], [], []>, transpose_lhs_hint = false} : vector<256x128xf32>, vector<128x128xf32>, vector<256x128xf32> -> vector<256x128xf32>
      %get3A_264 = arith.constant 3 : index
      %get3A_265 = arith.constant 0 : index
      %get3A_266 = vector.load %arg4[%get3A_264, %get3A_265] : memref<16x128xf32, #tpu.memory_space<vmem>>, vector<1x128xf32>
      %add3A_267 = vector.broadcast %get3A_266 : vector<1x128xf32> to vector<256x128xf32>
      %add3A_268 = arith.addf %dot_general3A_263, %add3A_267 : vector<256x128xf32>
      %max3A = arith.constant 0.000000e+00 : f32
      %max3A_269 = vector.broadcast %max3A : f32 to vector<256x128xf32>
      %max3A_270 = arith.maximumf %add3A_268, %max3A_269 : vector<256x128xf32>
      %get3A_271 = arith.constant 3 : index
      %get3A_272 = arith.constant 0 : index
      %get3A_273 = arith.constant 0 : index
      %get3A_274 = vector.load %arg5[%get3A_271, %get3A_272, %get3A_273] : memref<16x128x128xf32, #tpu.memory_space<vmem>>, vector<1x128x128xf32>
      %get3A_275 = vector.shape_cast %get3A_274 : vector<1x128x128xf32> to vector<128x128xf32>
      %dot_general3A_276 = arith.constant dense<0.000000e+00> : vector<256x128xf32>
      %dot_general3A_277 = tpu.matmul %max3A_270, %get3A_275, %dot_general3A_276 {dimension_numbers = #tpu.dot_dimension_numbers<[1], [1], [0], [0], [0, 0, 1, 0], [], []>, transpose_lhs_hint = false} : vector<256x128xf32>, vector<128x128xf32>, vector<256x128xf32> -> vector<256x128xf32>
      %get3A_278 = arith.constant 3 : index
      %get3A_279 = arith.constant 0 : index
      %get3A_280 = vector.load %arg6[%get3A_278, %get3A_279] : memref<16x128xf32, #tpu.memory_space<vmem>>, vector<1x128xf32>
      %add3A_281 = vector.broadcast %get3A_280 : vector<1x128xf32> to vector<256x128xf32>
      %add3A_282 = arith.addf %dot_general3A_277, %add3A_281 : vector<256x128xf32>
      %ge3A = vector.broadcast %get3A_53 : i32 to vector<256x128xi32>
      %ge3A_283 = arith.cmpi sge, %add3A_3, %ge3A : vector<256x128xi32>
      %lt3A_284 = vector.broadcast %get3A_51 : i32 to vector<256x128xi32>
      %lt3A_285 = arith.cmpi slt, %add3A_3, %lt3A_284 : vector<256x128xi32>
      %and3A_286 = arith.andi %ge3A_283, %lt3A_285 : vector<256x128xi1>
      %get3A_287 = arith.constant 0 : index
      %get3A_288 = arith.constant 0 : index
      %get3A_289 = vector.load %arg7[%get3A_287, %get3A_288] : memref<256x128xf32, #tpu.memory_space<vmem>>, vector<256x128xf32>
      %select_n3A = arith.select %and3A_286, %add3A_282, %get3A_289 : vector<256x128xi1>, vector<256x128xf32>
      %swap3A_290 = arith.constant 0 : index
      %swap3A_291 = arith.constant 0 : index
      %swap3A_292 = vector.load %arg7[%swap3A_290, %swap3A_291] : memref<256x128xf32, #tpu.memory_space<vmem>>, vector<256x128xf32>
      tpu.vector_store %arg7[%swap3A_290, %swap3A_291], %select_n3A {strides = array<i32>} : memref<256x128xf32, #tpu.memory_space<vmem>>, vector<256x128xf32>,
    } else {
    }
    %get3A_66 = arith.constant 4 : index
    %get3A_67 = memref.load %arg1[%get3A_66] : memref<16xi32, #tpu.memory_space<smem>>
    %get3A_68 = arith.constant 3 : index
    %get3A_69 = memref.load %arg1[%get3A_68] : memref<16xi32, #tpu.memory_space<smem>>
    %mul3A_70 = arith.constant 256 : i32
    %mul3A_71 = arith.muli %arg0, %mul3A_70 : i32
    %gt3A_72 = arith.cmpi sgt, %get3A_67, %mul3A_71 : i32
    %add3A_73 = arith.constant 1 : i32
    %add3A_74 = arith.addi %arg0, %add3A_73 : i32
    %mul3A_75 = arith.constant 256 : i32
    %mul3A_76 = arith.muli %add3A_74, %mul3A_75 : i32
    %lt3A_77 = arith.cmpi slt, %get3A_69, %mul3A_76 : i32
    %and3A_78 = arith.andi %gt3A_72, %lt3A_77 : i1
    %convert_element_type3A_79 = arith.extui %and3A_78 : i1 to i32
    %cond3A_80 = arith.constant 0 : i32
    %cond3A_81 = arith.cmpi ne, %convert_element_type3A_79, %cond3A_80 : i32
    scf.if %cond3A_81 {
      %get3A_258 = arith.constant 4 : index
      %get3A_259 = arith.constant 0 : index
      %get3A_260 = arith.constant 0 : index
      %get3A_261 = vector.load %arg3[%get3A_258, %get3A_259, %get3A_260] : memref<16x128x128xf32, #tpu.memory_space<vmem>>, vector<1x128x128xf32>
      %get3A_262 = vector.shape_cast %get3A_261 : vector<1x128x128xf32> to vector<128x128xf32>
      %dot_general3A = arith.constant dense<0.000000e+00> : vector<256x128xf32>
      %dot_general3A_263 = tpu.matmul %get3A_1, %get3A_262, %dot_general3A {dimension_numbers = #tpu.dot_dimension_numbers<[1], [1], [0], [0], [0, 0, 1, 0], [], []>, transpose_lhs_hint = false} : vector<256x128xf32>, vector<128x128xf32>, vector<256x128xf32> -> vector<256x128xf32>
      %get3A_264 = arith.constant 4 : index
      %get3A_265 = arith.constant 0 : index
      %get3A_266 = vector.load %arg4[%get3A_264, %get3A_265] : memref<16x128xf32, #tpu.memory_space<vmem>>, vector<1x128xf32>
      %add3A_267 = vector.broadcast %get3A_266 : vector<1x128xf32> to vector<256x128xf32>
      %add3A_268 = arith.addf %dot_general3A_263, %add3A_267 : vector<256x128xf32>
      %max3A = arith.constant 0.000000e+00 : f32
      %max3A_269 = vector.broadcast %max3A : f32 to vector<256x128xf32>
      %max3A_270 = arith.maximumf %add3A_268, %max3A_269 : vector<256x128xf32>
      %get3A_271 = arith.constant 4 : index
      %get3A_272 = arith.constant 0 : index
      %get3A_273 = arith.constant 0 : index
      %get3A_274 = vector.load %arg5[%get3A_271, %get3A_272, %get3A_273] : memref<16x128x128xf32, #tpu.memory_space<vmem>>, vector<1x128x128xf32>
      %get3A_275 = vector.shape_cast %get3A_274 : vector<1x128x128xf32> to vector<128x128xf32>
      %dot_general3A_276 = arith.constant dense<0.000000e+00> : vector<256x128xf32>
      %dot_general3A_277 = tpu.matmul %max3A_270, %get3A_275, %dot_general3A_276 {dimension_numbers = #tpu.dot_dimension_numbers<[1], [1], [0], [0], [0, 0, 1, 0], [], []>, transpose_lhs_hint = false} : vector<256x128xf32>, vector<128x128xf32>, vector<256x128xf32> -> vector<256x128xf32>
      %get3A_278 = arith.constant 4 : index
      %get3A_279 = arith.constant 0 : index
      %get3A_280 = vector.load %arg6[%get3A_278, %get3A_279] : memref<16x128xf32, #tpu.memory_space<vmem>>, vector<1x128xf32>
      %add3A_281 = vector.broadcast %get3A_280 : vector<1x128xf32> to vector<256x128xf32>
      %add3A_282 = arith.addf %dot_general3A_277, %add3A_281 : vector<256x128xf32>
      %ge3A = vector.broadcast %get3A_69 : i32 to vector<256x128xi32>
      %ge3A_283 = arith.cmpi sge, %add3A_3, %ge3A : vector<256x128xi32>
      %lt3A_284 = vector.broadcast %get3A_67 : i32 to vector<256x128xi32>
      %lt3A_285 = arith.cmpi slt, %add3A_3, %lt3A_284 : vector<256x128xi32>
      %and3A_286 = arith.andi %ge3A_283, %lt3A_285 : vector<256x128xi1>
      %get3A_287 = arith.constant 0 : index
      %get3A_288 = arith.constant 0 : index
      %get3A_289 = vector.load %arg7[%get3A_287, %get3A_288] : memref<256x128xf32, #tpu.memory_space<vmem>>, vector<256x128xf32>
      %select_n3A = arith.select %and3A_286, %add3A_282, %get3A_289 : vector<256x128xi1>, vector<256x128xf32>
      %swap3A_290 = arith.constant 0 : index
      %swap3A_291 = arith.constant 0 : index
      %swap3A_292 = vector.load %arg7[%swap3A_290, %swap3A_291] : memref<256x128xf32, #tpu.memory_space<vmem>>, vector<256x128xf32>
      tpu.vector_store %arg7[%swap3A_290, %swap3A_291], %select_n3A {strides = array<i32>} : memref<256x128xf32, #tpu.memory_space<vmem>>, vector<256x128xf32>,
    } else {
    }
    %get3A_82 = arith.constant 5 : index
    %get3A_83 = memref.load %arg1[%get3A_82] : memref<16xi32, #tpu.memory_space<smem>>
    %get3A_84 = arith.constant 4 : index
    %get3A_85 = memref.load %arg1[%get3A_84] : memref<16xi32, #tpu.memory_space<smem>>
    %mul3A_86 = arith.constant 256 : i32
    %mul3A_87 = arith.muli %arg0, %mul3A_86 : i32
    %gt3A_88 = arith.cmpi sgt, %get3A_83, %mul3A_87 : i32
    %add3A_89 = arith.constant 1 : i32
    %add3A_90 = arith.addi %arg0, %add3A_89 : i32
    %mul3A_91 = arith.constant 256 : i32
    %mul3A_92 = arith.muli %add3A_90, %mul3A_91 : i32
    %lt3A_93 = arith.cmpi slt, %get3A_85, %mul3A_92 : i32
    %and3A_94 = arith.andi %gt3A_88, %lt3A_93 : i1
    %convert_element_type3A_95 = arith.extui %and3A_94 : i1 to i32
    %cond3A_96 = arith.constant 0 : i32
    %cond3A_97 = arith.cmpi ne, %convert_element_type3A_95, %cond3A_96 : i32
    scf.if %cond3A_97 {
      %get3A_258 = arith.constant 5 : index
      %get3A_259 = arith.constant 0 : index
      %get3A_260 = arith.constant 0 : index
      %get3A_261 = vector.load %arg3[%get3A_258, %get3A_259, %get3A_260] : memref<16x128x128xf32, #tpu.memory_space<vmem>>, vector<1x128x128xf32>
      %get3A_262 = vector.shape_cast %get3A_261 : vector<1x128x128xf32> to vector<128x128xf32>
      %dot_general3A = arith.constant dense<0.000000e+00> : vector<256x128xf32>
      %dot_general3A_263 = tpu.matmul %get3A_1, %get3A_262, %dot_general3A {dimension_numbers = #tpu.dot_dimension_numbers<[1], [1], [0], [0], [0, 0, 1, 0], [], []>, transpose_lhs_hint = false} : vector<256x128xf32>, vector<128x128xf32>, vector<256x128xf32> -> vector<256x128xf32>
      %get3A_264 = arith.constant 5 : index
      %get3A_265 = arith.constant 0 : index
      %get3A_266 = vector.load %arg4[%get3A_264, %get3A_265] : memref<16x128xf32, #tpu.memory_space<vmem>>, vector<1x128xf32>
      %add3A_267 = vector.broadcast %get3A_266 : vector<1x128xf32> to vector<256x128xf32>
      %add3A_268 = arith.addf %dot_general3A_263, %add3A_267 : vector<256x128xf32>
      %max3A = arith.constant 0.000000e+00 : f32
      %max3A_269 = vector.broadcast %max3A : f32 to vector<256x128xf32>
      %max3A_270 = arith.maximumf %add3A_268, %max3A_269 : vector<256x128xf32>
      %get3A_271 = arith.constant 5 : index
      %get3A_272 = arith.constant 0 : index
      %get3A_273 = arith.constant 0 : index
      %get3A_274 = vector.load %arg5[%get3A_271, %get3A_272, %get3A_273] : memref<16x128x128xf32, #tpu.memory_space<vmem>>, vector<1x128x128xf32>
      %get3A_275 = vector.shape_cast %get3A_274 : vector<1x128x128xf32> to vector<128x128xf32>
      %dot_general3A_276 = arith.constant dense<0.000000e+00> : vector<256x128xf32>
      %dot_general3A_277 = tpu.matmul %max3A_270, %get3A_275, %dot_general3A_276 {dimension_numbers = #tpu.dot_dimension_numbers<[1], [1], [0], [0], [0, 0, 1, 0], [], []>, transpose_lhs_hint = false} : vector<256x128xf32>, vector<128x128xf32>, vector<256x128xf32> -> vector<256x128xf32>
      %get3A_278 = arith.constant 5 : index
      %get3A_279 = arith.constant 0 : index
      %get3A_280 = vector.load %arg6[%get3A_278, %get3A_279] : memref<16x128xf32, #tpu.memory_space<vmem>>, vector<1x128xf32>
      %add3A_281 = vector.broadcast %get3A_280 : vector<1x128xf32> to vector<256x128xf32>
      %add3A_282 = arith.addf %dot_general3A_277, %add3A_281 : vector<256x128xf32>
      %ge3A = vector.broadcast %get3A_85 : i32 to vector<256x128xi32>
      %ge3A_283 = arith.cmpi sge, %add3A_3, %ge3A : vector<256x128xi32>
      %lt3A_284 = vector.broadcast %get3A_83 : i32 to vector<256x128xi32>
      %lt3A_285 = arith.cmpi slt, %add3A_3, %lt3A_284 : vector<256x128xi32>
      %and3A_286 = arith.andi %ge3A_283, %lt3A_285 : vector<256x128xi1>
      %get3A_287 = arith.constant 0 : index
      %get3A_288 = arith.constant 0 : index
      %get3A_289 = vector.load %arg7[%get3A_287, %get3A_288] : memref<256x128xf32, #tpu.memory_space<vmem>>, vector<256x128xf32>
      %select_n3A = arith.select %and3A_286, %add3A_282, %get3A_289 : vector<256x128xi1>, vector<256x128xf32>
      %swap3A_290 = arith.constant 0 : index
      %swap3A_291 = arith.constant 0 : index
      %swap3A_292 = vector.load %arg7[%swap3A_290, %swap3A_291] : memref<256x128xf32, #tpu.memory_space<vmem>>, vector<256x128xf32>
      tpu.vector_store %arg7[%swap3A_290, %swap3A_291], %select_n3A {strides = array<i32>} : memref<256x128xf32, #tpu.memory_space<vmem>>, vector<256x128xf32>,
    } else {
    }
    %get3A_98 = arith.constant 6 : index
    %get3A_99 = memref.load %arg1[%get3A_98] : memref<16xi32, #tpu.memory_space<smem>>
    %get3A_100 = arith.constant 5 : index
    %get3A_101 = memref.load %arg1[%get3A_100] : memref<16xi32, #tpu.memory_space<smem>>
    %mul3A_102 = arith.constant 256 : i32
    %mul3A_103 = arith.muli %arg0, %mul3A_102 : i32
    %gt3A_104 = arith.cmpi sgt, %get3A_99, %mul3A_103 : i32
    %add3A_105 = arith.constant 1 : i32
    %add3A_106 = arith.addi %arg0, %add3A_105 : i32
    %mul3A_107 = arith.constant 256 : i32
    %mul3A_108 = arith.muli %add3A_106, %mul3A_107 : i32
    %lt3A_109 = arith.cmpi slt, %get3A_101, %mul3A_108 : i32
    %and3A_110 = arith.andi %gt3A_104, %lt3A_109 : i1
    %convert_element_type3A_111 = arith.extui %and3A_110 : i1 to i32
    %cond3A_112 = arith.constant 0 : i32
    %cond3A_113 = arith.cmpi ne, %convert_element_type3A_111, %cond3A_112 : i32
    scf.if %cond3A_113 {
      %get3A_258 = arith.constant 6 : index
      %get3A_259 = arith.constant 0 : index
      %get3A_260 = arith.constant 0 : index
      %get3A_261 = vector.load %arg3[%get3A_258, %get3A_259, %get3A_260] : memref<16x128x128xf32, #tpu.memory_space<vmem>>, vector<1x128x128xf32>
      %get3A_262 = vector.shape_cast %get3A_261 : vector<1x128x128xf32> to vector<128x128xf32>
      %dot_general3A = arith.constant dense<0.000000e+00> : vector<256x128xf32>
      %dot_general3A_263 = tpu.matmul %get3A_1, %get3A_262, %dot_general3A {dimension_numbers = #tpu.dot_dimension_numbers<[1], [1], [0], [0], [0, 0, 1, 0], [], []>, transpose_lhs_hint = false} : vector<256x128xf32>, vector<128x128xf32>, vector<256x128xf32> -> vector<256x128xf32>
      %get3A_264 = arith.constant 6 : index
      %get3A_265 = arith.constant 0 : index
      %get3A_266 = vector.load %arg4[%get3A_264, %get3A_265] : memref<16x128xf32, #tpu.memory_space<vmem>>, vector<1x128xf32>
      %add3A_267 = vector.broadcast %get3A_266 : vector<1x128xf32> to vector<256x128xf32>
      %add3A_268 = arith.addf %dot_general3A_263, %add3A_267 : vector<256x128xf32>
      %max3A = arith.constant 0.000000e+00 : f32
      %max3A_269 = vector.broadcast %max3A : f32 to vector<256x128xf32>
      %max3A_270 = arith.maximumf %add3A_268, %max3A_269 : vector<256x128xf32>
      %get3A_271 = arith.constant 6 : index
      %get3A_272 = arith.constant 0 : index
      %get3A_273 = arith.constant 0 : index
      %get3A_274 = vector.load %arg5[%get3A_271, %get3A_272, %get3A_273] : memref<16x128x128xf32, #tpu.memory_space<vmem>>, vector<1x128x128xf32>
      %get3A_275 = vector.shape_cast %get3A_274 : vector<1x128x128xf32> to vector<128x128xf32>
      %dot_general3A_276 = arith.constant dense<0.000000e+00> : vector<256x128xf32>
      %dot_general3A_277 = tpu.matmul %max3A_270, %get3A_275, %dot_general3A_276 {dimension_numbers = #tpu.dot_dimension_numbers<[1], [1], [0], [0], [0, 0, 1, 0], [], []>, transpose_lhs_hint = false} : vector<256x128xf32>, vector<128x128xf32>, vector<256x128xf32> -> vector<256x128xf32>
      %get3A_278 = arith.constant 6 : index
      %get3A_279 = arith.constant 0 : index
      %get3A_280 = vector.load %arg6[%get3A_278, %get3A_279] : memref<16x128xf32, #tpu.memory_space<vmem>>, vector<1x128xf32>
      %add3A_281 = vector.broadcast %get3A_280 : vector<1x128xf32> to vector<256x128xf32>
      %add3A_282 = arith.addf %dot_general3A_277, %add3A_281 : vector<256x128xf32>
      %ge3A = vector.broadcast %get3A_101 : i32 to vector<256x128xi32>
      %ge3A_283 = arith.cmpi sge, %add3A_3, %ge3A : vector<256x128xi32>
      %lt3A_284 = vector.broadcast %get3A_99 : i32 to vector<256x128xi32>
      %lt3A_285 = arith.cmpi slt, %add3A_3, %lt3A_284 : vector<256x128xi32>
      %and3A_286 = arith.andi %ge3A_283, %lt3A_285 : vector<256x128xi1>
      %get3A_287 = arith.constant 0 : index
      %get3A_288 = arith.constant 0 : index
      %get3A_289 = vector.load %arg7[%get3A_287, %get3A_288] : memref<256x128xf32, #tpu.memory_space<vmem>>, vector<256x128xf32>
      %select_n3A = arith.select %and3A_286, %add3A_282, %get3A_289 : vector<256x128xi1>, vector<256x128xf32>
      %swap3A_290 = arith.constant 0 : index
      %swap3A_291 = arith.constant 0 : index
      %swap3A_292 = vector.load %arg7[%swap3A_290, %swap3A_291] : memref<256x128xf32, #tpu.memory_space<vmem>>, vector<256x128xf32>
      tpu.vector_store %arg7[%swap3A_290, %swap3A_291], %select_n3A {strides = array<i32>} : memref<256x128xf32, #tpu.memory_space<vmem>>, vector<256x128xf32>,
    } else {
    }
    %get3A_114 = arith.constant 7 : index
    %get3A_115 = memref.load %arg1[%get3A_114] : memref<16xi32, #tpu.memory_space<smem>>
    %get3A_116 = arith.constant 6 : index
    %get3A_117 = memref.load %arg1[%get3A_116] : memref<16xi32, #tpu.memory_space<smem>>
    %mul3A_118 = arith.constant 256 : i32
    %mul3A_119 = arith.muli %arg0, %mul3A_118 : i32
    %gt3A_120 = arith.cmpi sgt, %get3A_115, %mul3A_119 : i32
    %add3A_121 = arith.constant 1 : i32
    %add3A_122 = arith.addi %arg0, %add3A_121 : i32
    %mul3A_123 = arith.constant 256 : i32
    %mul3A_124 = arith.muli %add3A_122, %mul3A_123 : i32
    %lt3A_125 = arith.cmpi slt, %get3A_117, %mul3A_124 : i32
    %and3A_126 = arith.andi %gt3A_120, %lt3A_125 : i1
    %convert_element_type3A_127 = arith.extui %and3A_126 : i1 to i32
    %cond3A_128 = arith.constant 0 : i32
    %cond3A_129 = arith.cmpi ne, %convert_element_type3A_127, %cond3A_128 : i32
    scf.if %cond3A_129 {
      %get3A_258 = arith.constant 7 : index
      %get3A_259 = arith.constant 0 : index
      %get3A_260 = arith.constant 0 : index
      %get3A_261 = vector.load %arg3[%get3A_258, %get3A_259, %get3A_260] : memref<16x128x128xf32, #tpu.memory_space<vmem>>, vector<1x128x128xf32>
      %get3A_262 = vector.shape_cast %get3A_261 : vector<1x128x128xf32> to vector<128x128xf32>
      %dot_general3A = arith.constant dense<0.000000e+00> : vector<256x128xf32>
      %dot_general3A_263 = tpu.matmul %get3A_1, %get3A_262, %dot_general3A {dimension_numbers = #tpu.dot_dimension_numbers<[1], [1], [0], [0], [0, 0, 1, 0], [], []>, transpose_lhs_hint = false} : vector<256x128xf32>, vector<128x128xf32>, vector<256x128xf32> -> vector<256x128xf32>
      %get3A_264 = arith.constant 7 : index
      %get3A_265 = arith.constant 0 : index
      %get3A_266 = vector.load %arg4[%get3A_264, %get3A_265] : memref<16x128xf32, #tpu.memory_space<vmem>>, vector<1x128xf32>
      %add3A_267 = vector.broadcast %get3A_266 : vector<1x128xf32> to vector<256x128xf32>
      %add3A_268 = arith.addf %dot_general3A_263, %add3A_267 : vector<256x128xf32>
      %max3A = arith.constant 0.000000e+00 : f32
      %max3A_269 = vector.broadcast %max3A : f32 to vector<256x128xf32>
      %max3A_270 = arith.maximumf %add3A_268, %max3A_269 : vector<256x128xf32>
      %get3A_271 = arith.constant 7 : index
      %get3A_272 = arith.constant 0 : index
      %get3A_273 = arith.constant 0 : index
      %get3A_274 = vector.load %arg5[%get3A_271, %get3A_272, %get3A_273] : memref<16x128x128xf32, #tpu.memory_space<vmem>>, vector<1x128x128xf32>
      %get3A_275 = vector.shape_cast %get3A_274 : vector<1x128x128xf32> to vector<128x128xf32>
      %dot_general3A_276 = arith.constant dense<0.000000e+00> : vector<256x128xf32>
      %dot_general3A_277 = tpu.matmul %max3A_270, %get3A_275, %dot_general3A_276 {dimension_numbers = #tpu.dot_dimension_numbers<[1], [1], [0], [0], [0, 0, 1, 0], [], []>, transpose_lhs_hint = false} : vector<256x128xf32>, vector<128x128xf32>, vector<256x128xf32> -> vector<256x128xf32>
      %get3A_278 = arith.constant 7 : index
      %get3A_279 = arith.constant 0 : index
      %get3A_280 = vector.load %arg6[%get3A_278, %get3A_279] : memref<16x128xf32, #tpu.memory_space<vmem>>, vector<1x128xf32>
      %add3A_281 = vector.broadcast %get3A_280 : vector<1x128xf32> to vector<256x128xf32>
      %add3A_282 = arith.addf %dot_general3A_277, %add3A_281 : vector<256x128xf32>
      %ge3A = vector.broadcast %get3A_117 : i32 to vector<256x128xi32>
      %ge3A_283 = arith.cmpi sge, %add3A_3, %ge3A : vector<256x128xi32>
      %lt3A_284 = vector.broadcast %get3A_115 : i32 to vector<256x128xi32>
      %lt3A_285 = arith.cmpi slt, %add3A_3, %lt3A_284 : vector<256x128xi32>
      %and3A_286 = arith.andi %ge3A_283, %lt3A_285 : vector<256x128xi1>
      %get3A_287 = arith.constant 0 : index
      %get3A_288 = arith.constant 0 : index
      %get3A_289 = vector.load %arg7[%get3A_287, %get3A_288] : memref<256x128xf32, #tpu.memory_space<vmem>>, vector<256x128xf32>
      %select_n3A = arith.select %and3A_286, %add3A_282, %get3A_289 : vector<256x128xi1>, vector<256x128xf32>
      %swap3A_290 = arith.constant 0 : index
      %swap3A_291 = arith.constant 0 : index
      %swap3A_292 = vector.load %arg7[%swap3A_290, %swap3A_291] : memref<256x128xf32, #tpu.memory_space<vmem>>, vector<256x128xf32>
      tpu.vector_store %arg7[%swap3A_290, %swap3A_291], %select_n3A {strides = array<i32>} : memref<256x128xf32, #tpu.memory_space<vmem>>, vector<256x128xf32>,
    } else {
    }
    %get3A_130 = arith.constant 8 : index
    %get3A_131 = memref.load %arg1[%get3A_130] : memref<16xi32, #tpu.memory_space<smem>>
    %get3A_132 = arith.constant 7 : index
    %get3A_133 = memref.load %arg1[%get3A_132] : memref<16xi32, #tpu.memory_space<smem>>
    %mul3A_134 = arith.constant 256 : i32
    %mul3A_135 = arith.muli %arg0, %mul3A_134 : i32
    %gt3A_136 = arith.cmpi sgt, %get3A_131, %mul3A_135 : i32
    %add3A_137 = arith.constant 1 : i32
    %add3A_138 = arith.addi %arg0, %add3A_137 : i32
    %mul3A_139 = arith.constant 256 : i32
    %mul3A_140 = arith.muli %add3A_138, %mul3A_139 : i32
    %lt3A_141 = arith.cmpi slt, %get3A_133, %mul3A_140 : i32
    %and3A_142 = arith.andi %gt3A_136, %lt3A_141 : i1
    %convert_element_type3A_143 = arith.extui %and3A_142 : i1 to i32
    %cond3A_144 = arith.constant 0 : i32
    %cond3A_145 = arith.cmpi ne, %convert_element_type3A_143, %cond3A_144 : i32
    scf.if %cond3A_145 {
      %get3A_258 = arith.constant 8 : index
      %get3A_259 = arith.constant 0 : index
      %get3A_260 = arith.constant 0 : index
      %get3A_261 = vector.load %arg3[%get3A_258, %get3A_259, %get3A_260] : memref<16x128x128xf32, #tpu.memory_space<vmem>>, vector<1x128x128xf32>
      %get3A_262 = vector.shape_cast %get3A_261 : vector<1x128x128xf32> to vector<128x128xf32>
      %dot_general3A = arith.constant dense<0.000000e+00> : vector<256x128xf32>
      %dot_general3A_263 = tpu.matmul %get3A_1, %get3A_262, %dot_general3A {dimension_numbers = #tpu.dot_dimension_numbers<[1], [1], [0], [0], [0, 0, 1, 0], [], []>, transpose_lhs_hint = false} : vector<256x128xf32>, vector<128x128xf32>, vector<256x128xf32> -> vector<256x128xf32>
      %get3A_264 = arith.constant 8 : index
      %get3A_265 = arith.constant 0 : index
      %get3A_266 = vector.load %arg4[%get3A_264, %get3A_265] : memref<16x128xf32, #tpu.memory_space<vmem>>, vector<1x128xf32>
      %add3A_267 = vector.broadcast %get3A_266 : vector<1x128xf32> to vector<256x128xf32>
      %add3A_268 = arith.addf %dot_general3A_263, %add3A_267 : vector<256x128xf32>
      %max3A = arith.constant 0.000000e+00 : f32
      %max3A_269 = vector.broadcast %max3A : f32 to vector<256x128xf32>
      %max3A_270 = arith.maximumf %add3A_268, %max3A_269 : vector<256x128xf32>
      %get3A_271 = arith.constant 8 : index
      %get3A_272 = arith.constant 0 : index
      %get3A_273 = arith.constant 0 : index
      %get3A_274 = vector.load %arg5[%get3A_271, %get3A_272, %get3A_273] : memref<16x128x128xf32, #tpu.memory_space<vmem>>, vector<1x128x128xf32>
      %get3A_275 = vector.shape_cast %get3A_274 : vector<1x128x128xf32> to vector<128x128xf32>
      %dot_general3A_276 = arith.constant dense<0.000000e+00> : vector<256x128xf32>
      %dot_general3A_277 = tpu.matmul %max3A_270, %get3A_275, %dot_general3A_276 {dimension_numbers = #tpu.dot_dimension_numbers<[1], [1], [0], [0], [0, 0, 1, 0], [], []>, transpose_lhs_hint = false} : vector<256x128xf32>, vector<128x128xf32>, vector<256x128xf32> -> vector<256x128xf32>
      %get3A_278 = arith.constant 8 : index
      %get3A_279 = arith.constant 0 : index
      %get3A_280 = vector.load %arg6[%get3A_278, %get3A_279] : memref<16x128xf32, #tpu.memory_space<vmem>>, vector<1x128xf32>
      %add3A_281 = vector.broadcast %get3A_280 : vector<1x128xf32> to vector<256x128xf32>
      %add3A_282 = arith.addf %dot_general3A_277, %add3A_281 : vector<256x128xf32>
      %ge3A = vector.broadcast %get3A_133 : i32 to vector<256x128xi32>
      %ge3A_283 = arith.cmpi sge, %add3A_3, %ge3A : vector<256x128xi32>
      %lt3A_284 = vector.broadcast %get3A_131 : i32 to vector<256x128xi32>
      %lt3A_285 = arith.cmpi slt, %add3A_3, %lt3A_284 : vector<256x128xi32>
      %and3A_286 = arith.andi %ge3A_283, %lt3A_285 : vector<256x128xi1>
      %get3A_287 = arith.constant 0 : index
      %get3A_288 = arith.constant 0 : index
      %get3A_289 = vector.load %arg7[%get3A_287, %get3A_288] : memref<256x128xf32, #tpu.memory_space<vmem>>, vector<256x128xf32>
      %select_n3A = arith.select %and3A_286, %add3A_282, %get3A_289 : vector<256x128xi1>, vector<256x128xf32>
      %swap3A_290 = arith.constant 0 : index
      %swap3A_291 = arith.constant 0 : index
      %swap3A_292 = vector.load %arg7[%swap3A_290, %swap3A_291] : memref<256x128xf32, #tpu.memory_space<vmem>>, vector<256x128xf32>
      tpu.vector_store %arg7[%swap3A_290, %swap3A_291], %select_n3A {strides = array<i32>} : memref<256x128xf32, #tpu.memory_space<vmem>>, vector<256x128xf32>,
    } else {
    }
    %get3A_146 = arith.constant 9 : index
    %get3A_147 = memref.load %arg1[%get3A_146] : memref<16xi32, #tpu.memory_space<smem>>
    %get3A_148 = arith.constant 8 : index
    %get3A_149 = memref.load %arg1[%get3A_148] : memref<16xi32, #tpu.memory_space<smem>>
    %mul3A_150 = arith.constant 256 : i32
    %mul3A_151 = arith.muli %arg0, %mul3A_150 : i32
    %gt3A_152 = arith.cmpi sgt, %get3A_147, %mul3A_151 : i32
    %add3A_153 = arith.constant 1 : i32
    %add3A_154 = arith.addi %arg0, %add3A_153 : i32
    %mul3A_155 = arith.constant 256 : i32
    %mul3A_156 = arith.muli %add3A_154, %mul3A_155 : i32
    %lt3A_157 = arith.cmpi slt, %get3A_149, %mul3A_156 : i32
    %and3A_158 = arith.andi %gt3A_152, %lt3A_157 : i1
    %convert_element_type3A_159 = arith.extui %and3A_158 : i1 to i32
    %cond3A_160 = arith.constant 0 : i32
    %cond3A_161 = arith.cmpi ne, %convert_element_type3A_159, %cond3A_160 : i32
    scf.if %cond3A_161 {
      %get3A_258 = arith.constant 9 : index
      %get3A_259 = arith.constant 0 : index
      %get3A_260 = arith.constant 0 : index
      %get3A_261 = vector.load %arg3[%get3A_258, %get3A_259, %get3A_260] : memref<16x128x128xf32, #tpu.memory_space<vmem>>, vector<1x128x128xf32>
      %get3A_262 = vector.shape_cast %get3A_261 : vector<1x128x128xf32> to vector<128x128xf32>
      %dot_general3A = arith.constant dense<0.000000e+00> : vector<256x128xf32>
      %dot_general3A_263 = tpu.matmul %get3A_1, %get3A_262, %dot_general3A {dimension_numbers = #tpu.dot_dimension_numbers<[1], [1], [0], [0], [0, 0, 1, 0], [], []>, transpose_lhs_hint = false} : vector<256x128xf32>, vector<128x128xf32>, vector<256x128xf32> -> vector<256x128xf32>
      %get3A_264 = arith.constant 9 : index
      %get3A_265 = arith.constant 0 : index
      %get3A_266 = vector.load %arg4[%get3A_264, %get3A_265] : memref<16x128xf32, #tpu.memory_space<vmem>>, vector<1x128xf32>
      %add3A_267 = vector.broadcast %get3A_266 : vector<1x128xf32> to vector<256x128xf32>
      %add3A_268 = arith.addf %dot_general3A_263, %add3A_267 : vector<256x128xf32>
      %max3A = arith.constant 0.000000e+00 : f32
      %max3A_269 = vector.broadcast %max3A : f32 to vector<256x128xf32>
      %max3A_270 = arith.maximumf %add3A_268, %max3A_269 : vector<256x128xf32>
      %get3A_271 = arith.constant 9 : index
      %get3A_272 = arith.constant 0 : index
      %get3A_273 = arith.constant 0 : index
      %get3A_274 = vector.load %arg5[%get3A_271, %get3A_272, %get3A_273] : memref<16x128x128xf32, #tpu.memory_space<vmem>>, vector<1x128x128xf32>
      %get3A_275 = vector.shape_cast %get3A_274 : vector<1x128x128xf32> to vector<128x128xf32>
      %dot_general3A_276 = arith.constant dense<0.000000e+00> : vector<256x128xf32>
      %dot_general3A_277 = tpu.matmul %max3A_270, %get3A_275, %dot_general3A_276 {dimension_numbers = #tpu.dot_dimension_numbers<[1], [1], [0], [0], [0, 0, 1, 0], [], []>, transpose_lhs_hint = false} : vector<256x128xf32>, vector<128x128xf32>, vector<256x128xf32> -> vector<256x128xf32>
      %get3A_278 = arith.constant 9 : index
      %get3A_279 = arith.constant 0 : index
      %get3A_280 = vector.load %arg6[%get3A_278, %get3A_279] : memref<16x128xf32, #tpu.memory_space<vmem>>, vector<1x128xf32>
      %add3A_281 = vector.broadcast %get3A_280 : vector<1x128xf32> to vector<256x128xf32>
      %add3A_282 = arith.addf %dot_general3A_277, %add3A_281 : vector<256x128xf32>
      %ge3A = vector.broadcast %get3A_149 : i32 to vector<256x128xi32>
      %ge3A_283 = arith.cmpi sge, %add3A_3, %ge3A : vector<256x128xi32>
      %lt3A_284 = vector.broadcast %get3A_147 : i32 to vector<256x128xi32>
      %lt3A_285 = arith.cmpi slt, %add3A_3, %lt3A_284 : vector<256x128xi32>
      %and3A_286 = arith.andi %ge3A_283, %lt3A_285 : vector<256x128xi1>
      %get3A_287 = arith.constant 0 : index
      %get3A_288 = arith.constant 0 : index
      %get3A_289 = vector.load %arg7[%get3A_287, %get3A_288] : memref<256x128xf32, #tpu.memory_space<vmem>>, vector<256x128xf32>
      %select_n3A = arith.select %and3A_286, %add3A_282, %get3A_289 : vector<256x128xi1>, vector<256x128xf32>
      %swap3A_290 = arith.constant 0 : index
      %swap3A_291 = arith.constant 0 : index
      %swap3A_292 = vector.load %arg7[%swap3A_290, %swap3A_291] : memref<256x128xf32, #tpu.memory_space<vmem>>, vector<256x128xf32>
      tpu.vector_store %arg7[%swap3A_290, %swap3A_291], %select_n3A {strides = array<i32>} : memref<256x128xf32, #tpu.memory_space<vmem>>, vector<256x128xf32>,
    } else {
    }
    %get3A_162 = arith.constant 10 : index
    %get3A_163 = memref.load %arg1[%get3A_162] : memref<16xi32, #tpu.memory_space<smem>>
    %get3A_164 = arith.constant 9 : index
    %get3A_165 = memref.load %arg1[%get3A_164] : memref<16xi32, #tpu.memory_space<smem>>
    %mul3A_166 = arith.constant 256 : i32
    %mul3A_167 = arith.muli %arg0, %mul3A_166 : i32
    %gt3A_168 = arith.cmpi sgt, %get3A_163, %mul3A_167 : i32
    %add3A_169 = arith.constant 1 : i32
    %add3A_170 = arith.addi %arg0, %add3A_169 : i32
    %mul3A_171 = arith.constant 256 : i32
    %mul3A_172 = arith.muli %add3A_170, %mul3A_171 : i32
    %lt3A_173 = arith.cmpi slt, %get3A_165, %mul3A_172 : i32
    %and3A_174 = arith.andi %gt3A_168, %lt3A_173 : i1
    %convert_element_type3A_175 = arith.extui %and3A_174 : i1 to i32
    %cond3A_176 = arith.constant 0 : i32
    %cond3A_177 = arith.cmpi ne, %convert_element_type3A_175, %cond3A_176 : i32
    scf.if %cond3A_177 {
      %get3A_258 = arith.constant 10 : index
      %get3A_259 = arith.constant 0 : index
      %get3A_260 = arith.constant 0 : index
      %get3A_261 = vector.load %arg3[%get3A_258, %get3A_259, %get3A_260] : memref<16x128x128xf32, #tpu.memory_space<vmem>>, vector<1x128x128xf32>
      %get3A_262 = vector.shape_cast %get3A_261 : vector<1x128x128xf32> to vector<128x128xf32>
      %dot_general3A = arith.constant dense<0.000000e+00> : vector<256x128xf32>
      %dot_general3A_263 = tpu.matmul %get3A_1, %get3A_262, %dot_general3A {dimension_numbers = #tpu.dot_dimension_numbers<[1], [1], [0], [0], [0, 0, 1, 0], [], []>, transpose_lhs_hint = false} : vector<256x128xf32>, vector<128x128xf32>, vector<256x128xf32> -> vector<256x128xf32>
      %get3A_264 = arith.constant 10 : index
      %get3A_265 = arith.constant 0 : index
      %get3A_266 = vector.load %arg4[%get3A_264, %get3A_265] : memref<16x128xf32, #tpu.memory_space<vmem>>, vector<1x128xf32>
      %add3A_267 = vector.broadcast %get3A_266 : vector<1x128xf32> to vector<256x128xf32>
      %add3A_268 = arith.addf %dot_general3A_263, %add3A_267 : vector<256x128xf32>
      %max3A = arith.constant 0.000000e+00 : f32
      %max3A_269 = vector.broadcast %max3A : f32 to vector<256x128xf32>
      %max3A_270 = arith.maximumf %add3A_268, %max3A_269 : vector<256x128xf32>
      %get3A_271 = arith.constant 10 : index
      %get3A_272 = arith.constant 0 : index
      %get3A_273 = arith.constant 0 : index
      %get3A_274 = vector.load %arg5[%get3A_271, %get3A_272, %get3A_273] : memref<16x128x128xf32, #tpu.memory_space<vmem>>, vector<1x128x128xf32>
      %get3A_275 = vector.shape_cast %get3A_274 : vector<1x128x128xf32> to vector<128x128xf32>
      %dot_general3A_276 = arith.constant dense<0.000000e+00> : vector<256x128xf32>
      %dot_general3A_277 = tpu.matmul %max3A_270, %get3A_275, %dot_general3A_276 {dimension_numbers = #tpu.dot_dimension_numbers<[1], [1], [0], [0], [0, 0, 1, 0], [], []>, transpose_lhs_hint = false} : vector<256x128xf32>, vector<128x128xf32>, vector<256x128xf32> -> vector<256x128xf32>
      %get3A_278 = arith.constant 10 : index
      %get3A_279 = arith.constant 0 : index
      %get3A_280 = vector.load %arg6[%get3A_278, %get3A_279] : memref<16x128xf32, #tpu.memory_space<vmem>>, vector<1x128xf32>
      %add3A_281 = vector.broadcast %get3A_280 : vector<1x128xf32> to vector<256x128xf32>
      %add3A_282 = arith.addf %dot_general3A_277, %add3A_281 : vector<256x128xf32>
      %ge3A = vector.broadcast %get3A_165 : i32 to vector<256x128xi32>
      %ge3A_283 = arith.cmpi sge, %add3A_3, %ge3A : vector<256x128xi32>
      %lt3A_284 = vector.broadcast %get3A_163 : i32 to vector<256x128xi32>
      %lt3A_285 = arith.cmpi slt, %add3A_3, %lt3A_284 : vector<256x128xi32>
      %and3A_286 = arith.andi %ge3A_283, %lt3A_285 : vector<256x128xi1>
      %get3A_287 = arith.constant 0 : index
      %get3A_288 = arith.constant 0 : index
      %get3A_289 = vector.load %arg7[%get3A_287, %get3A_288] : memref<256x128xf32, #tpu.memory_space<vmem>>, vector<256x128xf32>
      %select_n3A = arith.select %and3A_286, %add3A_282, %get3A_289 : vector<256x128xi1>, vector<256x128xf32>
      %swap3A_290 = arith.constant 0 : index
      %swap3A_291 = arith.constant 0 : index
      %swap3A_292 = vector.load %arg7[%swap3A_290, %swap3A_291] : memref<256x128xf32, #tpu.memory_space<vmem>>, vector<256x128xf32>
      tpu.vector_store %arg7[%swap3A_290, %swap3A_291], %select_n3A {strides = array<i32>} : memref<256x128xf32, #tpu.memory_space<vmem>>, vector<256x128xf32>,
    } else {
    }
    %get3A_178 = arith.constant 11 : index
    %get3A_179 = memref.load %arg1[%get3A_178] : memref<16xi32, #tpu.memory_space<smem>>
    %get3A_180 = arith.constant 10 : index
    %get3A_181 = memref.load %arg1[%get3A_180] : memref<16xi32, #tpu.memory_space<smem>>
    %mul3A_182 = arith.constant 256 : i32
    %mul3A_183 = arith.muli %arg0, %mul3A_182 : i32
    %gt3A_184 = arith.cmpi sgt, %get3A_179, %mul3A_183 : i32
    %add3A_185 = arith.constant 1 : i32
    %add3A_186 = arith.addi %arg0, %add3A_185 : i32
    %mul3A_187 = arith.constant 256 : i32
    %mul3A_188 = arith.muli %add3A_186, %mul3A_187 : i32
    %lt3A_189 = arith.cmpi slt, %get3A_181, %mul3A_188 : i32
    %and3A_190 = arith.andi %gt3A_184, %lt3A_189 : i1
    %convert_element_type3A_191 = arith.extui %and3A_190 : i1 to i32
    %cond3A_192 = arith.constant 0 : i32
    %cond3A_193 = arith.cmpi ne, %convert_element_type3A_191, %cond3A_192 : i32
    scf.if %cond3A_193 {
      %get3A_258 = arith.constant 11 : index
      %get3A_259 = arith.constant 0 : index
      %get3A_260 = arith.constant 0 : index
      %get3A_261 = vector.load %arg3[%get3A_258, %get3A_259, %get3A_260] : memref<16x128x128xf32, #tpu.memory_space<vmem>>, vector<1x128x128xf32>
      %get3A_262 = vector.shape_cast %get3A_261 : vector<1x128x128xf32> to vector<128x128xf32>
      %dot_general3A = arith.constant dense<0.000000e+00> : vector<256x128xf32>
      %dot_general3A_263 = tpu.matmul %get3A_1, %get3A_262, %dot_general3A {dimension_numbers = #tpu.dot_dimension_numbers<[1], [1], [0], [0], [0, 0, 1, 0], [], []>, transpose_lhs_hint = false} : vector<256x128xf32>, vector<128x128xf32>, vector<256x128xf32> -> vector<256x128xf32>
      %get3A_264 = arith.constant 11 : index
      %get3A_265 = arith.constant 0 : index
      %get3A_266 = vector.load %arg4[%get3A_264, %get3A_265] : memref<16x128xf32, #tpu.memory_space<vmem>>, vector<1x128xf32>
      %add3A_267 = vector.broadcast %get3A_266 : vector<1x128xf32> to vector<256x128xf32>
      %add3A_268 = arith.addf %dot_general3A_263, %add3A_267 : vector<256x128xf32>
      %max3A = arith.constant 0.000000e+00 : f32
      %max3A_269 = vector.broadcast %max3A : f32 to vector<256x128xf32>
      %max3A_270 = arith.maximumf %add3A_268, %max3A_269 : vector<256x128xf32>
      %get3A_271 = arith.constant 11 : index
      %get3A_272 = arith.constant 0 : index
      %get3A_273 = arith.constant 0 : index
      %get3A_274 = vector.load %arg5[%get3A_271, %get3A_272, %get3A_273] : memref<16x128x128xf32, #tpu.memory_space<vmem>>, vector<1x128x128xf32>
      %get3A_275 = vector.shape_cast %get3A_274 : vector<1x128x128xf32> to vector<128x128xf32>
      %dot_general3A_276 = arith.constant dense<0.000000e+00> : vector<256x128xf32>
      %dot_general3A_277 = tpu.matmul %max3A_270, %get3A_275, %dot_general3A_276 {dimension_numbers = #tpu.dot_dimension_numbers<[1], [1], [0], [0], [0, 0, 1, 0], [], []>, transpose_lhs_hint = false} : vector<256x128xf32>, vector<128x128xf32>, vector<256x128xf32> -> vector<256x128xf32>
      %get3A_278 = arith.constant 11 : index
      %get3A_279 = arith.constant 0 : index
      %get3A_280 = vector.load %arg6[%get3A_278, %get3A_279] : memref<16x128xf32, #tpu.memory_space<vmem>>, vector<1x128xf32>
      %add3A_281 = vector.broadcast %get3A_280 : vector<1x128xf32> to vector<256x128xf32>
      %add3A_282 = arith.addf %dot_general3A_277, %add3A_281 : vector<256x128xf32>
      %ge3A = vector.broadcast %get3A_181 : i32 to vector<256x128xi32>
      %ge3A_283 = arith.cmpi sge, %add3A_3, %ge3A : vector<256x128xi32>
      %lt3A_284 = vector.broadcast %get3A_179 : i32 to vector<256x128xi32>
      %lt3A_285 = arith.cmpi slt, %add3A_3, %lt3A_284 : vector<256x128xi32>
      %and3A_286 = arith.andi %ge3A_283, %lt3A_285 : vector<256x128xi1>
      %get3A_287 = arith.constant 0 : index
      %get3A_288 = arith.constant 0 : index
      %get3A_289 = vector.load %arg7[%get3A_287, %get3A_288] : memref<256x128xf32, #tpu.memory_space<vmem>>, vector<256x128xf32>
      %select_n3A = arith.select %and3A_286, %add3A_282, %get3A_289 : vector<256x128xi1>, vector<256x128xf32>
      %swap3A_290 = arith.constant 0 : index
      %swap3A_291 = arith.constant 0 : index
      %swap3A_292 = vector.load %arg7[%swap3A_290, %swap3A_291] : memref<256x128xf32, #tpu.memory_space<vmem>>, vector<256x128xf32>
      tpu.vector_store %arg7[%swap3A_290, %swap3A_291], %select_n3A {strides = array<i32>} : memref<256x128xf32, #tpu.memory_space<vmem>>, vector<256x128xf32>,
    } else {
    }
    %get3A_194 = arith.constant 12 : index
    %get3A_195 = memref.load %arg1[%get3A_194] : memref<16xi32, #tpu.memory_space<smem>>
    %get3A_196 = arith.constant 11 : index
    %get3A_197 = memref.load %arg1[%get3A_196] : memref<16xi32, #tpu.memory_space<smem>>
    %mul3A_198 = arith.constant 256 : i32
    %mul3A_199 = arith.muli %arg0, %mul3A_198 : i32
    %gt3A_200 = arith.cmpi sgt, %get3A_195, %mul3A_199 : i32
    %add3A_201 = arith.constant 1 : i32
    %add3A_202 = arith.addi %arg0, %add3A_201 : i32
    %mul3A_203 = arith.constant 256 : i32
    %mul3A_204 = arith.muli %add3A_202, %mul3A_203 : i32
    %lt3A_205 = arith.cmpi slt, %get3A_197, %mul3A_204 : i32
    %and3A_206 = arith.andi %gt3A_200, %lt3A_205 : i1
    %convert_element_type3A_207 = arith.extui %and3A_206 : i1 to i32
    %cond3A_208 = arith.constant 0 : i32
    %cond3A_209 = arith.cmpi ne, %convert_element_type3A_207, %cond3A_208 : i32
    scf.if %cond3A_209 {
      %get3A_258 = arith.constant 12 : index
      %get3A_259 = arith.constant 0 : index
      %get3A_260 = arith.constant 0 : index
      %get3A_261 = vector.load %arg3[%get3A_258, %get3A_259, %get3A_260] : memref<16x128x128xf32, #tpu.memory_space<vmem>>, vector<1x128x128xf32>
      %get3A_262 = vector.shape_cast %get3A_261 : vector<1x128x128xf32> to vector<128x128xf32>
      %dot_general3A = arith.constant dense<0.000000e+00> : vector<256x128xf32>
      %dot_general3A_263 = tpu.matmul %get3A_1, %get3A_262, %dot_general3A {dimension_numbers = #tpu.dot_dimension_numbers<[1], [1], [0], [0], [0, 0, 1, 0], [], []>, transpose_lhs_hint = false} : vector<256x128xf32>, vector<128x128xf32>, vector<256x128xf32> -> vector<256x128xf32>
      %get3A_264 = arith.constant 12 : index
      %get3A_265 = arith.constant 0 : index
      %get3A_266 = vector.load %arg4[%get3A_264, %get3A_265] : memref<16x128xf32, #tpu.memory_space<vmem>>, vector<1x128xf32>
      %add3A_267 = vector.broadcast %get3A_266 : vector<1x128xf32> to vector<256x128xf32>
      %add3A_268 = arith.addf %dot_general3A_263, %add3A_267 : vector<256x128xf32>
      %max3A = arith.constant 0.000000e+00 : f32
      %max3A_269 = vector.broadcast %max3A : f32 to vector<256x128xf32>
      %max3A_270 = arith.maximumf %add3A_268, %max3A_269 : vector<256x128xf32>
      %get3A_271 = arith.constant 12 : index
      %get3A_272 = arith.constant 0 : index
      %get3A_273 = arith.constant 0 : index
      %get3A_274 = vector.load %arg5[%get3A_271, %get3A_272, %get3A_273] : memref<16x128x128xf32, #tpu.memory_space<vmem>>, vector<1x128x128xf32>
      %get3A_275 = vector.shape_cast %get3A_274 : vector<1x128x128xf32> to vector<128x128xf32>
      %dot_general3A_276 = arith.constant dense<0.000000e+00> : vector<256x128xf32>
      %dot_general3A_277 = tpu.matmul %max3A_270, %get3A_275, %dot_general3A_276 {dimension_numbers = #tpu.dot_dimension_numbers<[1], [1], [0], [0], [0, 0, 1, 0], [], []>, transpose_lhs_hint = false} : vector<256x128xf32>, vector<128x128xf32>, vector<256x128xf32> -> vector<256x128xf32>
      %get3A_278 = arith.constant 12 : index
      %get3A_279 = arith.constant 0 : index
      %get3A_280 = vector.load %arg6[%get3A_278, %get3A_279] : memref<16x128xf32, #tpu.memory_space<vmem>>, vector<1x128xf32>
      %add3A_281 = vector.broadcast %get3A_280 : vector<1x128xf32> to vector<256x128xf32>
      %add3A_282 = arith.addf %dot_general3A_277, %add3A_281 : vector<256x128xf32>
      %ge3A = vector.broadcast %get3A_197 : i32 to vector<256x128xi32>
      %ge3A_283 = arith.cmpi sge, %add3A_3, %ge3A : vector<256x128xi32>
      %lt3A_284 = vector.broadcast %get3A_195 : i32 to vector<256x128xi32>
      %lt3A_285 = arith.cmpi slt, %add3A_3, %lt3A_284 : vector<256x128xi32>
      %and3A_286 = arith.andi %ge3A_283, %lt3A_285 : vector<256x128xi1>
      %get3A_287 = arith.constant 0 : index
      %get3A_288 = arith.constant 0 : index
      %get3A_289 = vector.load %arg7[%get3A_287, %get3A_288] : memref<256x128xf32, #tpu.memory_space<vmem>>, vector<256x128xf32>
      %select_n3A = arith.select %and3A_286, %add3A_282, %get3A_289 : vector<256x128xi1>, vector<256x128xf32>
      %swap3A_290 = arith.constant 0 : index
      %swap3A_291 = arith.constant 0 : index
      %swap3A_292 = vector.load %arg7[%swap3A_290, %swap3A_291] : memref<256x128xf32, #tpu.memory_space<vmem>>, vector<256x128xf32>
      tpu.vector_store %arg7[%swap3A_290, %swap3A_291], %select_n3A {strides = array<i32>} : memref<256x128xf32, #tpu.memory_space<vmem>>, vector<256x128xf32>,
    } else {
    }
    %get3A_210 = arith.constant 13 : index
    %get3A_211 = memref.load %arg1[%get3A_210] : memref<16xi32, #tpu.memory_space<smem>>
    %get3A_212 = arith.constant 12 : index
    %get3A_213 = memref.load %arg1[%get3A_212] : memref<16xi32, #tpu.memory_space<smem>>
    %mul3A_214 = arith.constant 256 : i32
    %mul3A_215 = arith.muli %arg0, %mul3A_214 : i32
    %gt3A_216 = arith.cmpi sgt, %get3A_211, %mul3A_215 : i32
    %add3A_217 = arith.constant 1 : i32
    %add3A_218 = arith.addi %arg0, %add3A_217 : i32
    %mul3A_219 = arith.constant 256 : i32
    %mul3A_220 = arith.muli %add3A_218, %mul3A_219 : i32
    %lt3A_221 = arith.cmpi slt, %get3A_213, %mul3A_220 : i32
    %and3A_222 = arith.andi %gt3A_216, %lt3A_221 : i1
    %convert_element_type3A_223 = arith.extui %and3A_222 : i1 to i32
    %cond3A_224 = arith.constant 0 : i32
    %cond3A_225 = arith.cmpi ne, %convert_element_type3A_223, %cond3A_224 : i32
    scf.if %cond3A_225 {
      %get3A_258 = arith.constant 13 : index
      %get3A_259 = arith.constant 0 : index
      %get3A_260 = arith.constant 0 : index
      %get3A_261 = vector.load %arg3[%get3A_258, %get3A_259, %get3A_260] : memref<16x128x128xf32, #tpu.memory_space<vmem>>, vector<1x128x128xf32>
      %get3A_262 = vector.shape_cast %get3A_261 : vector<1x128x128xf32> to vector<128x128xf32>
      %dot_general3A = arith.constant dense<0.000000e+00> : vector<256x128xf32>
      %dot_general3A_263 = tpu.matmul %get3A_1, %get3A_262, %dot_general3A {dimension_numbers = #tpu.dot_dimension_numbers<[1], [1], [0], [0], [0, 0, 1, 0], [], []>, transpose_lhs_hint = false} : vector<256x128xf32>, vector<128x128xf32>, vector<256x128xf32> -> vector<256x128xf32>
      %get3A_264 = arith.constant 13 : index
      %get3A_265 = arith.constant 0 : index
      %get3A_266 = vector.load %arg4[%get3A_264, %get3A_265] : memref<16x128xf32, #tpu.memory_space<vmem>>, vector<1x128xf32>
      %add3A_267 = vector.broadcast %get3A_266 : vector<1x128xf32> to vector<256x128xf32>
      %add3A_268 = arith.addf %dot_general3A_263, %add3A_267 : vector<256x128xf32>
      %max3A = arith.constant 0.000000e+00 : f32
      %max3A_269 = vector.broadcast %max3A : f32 to vector<256x128xf32>
      %max3A_270 = arith.maximumf %add3A_268, %max3A_269 : vector<256x128xf32>
      %get3A_271 = arith.constant 13 : index
      %get3A_272 = arith.constant 0 : index
      %get3A_273 = arith.constant 0 : index
      %get3A_274 = vector.load %arg5[%get3A_271, %get3A_272, %get3A_273] : memref<16x128x128xf32, #tpu.memory_space<vmem>>, vector<1x128x128xf32>
      %get3A_275 = vector.shape_cast %get3A_274 : vector<1x128x128xf32> to vector<128x128xf32>
      %dot_general3A_276 = arith.constant dense<0.000000e+00> : vector<256x128xf32>
      %dot_general3A_277 = tpu.matmul %max3A_270, %get3A_275, %dot_general3A_276 {dimension_numbers = #tpu.dot_dimension_numbers<[1], [1], [0], [0], [0, 0, 1, 0], [], []>, transpose_lhs_hint = false} : vector<256x128xf32>, vector<128x128xf32>, vector<256x128xf32> -> vector<256x128xf32>
      %get3A_278 = arith.constant 13 : index
      %get3A_279 = arith.constant 0 : index
      %get3A_280 = vector.load %arg6[%get3A_278, %get3A_279] : memref<16x128xf32, #tpu.memory_space<vmem>>, vector<1x128xf32>
      %add3A_281 = vector.broadcast %get3A_280 : vector<1x128xf32> to vector<256x128xf32>
      %add3A_282 = arith.addf %dot_general3A_277, %add3A_281 : vector<256x128xf32>
      %ge3A = vector.broadcast %get3A_213 : i32 to vector<256x128xi32>
      %ge3A_283 = arith.cmpi sge, %add3A_3, %ge3A : vector<256x128xi32>
      %lt3A_284 = vector.broadcast %get3A_211 : i32 to vector<256x128xi32>
      %lt3A_285 = arith.cmpi slt, %add3A_3, %lt3A_284 : vector<256x128xi32>
      %and3A_286 = arith.andi %ge3A_283, %lt3A_285 : vector<256x128xi1>
      %get3A_287 = arith.constant 0 : index
      %get3A_288 = arith.constant 0 : index
      %get3A_289 = vector.load %arg7[%get3A_287, %get3A_288] : memref<256x128xf32, #tpu.memory_space<vmem>>, vector<256x128xf32>
      %select_n3A = arith.select %and3A_286, %add3A_282, %get3A_289 : vector<256x128xi1>, vector<256x128xf32>
      %swap3A_290 = arith.constant 0 : index
      %swap3A_291 = arith.constant 0 : index
      %swap3A_292 = vector.load %arg7[%swap3A_290, %swap3A_291] : memref<256x128xf32, #tpu.memory_space<vmem>>, vector<256x128xf32>
      tpu.vector_store %arg7[%swap3A_290, %swap3A_291], %select_n3A {strides = array<i32>} : memref<256x128xf32, #tpu.memory_space<vmem>>, vector<256x128xf32>,
    } else {
    }
    %get3A_226 = arith.constant 14 : index
    %get3A_227 = memref.load %arg1[%get3A_226] : memref<16xi32, #tpu.memory_space<smem>>
    %get3A_228 = arith.constant 13 : index
    %get3A_229 = memref.load %arg1[%get3A_228] : memref<16xi32, #tpu.memory_space<smem>>
    %mul3A_230 = arith.constant 256 : i32
    %mul3A_231 = arith.muli %arg0, %mul3A_230 : i32
    %gt3A_232 = arith.cmpi sgt, %get3A_227, %mul3A_231 : i32
    %add3A_233 = arith.constant 1 : i32
    %add3A_234 = arith.addi %arg0, %add3A_233 : i32
    %mul3A_235 = arith.constant 256 : i32
    %mul3A_236 = arith.muli %add3A_234, %mul3A_235 : i32
    %lt3A_237 = arith.cmpi slt, %get3A_229, %mul3A_236 : i32
    %and3A_238 = arith.andi %gt3A_232, %lt3A_237 : i1
    %convert_element_type3A_239 = arith.extui %and3A_238 : i1 to i32
    %cond3A_240 = arith.constant 0 : i32
    %cond3A_241 = arith.cmpi ne, %convert_element_type3A_239, %cond3A_240 : i32
    scf.if %cond3A_241 {
      %get3A_258 = arith.constant 14 : index
      %get3A_259 = arith.constant 0 : index
      %get3A_260 = arith.constant 0 : index
      %get3A_261 = vector.load %arg3[%get3A_258, %get3A_259, %get3A_260] : memref<16x128x128xf32, #tpu.memory_space<vmem>>, vector<1x128x128xf32>
      %get3A_262 = vector.shape_cast %get3A_261 : vector<1x128x128xf32> to vector<128x128xf32>
      %dot_general3A = arith.constant dense<0.000000e+00> : vector<256x128xf32>
      %dot_general3A_263 = tpu.matmul %get3A_1, %get3A_262, %dot_general3A {dimension_numbers = #tpu.dot_dimension_numbers<[1], [1], [0], [0], [0, 0, 1, 0], [], []>, transpose_lhs_hint = false} : vector<256x128xf32>, vector<128x128xf32>, vector<256x128xf32> -> vector<256x128xf32>
      %get3A_264 = arith.constant 14 : index
      %get3A_265 = arith.constant 0 : index
      %get3A_266 = vector.load %arg4[%get3A_264, %get3A_265] : memref<16x128xf32, #tpu.memory_space<vmem>>, vector<1x128xf32>
      %add3A_267 = vector.broadcast %get3A_266 : vector<1x128xf32> to vector<256x128xf32>
      %add3A_268 = arith.addf %dot_general3A_263, %add3A_267 : vector<256x128xf32>
      %max3A = arith.constant 0.000000e+00 : f32
      %max3A_269 = vector.broadcast %max3A : f32 to vector<256x128xf32>
      %max3A_270 = arith.maximumf %add3A_268, %max3A_269 : vector<256x128xf32>
      %get3A_271 = arith.constant 14 : index
      %get3A_272 = arith.constant 0 : index
      %get3A_273 = arith.constant 0 : index
      %get3A_274 = vector.load %arg5[%get3A_271, %get3A_272, %get3A_273] : memref<16x128x128xf32, #tpu.memory_space<vmem>>, vector<1x128x128xf32>
      %get3A_275 = vector.shape_cast %get3A_274 : vector<1x128x128xf32> to vector<128x128xf32>
      %dot_general3A_276 = arith.constant dense<0.000000e+00> : vector<256x128xf32>
      %dot_general3A_277 = tpu.matmul %max3A_270, %get3A_275, %dot_general3A_276 {dimension_numbers = #tpu.dot_dimension_numbers<[1], [1], [0], [0], [0, 0, 1, 0], [], []>, transpose_lhs_hint = false} : vector<256x128xf32>, vector<128x128xf32>, vector<256x128xf32> -> vector<256x128xf32>
      %get3A_278 = arith.constant 14 : index
      %get3A_279 = arith.constant 0 : index
      %get3A_280 = vector.load %arg6[%get3A_278, %get3A_279] : memref<16x128xf32, #tpu.memory_space<vmem>>, vector<1x128xf32>
      %add3A_281 = vector.broadcast %get3A_280 : vector<1x128xf32> to vector<256x128xf32>
      %add3A_282 = arith.addf %dot_general3A_277, %add3A_281 : vector<256x128xf32>
      %ge3A = vector.broadcast %get3A_229 : i32 to vector<256x128xi32>
      %ge3A_283 = arith.cmpi sge, %add3A_3, %ge3A : vector<256x128xi32>
      %lt3A_284 = vector.broadcast %get3A_227 : i32 to vector<256x128xi32>
      %lt3A_285 = arith.cmpi slt, %add3A_3, %lt3A_284 : vector<256x128xi32>
      %and3A_286 = arith.andi %ge3A_283, %lt3A_285 : vector<256x128xi1>
      %get3A_287 = arith.constant 0 : index
      %get3A_288 = arith.constant 0 : index
      %get3A_289 = vector.load %arg7[%get3A_287, %get3A_288] : memref<256x128xf32, #tpu.memory_space<vmem>>, vector<256x128xf32>
      %select_n3A = arith.select %and3A_286, %add3A_282, %get3A_289 : vector<256x128xi1>, vector<256x128xf32>
      %swap3A_290 = arith.constant 0 : index
      %swap3A_291 = arith.constant 0 : index
      %swap3A_292 = vector.load %arg7[%swap3A_290, %swap3A_291] : memref<256x128xf32, #tpu.memory_space<vmem>>, vector<256x128xf32>
      tpu.vector_store %arg7[%swap3A_290, %swap3A_291], %select_n3A {strides = array<i32>} : memref<256x128xf32, #tpu.memory_space<vmem>>, vector<256x128xf32>,
    } else {
    }
    %get3A_242 = arith.constant 15 : index
    %get3A_243 = memref.load %arg1[%get3A_242] : memref<16xi32, #tpu.memory_space<smem>>
    %get3A_244 = arith.constant 14 : index
    %get3A_245 = memref.load %arg1[%get3A_244] : memref<16xi32, #tpu.memory_space<smem>>
    %mul3A_246 = arith.constant 256 : i32
    %mul3A_247 = arith.muli %arg0, %mul3A_246 : i32
    %gt3A_248 = arith.cmpi sgt, %get3A_243, %mul3A_247 : i32
    %add3A_249 = arith.constant 1 : i32
    %add3A_250 = arith.addi %arg0, %add3A_249 : i32
    %mul3A_251 = arith.constant 256 : i32
    %mul3A_252 = arith.muli %add3A_250, %mul3A_251 : i32
    %lt3A_253 = arith.cmpi slt, %get3A_245, %mul3A_252 : i32
    %and3A_254 = arith.andi %gt3A_248, %lt3A_253 : i1
    %convert_element_type3A_255 = arith.extui %and3A_254 : i1 to i32
    %cond3A_256 = arith.constant 0 : i32
    %cond3A_257 = arith.cmpi ne, %convert_element_type3A_255, %cond3A_256 : i32
    scf.if %cond3A_257 {
      %get3A_258 = arith.constant 15 : index
      %get3A_259 = arith.constant 0 : index
      %get3A_260 = arith.constant 0 : index
      %get3A_261 = vector.load %arg3[%get3A_258, %get3A_259, %get3A_260] : memref<16x128x128xf32, #tpu.memory_space<vmem>>, vector<1x128x128xf32>
      %get3A_262 = vector.shape_cast %get3A_261 : vector<1x128x128xf32> to vector<128x128xf32>
      %dot_general3A = arith.constant dense<0.000000e+00> : vector<256x128xf32>
      %dot_general3A_263 = tpu.matmul %get3A_1, %get3A_262, %dot_general3A {dimension_numbers = #tpu.dot_dimension_numbers<[1], [1], [0], [0], [0, 0, 1, 0], [], []>, transpose_lhs_hint = false} : vector<256x128xf32>, vector<128x128xf32>, vector<256x128xf32> -> vector<256x128xf32>
      %get3A_264 = arith.constant 15 : index
      %get3A_265 = arith.constant 0 : index
      %get3A_266 = vector.load %arg4[%get3A_264, %get3A_265] : memref<16x128xf32, #tpu.memory_space<vmem>>, vector<1x128xf32>
      %add3A_267 = vector.broadcast %get3A_266 : vector<1x128xf32> to vector<256x128xf32>
      %add3A_268 = arith.addf %dot_general3A_263, %add3A_267 : vector<256x128xf32>
      %max3A = arith.constant 0.000000e+00 : f32
      %max3A_269 = vector.broadcast %max3A : f32 to vector<256x128xf32>
      %max3A_270 = arith.maximumf %add3A_268, %max3A_269 : vector<256x128xf32>
      %get3A_271 = arith.constant 15 : index
      %get3A_272 = arith.constant 0 : index
      %get3A_273 = arith.constant 0 : index
      %get3A_274 = vector.load %arg5[%get3A_271, %get3A_272, %get3A_273] : memref<16x128x128xf32, #tpu.memory_space<vmem>>, vector<1x128x128xf32>
      %get3A_275 = vector.shape_cast %get3A_274 : vector<1x128x128xf32> to vector<128x128xf32>
      %dot_general3A_276 = arith.constant dense<0.000000e+00> : vector<256x128xf32>
      %dot_general3A_277 = tpu.matmul %max3A_270, %get3A_275, %dot_general3A_276 {dimension_numbers = #tpu.dot_dimension_numbers<[1], [1], [0], [0], [0, 0, 1, 0], [], []>, transpose_lhs_hint = false} : vector<256x128xf32>, vector<128x128xf32>, vector<256x128xf32> -> vector<256x128xf32>
      %get3A_278 = arith.constant 15 : index
      %get3A_279 = arith.constant 0 : index
      %get3A_280 = vector.load %arg6[%get3A_278, %get3A_279] : memref<16x128xf32, #tpu.memory_space<vmem>>, vector<1x128xf32>
      %add3A_281 = vector.broadcast %get3A_280 : vector<1x128xf32> to vector<256x128xf32>
      %add3A_282 = arith.addf %dot_general3A_277, %add3A_281 : vector<256x128xf32>
      %ge3A = vector.broadcast %get3A_245 : i32 to vector<256x128xi32>
      %ge3A_283 = arith.cmpi sge, %add3A_3, %ge3A : vector<256x128xi32>
      %lt3A_284 = vector.broadcast %get3A_243 : i32 to vector<256x128xi32>
      %lt3A_285 = arith.cmpi slt, %add3A_3, %lt3A_284 : vector<256x128xi32>
      %and3A_286 = arith.andi %ge3A_283, %lt3A_285 : vector<256x128xi1>
      %get3A_287 = arith.constant 0 : index
      %get3A_288 = arith.constant 0 : index
      %get3A_289 = vector.load %arg7[%get3A_287, %get3A_288] : memref<256x128xf32, #tpu.memory_space<vmem>>, vector<256x128xf32>
      %select_n3A = arith.select %and3A_286, %add3A_282, %get3A_289 : vector<256x128xi1>, vector<256x128xf32>
      %swap3A_290 = arith.constant 0 : index
      %swap3A_291 = arith.constant 0 : index
      %swap3A_292 = vector.load %arg7[%swap3A_290, %swap3A_291] : memref<256x128xf32, #tpu.memory_space<vmem>>, vector<256x128xf32>
      tpu.vector_store %arg7[%swap3A_290, %swap3A_291], %select_n3A {strides = array<i32>} : memref<256x128xf32, #tpu.memory_space<vmem>>, vector<256x128xf32>,
    } else {
    }
    return
  }
  func.func @transform_0(%arg0: i32) -> i32 {
    %c0_i32 = arith.constant 0 : i32
    %c0_i32_0 = arith.constant 0 : i32
    return %c0_i32 : i32
  }
  func.func @transform_1(%arg0: i32) -> (i32, i32) {
    %c0_i32 = arith.constant 0 : i32
    %c0_i32_0 = arith.constant 0 : i32
    return %arg0, %c0_i32 : i32, i32
  }
  func.func @transform_2(%arg0: i32) -> (i32, i32, i32) {
    %c0_i32 = arith.constant 0 : i32
    %c0_i32_0 = arith.constant 0 : i32
    %c0_i32_1 = arith.constant 0 : i32
    %c0_i32_2 = arith.constant 0 : i32
    return %c0_i32, %c0_i32_0, %c0_i32_1 : i32, i32, i32
  }
  func.func @transform_3(%arg0: i32) -> (i32, i32) {
    %c0_i32 = arith.constant 0 : i32
    %c0_i32_0 = arith.constant 0 : i32
    %c0_i32_1 = arith.constant 0 : i32
    return %c0_i32, %c0_i32_0 : i32, i32
  }
  func.func @transform_4(%arg0: i32) -> (i32, i32, i32) {
    %c0_i32 = arith.constant 0 : i32
    %c0_i32_0 = arith.constant 0 : i32
    %c0_i32_1 = arith.constant 0 : i32
    %c0_i32_2 = arith.constant 0 : i32
    return %c0_i32, %c0_i32_0, %c0_i32_1 : i32, i32, i32
  }
  func.func @transform_5(%arg0: i32) -> (i32, i32) {
    %c0_i32 = arith.constant 0 : i32
    %c0_i32_0 = arith.constant 0 : i32
    %c0_i32_1 = arith.constant 0 : i32
    return %c0_i32, %c0_i32_0 : i32, i32
  }
  func.func @transform_6(%arg0: i32) -> (i32, i32) {
    %c0_i32 = arith.constant 0 : i32
    %c0_i32_0 = arith.constant 0 : i32
    return %arg0, %c0_i32 : i32, i32
  }
}

</mosaic_0001>

<sc_bundles>
// kernel: kernel.5.cloned.1.call-start
scs
__scs_entry_jumppad:
0x0: {  	(pc) =	sbr.rel $0x88, $3  }
0x1: {  	(tag) =	ssettag $0x0;
	lr =	simm.s32 $0x1  }
0x2: {  	[smem:$0x3F9B] =	sst lr;
	_ =	strace $0xD0000000  }
0x3: {  	_ = 	snop  }
0x4: {  	_ = 	snop  }
0x5: {  	_ = 	snop  }
0x6: {  	_ = 	snop  }
0x7: {  	_ = 	snop  }
__scs_overlays_trampoline_lowered:
0x8: {  	[smem:$0x3FAA] =	sst s0  }
0x9: {  	[smem:$0x3FAB] =	sst s1  }
0xa: {  	[smem:$0x3FAC] =	sst s2  }
0xb: {  	[smem:$0x3FAD] =	sst s3  }
0xc: {  	[smem:$0x3FAE] =	sst s4  }
0xd: {  	[smem:$0x3FAF] =	sst s5  }
0xe: {  	[smem:$0x3FB0] =	sst s6  }
0xf: {  	[smem:$0x3FB1] =	sst s7  }
0x10: {  	[smem:$0x3FB2] =	sst s8  }
0x11: {  	[smem:$0x3FB3] =	sst s9;
	s0 =	simm.s32 @!p0 $0x0  }
0x12: {  	s1 =	sld [smem:$0x3F99];
	s0 =	simm.s32 @p0 $0x1  }
0x13: {  	[smem:$0x3FB4] =	sst s0;
	s0 =	simm.s32 @!p1 $0x0  }
0x14: {  	s2 =	sld [smem:$0x3F98];
	s0 =	simm.s32 @p1 $0x1  }
0x15: {  	[smem:$0x3FB5] =	sst s0;
	s0 =	simm.s32 @!p2 $0x0  }
0x16: {  	s3 =	sld [smem:$0x3FDB];
	s0 =	simm.s32 @p2 $0x1  }
0x17: {  	s4 =	simm.s32 $0x1BF5;
	[smem:$0x3FB7] =	sst s0  }
0x18: {  	s0 =	sld [smem:$0x3F9A];
	_ =	swait.ge [sflag:s4], $0x0  }
0x19: {  	s7 =	sld [smem:$0x3F9B]  }
0x1a: {  	s8 =	sadd.s32 $0xFFFFE003, lr  }
0x1b: {  	s9 =	sadd.s32 $0xFFFFFEF7, lr;
	s5 =	simm.s32 $0xFFFFFFFF;
	p2 =	slt.u32 s8, $0xFFFFF086  }
0x1c: {  	p1 =	slt.u32 s9, $0xF7A;
	s5 =	simm.s32 @!p2 $0x0  }
0x1d: {  	s5 =	simm.s32 @p1 $0x1;
	p0 =	seq.s32 s7, s2  }
0x1e: {  	s7 =	smul.u32 @!p0 $0xF7A, s2;
	p2 =	seq.s32 @!p0 s5, $0x0  }
0x1f: {  	s9 =	smul.u32 $0xF7A, s1;
	s8 =	simm.s32 @!p0 $0x1BF5;
	p2 =	por !p2, p0  }
0x20: {  	[sflag:s8] =	ssyncset.s32 @!p0 $0xFFFFF086;
	s6 =	sadd.s32 @!p0 s3, s7;
	s7 =	simm.s32 @!p0 $0x108  }
0x21: {  	s3 =	sadd.s32 s3, s9;
	s6 =	sadd.s32 @!p0 $0x88, s6;
	s7 =	simm.s32 @p2 $0x1082  }
0x22: {  	[simem:s7], [sflag:s8] =	dma.local @!p0 [hbm:s6], $0xF7A  }
0x23: {  	s9 =	sor.u32 $0xD0000000, s2;
	s6 =	simm.s32 $0x108;
	_ =	swait.ge @!p0 [sflag:s8], $0x0  }
0x24: {  	s3 =	sadd.s32 $0x88, s3;
	s6 =	simm.s32 @!p1 $0x1082;
	[sflag:s4] =	ssyncset.s32 $0xFFFFF086  }
0x25: {  	[simem:s6], [sflag:s4] =	dma.local [hbm:s3], $0xF7A  }
0x26: {  	[smem:$0x3F9B] =	sst s1;
	(tag) =	ssettag s2;
	_ =	strace s9  }
0x27: {  	s1 =	sld [smem:$0x3FAB]  }
0x28: {  	s2 =	sld [smem:$0x3FAC]  }
0x29: {  	s4 =	sld [smem:$0x3FAE]  }
0x2a: {  	p0 =	seq.s32 s5, $0x0;
	s5 =	sld [smem:$0x3FAF]  }
0x2b: {  	s6 =	sld [smem:$0x3FB0]  }
0x2c: {  	s7 =	sld [smem:$0x3FB1]  }
0x2d: {  	s3 =	simm.s32 $0x108;
	s8 =	sld [smem:$0x3FB2]  }
0x2e: {  	s3 =	simm.s32 @!p0 $0x1082;
	s9 =	sld [smem:$0x3FB3]  }
0x2f: {  	lr =	sadd.s32 s0, s3;
	s0 =	sld [smem:$0x3FAA]  }
0x30: {  	s3 =	sld [smem:$0x3FAD]  }
0x31: {  	[smem:$0x3FB6] =	sst s10  }
0x32: {  	s10 =	sld [smem:$0x3FB4];
	_ =	sdelay $0x3  }
0x33: {  	p0 =	seq.s32 s10, $0x1;
	s10 =	sld [smem:$0x3FB6];
	_ =	sdelay $0x3  }
0x34: {  	[smem:$0x3FB6] =	sst s10  }
0x35: {  	s10 =	sld [smem:$0x3FB5];
	_ =	sdelay $0x3  }
0x36: {  	p1 =	seq.s32 s10, $0x1;
	s10 =	sld [smem:$0x3FB6];
	_ =	sdelay $0x3  }
0x37: {  	[smem:$0x3FB6] =	sst s10  }
0x38: {  	s10 =	sld [smem:$0x3FB7]  }
0x39: {  	_ = 	snop;
	(pc) =	sbr.ind lr, $3  }
0x3a: {  	_ = 	snop  }
0x3b: {  	_ = 	snop  }
0x3c: {  	p2 =	seq.s32 s10, $0x1;
	s10 =	sld [smem:$0x3FB6]  }
0x3d: {  	_ =	shalt  }
0x3e: {  	_ =	shalt  }
0x3f: {  	_ =	shalt  }
0x40: {  	_ =	shalt  }
0x41: {  	_ =	shalt  }
0x42: {  	_ =	shalt  }
0x43: {  	_ =	shalt  }
0x44: {  	_ =	shalt  }
0x45: {  	_ =	shalt  }
0x46: {  	_ =	shalt  }
0x47: {  	_ =	shalt  }
0x48: {  	_ =	shalt  }
0x49: {  	_ =	shalt  }
0x4a: {  	_ =	shalt  }
0x4b: {  	_ =	shalt  }
0x4c: {  	_ =	shalt  }
0x4d: {  	_ =	shalt  }
0x4e: {  	_ =	shalt  }
0x4f: {  	_ =	shalt  }
0x50: {  	_ =	shalt  }
0x51: {  	_ =	shalt  }
0x52: {  	_ =	shalt  }
0x53: {  	_ =	shalt  }
0x54: {  	_ =	shalt  }
0x55: {  	_ =	shalt  }
0x56: {  	_ =	shalt  }
0x57: {  	_ =	shalt  }
0x58: {  	_ =	shalt  }
0x59: {  	_ =	shalt  }
0x5a: {  	_ =	shalt  }
0x5b: {  	_ =	shalt  }
0x5c: {  	_ =	shalt  }
0x5d: {  	_ =	shalt  }
0x5e: {  	_ =	shalt  }
0x5f: {  	_ =	shalt  }
0x60: {  	_ =	shalt  }
0x61: {  	_ =	shalt  }
0x62: {  	_ =	shalt  }
0x63: {  	_ =	shalt  }
0x64: {  	_ =	shalt  }
0x65: {  	_ =	shalt  }
0x66: {  	_ =	shalt  }
0x67: {  	_ =	shalt  }
0x68: {  	_ =	shalt  }
0x69: {  	_ =	shalt  }
0x6a: {  	_ =	shalt  }
0x6b: {  	_ =	shalt  }
0x6c: {  	_ =	shalt  }
0x6d: {  	_ =	shalt  }
0x6e: {  	_ =	shalt  }
0x6f: {  	_ =	shalt  }
0x70: {  	_ =	shalt  }
0x71: {  	_ =	shalt  }
0x72: {  	_ =	shalt  }
0x73: {  	_ =	shalt  }
0x74: {  	_ =	shalt  }
0x75: {  	_ =	shalt  }
0x76: {  	_ =	shalt  }
0x77: {  	_ =	shalt  }
0x78: {  	_ =	shalt  }
0x79: {  	_ =	shalt  }
0x7a: {  	_ =	shalt  }
0x7b: {  	_ =	shalt  }
0x7c: {  	_ =	shalt  }
0x7d: {  	_ =	shalt  }
0x7e: {  	_ =	shalt  }
0x7f: {  	_ =	shalt  }
0x80: {  	_ =	shalt  }
0x81: {  	_ =	shalt  }
0x82: {  	_ =	shalt  }
0x83: {  	_ =	shalt  }
0x84: {  	_ =	shalt  }
0x85: {  	_ =	shalt  }
0x86: {  	_ =	shalt  }
0x87: {  	_ =	shalt  }
.Lfunc_end0:
.L_simem_size_0:
called_computation_lowered:
.L_overlay_start_0:
0x88: {  	s2 =	sld [smem:$0x3FD9]  }
0x89: {  	s3 =	sld [smem:$0x3FFE];
	_ =	sdelay $0x1  }
0x8a: {  	s1 =	srdreg.scid  }
0x8b: {  	s0 =	sand.u32 $0x1, s1  }
0x8c: {  	s17 =	sshll.u32 s0, $0xA;
	s2 =	sadd.s32 s3, s2  }
0x8d: {  	s2 =	sadd.s32 s2, s17  }
0x8e: {  	[smem:$0x3FC2] =	sst s2  }
0x8f: {  	_ = 	snop  }
0x90: {  	s2 =	sld [smem:$0x3FC9]  }
0x91: {  	s18 =	sld [smem:$0x3FC8]  }
0x92: {  	s4 =	sld [smem:$0x3FD0];
	(tm) =	ssettm $0x1  }
0x93: {  	s5 =	sld [smem:$0x3FFB];
	_ =	sdelay $0x3  }
0x94: {  	_ =	strace s5  }
0x95: {  	s5 =	sld [smem:$0x3FFC];
	_ =	sdelay $0x3  }
0x96: {  	_ =	strace s5  }
0x97: {  	s5 =	sld [smem:$0x3FFD];
	_ =	sdelay $0x3  }
0x98: {  	_ =	strace s5  }
0x99: {  	_ =	strace $0x8FFFFFFF  }
0x9a: {  	s19 =	sld [smem:$0x3FDB];
	_ =	sdelay $0x1  }
0x9b: {  	s6 =	simm.s32 $_scs_section_size  }
0x9c: {  	s7 =	simm.s32 $_size__tile_overlayer_lowered;
	s8 =	simm.s32 $_tile_overlayer_lowered  }
0x9d: {  	s22 =	simm.s32 $0x1BFF;
	s21 =	sshll.u32 s8, $0x1;
	s5 =	sadd.s32 s6, s19  }
0x9e: {  	s9 =	simm.s32 $0x0;
	s20 =	sshll.u32 s7, $0x1;
	s7 =	sadd.s32 s21, s5  }
0x9f: {  	[timem:s9], [sflag:s22] =	dma.local [hbm:s7], s20  }
0xa0: {  	_ =	swait.ge [sflag:s22], s20  }
0xa1: {  	s6 =	ssub.s32 $0x0, s20;
	[sflag:s22] =	ssyncset.done $0x0  }
0xa2: {  	[sflag:s22] =	ssyncadd.s32 s6;
	_ =	sdelay $0x1  }
0xa3: {  	s23 =	simm.s32 $0x1B8B  }
0xa4: {  	_ =	swait.ge [sflag:s23], $0x1  }
0xa5: {  	[sflag:s23] =	ssyncset.done $0x0  }
0xa6: {  	s25 =	simm.s32 $0x1B8E;
	s24 =	sld [smem:$0x3FFE];
	[sflag:s23] =	ssyncadd.s32 $0xFFFFFFFF  }
0xa7: {  	s26 =	simm.s32 $execute0_lowered;
	[smem:$0x3FD2] =	sst s25  }
0xa8: {  	s7 =	sshll.u32 s26, $0x1;
	_ =	strace $0x80000046;
	[dreg:$0x1] =	wrdreg $0xFFFFFFFF  }
0xa9: {  	s28 =	simm.s32 $_size_execute0_lowered;
	s5 =	sadd.s32 s5, s7;
	[dreg:$0x0] =	wrdreg $0x0  }
0xaa: {  	s7 =	sshll.u32 s28, $0x1;
	[dreg:$0x2] =	wrdreg s5  }
0xab: {  	[dreg:$0x3] =	wrdreg s7  }
0xac: {  	[dreg:$0x4] =	wrdreg $0xC0  }
0xad: {  	_ =	task [dreg:s9], $0x5FFFF  }
0xae: {  	[dreg:$0x1] =	wrdreg $0xFFFFFFFF  }
0xaf: {  	[dreg:$0x0] =	wrdreg $0x60  }
0xb0: {  	[dreg:$0x2] =	wrdreg s18  }
0xb1: {  	[dreg:$0x3] =	wrdreg s2  }
0xb2: {  	[dreg:$0x4] =	wrdreg s4  }
0xb3: {  	[dreg:$0x5] =	wrdreg s24  }
0xb4: {  	[dreg:$0x6] =	wrdreg $0x9  }
0xb5: {  	_ =	task.clear_ibuf [dreg:s9], $0x7FFFF;
	_ =	strace $0x90000046  }
0xb6: {  	s29 =	simm.s32 $0x9;
	_ =	strace $0x80000048  }
0xb7: {  	_ =	swait.ge [sflag:s29], $0x1  }
0xb8: {  	[sflag:s29] =	ssyncadd.s32 $0xFFFFFFFF  }
0xb9: {  	_ =	strace $0x90000048  }
0xba: {  	_ =	sfence  }
0xbb: {  	s30 =	sld [smem:$0x0];
	_ =	sdelay $0x2  }
0xbc: {  	s31 =	sshll.u32 s1, $0xD;
	s1 =	sshrl.u32 s1, $0x2  }
0xbd: {  	s3 =	sand.u32 $0x4000, s31;
	s1 =	sadd.s32 s1, s30  }
0xbe: {  	s0 =	sor.u32 s3, s0;
	s1 =	sshll.u32 s1, $0x11  }
0xbf: {  	s0 =	sor.u32 s1, s0  }
0xc0: {  	s0 =	sadd.s32 $0x8F2B, s0  }
0xc1: {  	[sflag:s0] =	ssyncadd.remote.s32 $0x1  }
0xc2: {  	_ =	sfence.sel $0xFFFF  }
0xc3: {  	[dreg:$0x0] =	wrdreg $0xFFFFFFFF;
	(pc) =	sbr.abs _section_cstart, $3  }
0xc4: {  	[dreg:$0x1] =	wrdreg $0xFFFFFFFF  }
0xc5: {  	_ =	task.clear_ibuf [dreg:s9], $0x2FFFF;
	_ =	strace $0x9FFFFFFF  }
0xc6: {  	(tm) =	ssettm $0x7FFFFFFF  }
0xc7: {  	_ =	shalt  }
tec
execute0_lowered:
.L_overlay_start_1:
0x0: {  	(tag) =	ssettag $0x1  }
0x1: {  	s1 =	srdreg.scid;
	s0 =	stileid.u32  }
0x2: {  	s9 =	sand.u32 $0x1, s1;
	s28 =	sshll.u32 s0, $0x1  }
0x3: {  	s8 =	sor.u32 s9, s28  }
0x4: {  	v2 =	vmov s8  }
0x5: {  	v0 =	vimm.s32 $0x0;
	vm0 =	veq.s32 v2, $0x1F  }
0x6: {  	v0 =	vsel vm0, $0xFFFFFFFF, v0  }
0x7: {  	vm0 =	vgt.u32 v2, $0x1D;
	[tilespmem:$0x1FEF0] =	vst v0;
	v0 =	vimm.s32 $0x0  }
0x8: {  	s5 =	rddreg [dreg:$0x0];
	v0 =	vsel vm0, $0xFFFFFFFF, v0  }
0x9: {  	s6 =	rddreg [dreg:$0x1];
	vm0 =	vgt.u32 v2, $0x1C;
	[tilespmem:$0x1FF00] =	vst v0;
	v0 =	vimm.s32 $0x0  }
0xa: {  	s2 =	rddreg [dreg:$0x2];
	v0 =	vsel vm0, $0xFFFFFFFF, v0  }
0xb: {  	s7 =	rddreg [dreg:$0x3];
	s3 =	simm.s32 $0x0;
	vm0 =	vgt.u32 v2, $0x1B;
	[tilespmem:$0x1FF10] =	vst v0;
	v0 =	vimm.s32 $0x0  }
0xc: {  	[smem:$0x7FF] =	sst s3;
	v0 =	vsel vm0, $0xFFFFFFFF, v0  }
0xd: {  	s1 =	rddreg [dreg:$0x4];
	_ =	strace $0x80000047;
	vm0 =	vgt.u32 v2, $0x1A;
	[tilespmem:$0x1FF20] =	vst v0;
	v0 =	vimm.s32 $0x0  }
0xe: {  	v0 =	vsel vm0, $0xFFFFFFFF, v0  }
0xf: {  	vm0 =	vgt.u32 v2, $0x19;
	[tilespmem:$0x1FF30] =	vst v0;
	v0 =	vimm.s32 $0x0  }
0x10: {  	v0 =	vsel vm0, $0xFFFFFFFF, v0  }
0x11: {  	vm0 =	vgt.u32 v2, $0x18;
	[tilespmem:$0x1FF40] =	vst v0;
	v0 =	vimm.s32 $0x0  }
0x12: {  	v0 =	vsel vm0, $0xFFFFFFFF, v0  }
0x13: {  	vm0 =	vgt.u32 v2, $0x17;
	[tilespmem:$0x1FF50] =	vst v0;
	v0 =	vimm.s32 $0x0  }
0x14: {  	v0 =	vsel vm0, $0xFFFFFFFF, v0  }
0x15: {  	vm0 =	vgt.u32 v2, $0x16;
	[tilespmem:$0x1FF60] =	vst v0;
	v0 =	vimm.s32 $0x0  }
0x16: {  	v0 =	vsel vm0, $0xFFFFFFFF, v0  }
0x17: {  	vm0 =	vgt.u32 v2, $0x15;
	[tilespmem:$0x1FF70] =	vst v0;
	v0 =	vimm.s32 $0x0  }
0x18: {  	v0 =	vsel vm0, $0xFFFFFFFF, v0  }
0x19: {  	vm0 =	vgt.u32 v2, $0x14;
	[tilespmem:$0x1FF80] =	vst v0;
	v0 =	vimm.s32 $0x0  }
0x1a: {  	v0 =	vsel vm0, $0xFFFFFFFF, v0  }
0x1b: {  	vm0 =	vgt.u32 v2, $0x13;
	[tilespmem:$0x1FF90] =	vst v0;
	v0 =	vimm.s32 $0x0  }
0x1c: {  	v1 =	vimm.s32 $0xFFFFFFFF;
	v0 =	vsel vm0, $0xFFFFFFFF, v0  }
0x1d: {  	v3 =	vimm.s32 $0x0;
	s14 =	simm.s32 $0x100;
	s15 =	simm.s32 $0x200;
	vm0 =	vgt.u32 v2, $0x12;
	[tilespmem:$0x1FFA0] =	vst v0;
	v0 =	vimm.s32 $0x0  }
0x1e: {  	s16 =	simm.s32 $0x1280;
	s17 =	simm.s32 $0x1;
	s18 =	simm.s32 $0x40;
	vm1 =	vgt.u32 v2, $0xD;
	vm2 =	vgt.u32 v2, $0xC;
	v0 =	vsel vm0, $0xFFFFFFFF, v0  }
0x1f: {  	s19 =	simm.s32 $0x3300;
	s13 =	sshll.u32 s0, $0x4;
	s30 =	sshll.u32 s0, $0x5;
	vm3 =	vgt.u32 v2, $0xB;
	vm0 =	vgt.u32 v2, $0x11;
	[tilespmem:$0x1FFB0] =	vst v0;
	v0 =	vimm.s32 $0x0  }
0x20: {  	s11 =	sshll.u32 s9, $0x9;
	s12 =	ssub.s32 $0x2, s9;
	s5 =	sadd.s32 s5, s13;
	vm4 =	vgt.u32 v2, $0xA;
	vm5 =	vgt.u32 v2, $0x9;
	v0 =	vsel vm0, $0xFFFFFFFF, v0  }
0x21: {  	p0 =	seq.s32 s9, $0x0;
	s31 =	sor.u32 s0, s9;
	s4 =	sshll.u32 s8, $0x3;
	vm6 =	vgt.u32 v2, $0x8;
	vm0 =	vgt.u32 v2, $0x10;
	[tilespmem:$0x1FFC0] =	vst v0;
	v0 =	vimm.s32 $0x0  }
0x22: {  	s29 =	sshrl.u32 s12, $0x1;
	s8 =	sshll.u32 s8, $0xA;
	p1 =	sne.s32 s31, $0x0;
	vm7 =	vgt.u32 v2, $0x7;
	vm8 =	vgt.u32 v2, $0x6;
	v0 =	vsel vm0, $0xFFFFFFFF, v0  }
0x23: {  	s10 =	sadd.s32 s4, s7;
	s4 =	sadd.s32 $0x1E00, s7;
	s7 =	sadd.s32 s11, s7;
	vm9 =	vgt.u32 v2, $0x5;
	vm0 =	vgt.u32 v2, $0xF;
	[tilespmem:$0x1FFD0] =	vst v0;
	v0 =	vimm.s32 $0x0  }
0x24: {  	s11 =	ssub.s32 s12, s29;
	s6 =	sadd.s32 s6, s8;
	s12 =	simm.s32 $0x1200;
	vm10 =	vgt.u32 v2, $0x4;
	v0 =	vsel vm0, $0xFFFFFFFF, v0;
	vm0 =	vgt.u32 v2, $0xE  }
0x25: {  	vm11 =	vgt.u32 v2, $0x3;
	vm12 =	vgt.u32 v2, $0x2;
	s7 =	sadd.s32 $0x1A00, s7;
	s8 =	sadd.s32 $0x2000, s10;
	s9 =	smax.u32 s11, $0x1;
	[tilespmem:$0x1FFE0] =	vst v0;
	v3 =	vsel vm0, $0xFFFFFFFF, v3  }
0x26: {  	vm13 =	vgt.u32 v2, $0x1;
	vm14 =	veq.s32 v2, $0x0;
	s10 =	simm.s32 $0x2;
	s11 =	simm.s32 $0x1300;
	s13 =	sadd.s32 s30, s7;
	v0 =	vimm.s32 $0x0;
	[tilespmem:$0x1FFF0] =	vst v3  }
.LBB2_1:
0x27: {  	[tilespmem:s3], [sflag:$0x2] =	stream.linear.gather [hbm4b:s5+s3], $0x80, $0x38;
	[tilespmem:$0x3400] =	vst v63  }
0x28: {  	_ =	swait.ge [sflag:s10], $0x80  }
0x29: {  	[sflag:s10] =	ssyncset.done $0x0  }
0x2a: {  	[sflag:s10] =	ssyncadd.s32 $0xFFFFFF80  }
0x2b: {  	[tilespmem:s11], [sflag:$0x1] =	stream.linear.gather [hbm4b:s6+s3], $0x2000, $0x38;
	[tilespmem:$0x3400] =	vst v63  }
0x2c: {  	v2 =	vld [tilespmem:$0x0];
	_ =	sdelay $0x3  }
0x2d: {  	[tilespmem:$0x80] =	vst v1  }
0x2e: {  	[tilespmem:$0x90] =	vst v2  }
0x2f: {  	v3 =	vld [tilespmem:$0x8F]  }
0x30: {  	v4 =	vld [tilespmem:$0x8E]  }
0x31: {  	v5 =	vld [tilespmem:$0x8D]  }
0x32: {  	v6 =	vld [tilespmem:$0x8C]  }
0x33: {  	v7 =	vld [tilespmem:$0x8B]  }
0x34: {  	v8 =	vld [tilespmem:$0x8A]  }
0x35: {  	vm15 =	veq.s32 v3, v2;
	vm0 =	veq.s32 v4, v2;
	v3 =	vld [tilespmem:$0x89]  }
0x36: {  	v15 =	vld [tilespmem:$0x88];
	v14 =	vsel vm15, $0x1, v0;
	v9 =	vsel vm0, $0x1, v0;
	vm0 =	veq.s32 v5, v2  }
0x37: {  	v17 =	vld [tilespmem:$0x87];
	v4 =	vadd.s32 v14, v9;
	v16 =	vsel vm0, $0x1, v0;
	vm0 =	veq.s32 v6, v2  }
0x38: {  	v19 =	vld [tilespmem:$0x86];
	v4 =	vadd.s32 v16, v4;
	v18 =	vsel vm0, $0x1, v0;
	vm0 =	veq.s32 v7, v2  }
0x39: {  	v21 =	vld [tilespmem:$0x85];
	v4 =	vadd.s32 v18, v4;
	v20 =	vsel vm0, $0x1, v0;
	vm0 =	veq.s32 v8, v2  }
0x3a: {  	v4 =	vadd.s32 v20, v4;
	v22 =	vsel vm0, $0x1, v0;
	vm0 =	veq.s32 v3, v2;
	v3 =	vld [tilespmem:$0x84]  }
0x3b: {  	v24 =	vld [tilespmem:$0x83];
	v4 =	vadd.s32 v22, v4;
	v23 =	vsel vm0, $0x1, v0;
	vm0 =	veq.s32 v15, v2  }
0x3c: {  	v26 =	vld [tilespmem:$0x82];
	v4 =	vadd.s32 v23, v4;
	v25 =	vsel vm0, $0x1, v0;
	vm0 =	veq.s32 v17, v2  }
0x3d: {  	v4 =	vadd.s32 v25, v4;
	v27 =	vsel vm0, $0x1, v0;
	vm0 =	veq.s32 v19, v2  }
0x3e: {  	[tilespmem:$0x1200] =	vst v0;
	v28 =	vld [tilespmem:$0x81];
	v4 =	vadd.s32 v27, v4;
	v7 =	vsel vm0, $0x1, v0;
	vm0 =	veq.s32 v21, v2  }
0x3f: {  	v4 =	vadd.s32 v7, v4;
	v29 =	vsel vm0, $0x1, v0;
	vm0 =	veq.s32 v3, v2;
	v3 =	vld.idx.msk [tilespmem:v2+s12+$0x0], $0xffff  }
0x40: {  	v4 =	vadd.s32 v29, v4;
	v30 =	vsel vm0, $0x1, v0;
	vm0 =	veq.s32 v24, v2  }
0x41: {  	v4 =	vadd.s32 v30, v4;
	v5 =	vsel vm0, $0x1, v0;
	vm0 =	veq.s32 v26, v2  }
0x42: {  	v4 =	vadd.s32 v5, v4;
	v31 =	vsel vm0, $0x1, v0  }
0x43: {  	vm0 =	veq.s32 v28, v2;
	v4 =	vadd.s32 v31, v4  }
0x44: {  	v32 =	vsel vm0, $0x1, v0;
	v3 =	vadd.s32 v3, v4  }
0x45: {  	v3 =	vadd.s32 v32, v3  }
0x46: {  	v33 =	vadd.s32 $0x1, v3  }
0x47: {  	[tilespmem:v2+s12+$0x0] =	vst.idx.msk $0xffff, v33  }
0x48: {  	v4 =	vld [tilespmem:$0x10];
	_ =	sdelay $0x4  }
0x49: {  	[tilespmem:$0x90] =	vst v4  }
0x4a: {  	v34 =	vld [tilespmem:$0x8F]  }
0x4b: {  	v35 =	vld [tilespmem:$0x8E]  }
0x4c: {  	v36 =	vld [tilespmem:$0x8D]  }
0x4d: {  	v37 =	vld [tilespmem:$0x8C]  }
0x4e: {  	v38 =	vld [tilespmem:$0x8B]  }
0x4f: {  	v10 =	vld [tilespmem:$0x8A]  }
0x50: {  	v39 =	vld [tilespmem:$0x89];
	vm0 =	veq.s32 v34, v4;
	vm15 =	veq.s32 v35, v4  }
0x51: {  	v41 =	vld [tilespmem:$0x88];
	v40 =	vsel vm0, $0x1, v0;
	v11 =	vsel vm15, $0x1, v0;
	vm0 =	veq.s32 v36, v4  }
0x52: {  	v43 =	vld [tilespmem:$0x87];
	v6 =	vadd.s32 v40, v11;
	v42 =	vsel vm0, $0x1, v0;
	vm0 =	veq.s32 v37, v4  }
0x53: {  	v45 =	vld [tilespmem:$0x86];
	v6 =	vadd.s32 v42, v6;
	v44 =	vsel vm0, $0x1, v0;
	vm0 =	veq.s32 v38, v4  }
0x54: {  	v47 =	vld [tilespmem:$0x85];
	v6 =	vadd.s32 v44, v6;
	v46 =	vsel vm0, $0x1, v0;
	vm0 =	veq.s32 v10, v4  }
0x55: {  	v49 =	vld [tilespmem:$0x84];
	v6 =	vadd.s32 v46, v6;
	v48 =	vsel vm0, $0x1, v0;
	vm0 =	veq.s32 v39, v4  }
0x56: {  	v51 =	vld [tilespmem:$0x83];
	v6 =	vadd.s32 v48, v6;
	v50 =	vsel vm0, $0x1, v0;
	vm0 =	veq.s32 v41, v4  }
0x57: {  	v53 =	vld [tilespmem:$0x82];
	v6 =	vadd.s32 v50, v6;
	v52 =	vsel vm0, $0x1, v0;
	vm0 =	veq.s32 v43, v4  }
0x58: {  	v6 =	vadd.s32 v52, v6;
	v54 =	vsel vm0, $0x1, v0;
	vm0 =	veq.s32 v45, v4  }
0x59: {  	v55 =	vld [tilespmem:$0x81];
	v6 =	vadd.s32 v54, v6;
	v9 =	vsel vm0, $0x1, v0;
	vm0 =	veq.s32 v47, v4  }
0x5a: {  	v57 =	vld.idx.msk [tilespmem:v4+s12+$0x0], $0xffff;
	v6 =	vadd.s32 v9, v6;
	v56 =	vsel vm0, $0x1, v0;
	vm0 =	veq.s32 v49, v4  }
0x5b: {  	v6 =	vadd.s32 v56, v6;
	v58 =	vsel vm0, $0x1, v0;
	vm0 =	veq.s32 v51, v4  }
0x5c: {  	v6 =	vadd.s32 v58, v6;
	v7 =	vsel vm0, $0x1, v0;
	vm0 =	veq.s32 v53, v4  }
0x5d: {  	v6 =	vadd.s32 v7, v6;
	v59 =	vsel vm0, $0x1, v0  }
0x5e: {  	vm0 =	veq.s32 v55, v4;
	v6 =	vadd.s32 v59, v6  }
0x5f: {  	v60 =	vsel vm0, $0x1, v0;
	v5 =	vadd.s32 v57, v6  }
0x60: {  	v5 =	vadd.s32 v60, v5  }
0x61: {  	v61 =	vadd.s32 $0x1, v5  }
0x62: {  	[tilespmem:v4+s12+$0x0] =	vst.idx.msk $0xffff, v61  }
0x63: {  	v6 =	vld [tilespmem:$0x20];
	_ =	sdelay $0x4  }
0x64: {  	[tilespmem:$0x90] =	vst v6  }
0x65: {  	v62 =	vld [tilespmem:$0x8F]  }
0x66: {  	v63 =	vld [tilespmem:$0x8E]  }
0x67: {  	v16 =	vld [tilespmem:$0x8D]  }
0x68: {  	v17 =	vld [tilespmem:$0x8C]  }
0x69: {  	v18 =	vld [tilespmem:$0x8B]  }
0x6a: {  	v12 =	vld [tilespmem:$0x8A]  }
0x6b: {  	v19 =	vld [tilespmem:$0x89];
	vm0 =	veq.s32 v62, v6;
	vm15 =	veq.s32 v63, v6  }
0x6c: {  	v21 =	vld [tilespmem:$0x88];
	v20 =	vsel vm0, $0x1, v0;
	v13 =	vsel vm15, $0x1, v0;
	vm0 =	veq.s32 v16, v6  }
0x6d: {  	v23 =	vld [tilespmem:$0x87];
	v8 =	vadd.s32 v20, v13;
	v22 =	vsel vm0, $0x1, v0;
	vm0 =	veq.s32 v17, v6  }
0x6e: {  	v25 =	vld [tilespmem:$0x86];
	v8 =	vadd.s32 v22, v8;
	v24 =	vsel vm0, $0x1, v0;
	vm0 =	veq.s32 v18, v6  }
0x6f: {  	v27 =	vld [tilespmem:$0x85];
	v8 =	vadd.s32 v24, v8;
	v26 =	vsel vm0, $0x1, v0;
	vm0 =	veq.s32 v12, v6  }
0x70: {  	v29 =	vld [tilespmem:$0x84];
	v8 =	vadd.s32 v26, v8;
	v28 =	vsel vm0, $0x1, v0;
	vm0 =	veq.s32 v19, v6  }
0x71: {  	v31 =	vld [tilespmem:$0x83];
	v8 =	vadd.s32 v28, v8;
	v30 =	vsel vm0, $0x1, v0;
	vm0 =	veq.s32 v21, v6  }
0x72: {  	v33 =	vld [tilespmem:$0x82];
	v8 =	vadd.s32 v30, v8;
	v32 =	vsel vm0, $0x1, v0;
	vm0 =	veq.s32 v23, v6  }
0x73: {  	v8 =	vadd.s32 v32, v8;
	v34 =	vsel vm0, $0x1, v0;
	vm0 =	veq.s32 v25, v6  }
0x74: {  	v35 =	vld [tilespmem:$0x81];
	v8 =	vadd.s32 v34, v8;
	v11 =	vsel vm0, $0x1, v0;
	vm0 =	veq.s32 v27, v6  }
0x75: {  	v37 =	vld.idx.msk [tilespmem:v6+s12+$0x0], $0xffff;
	v8 =	vadd.s32 v11, v8;
	v36 =	vsel vm0, $0x1, v0;
	vm0 =	veq.s32 v29, v6  }
0x76: {  	v8 =	vadd.s32 v36, v8;
	v38 =	vsel vm0, $0x1, v0;
	vm0 =	veq.s32 v31, v6  }
0x77: {  	v8 =	vadd.s32 v38, v8;
	v9 =	vsel vm0, $0x1, v0;
	vm0 =	veq.s32 v33, v6  }
0x78: {  	v8 =	vadd.s32 v9, v8;
	v39 =	vsel vm0, $0x1, v0  }
0x79: {  	vm0 =	veq.s32 v35, v6;
	v8 =	vadd.s32 v39, v8  }
0x7a: {  	v40 =	vsel vm0, $0x1, v0;
	v7 =	vadd.s32 v37, v8  }
0x7b: {  	v7 =	vadd.s32 v40, v7  }
0x7c: {  	v41 =	vadd.s32 $0x1, v7  }
0x7d: {  	[tilespmem:v6+s12+$0x0] =	vst.idx.msk $0xffff, v41  }
0x7e: {  	v8 =	vld [tilespmem:$0x30];
	_ =	sdelay $0x4  }
0x7f: {  	[tilespmem:$0x90] =	vst v8  }
0x80: {  	v42 =	vld [tilespmem:$0x8F]  }
0x81: {  	v43 =	vld [tilespmem:$0x8E]  }
0x82: {  	v44 =	vld [tilespmem:$0x8D]  }
0x83: {  	v45 =	vld [tilespmem:$0x8C]  }
0x84: {  	v46 =	vld [tilespmem:$0x8B]  }
0x85: {  	v14 =	vld [tilespmem:$0x8A]  }
0x86: {  	v47 =	vld [tilespmem:$0x89];
	vm0 =	veq.s32 v42, v8;
	vm15 =	veq.s32 v43, v8  }
0x87: {  	v49 =	vld [tilespmem:$0x88];
	v48 =	vsel vm0, $0x1, v0;
	v15 =	vsel vm15, $0x1, v0;
	vm0 =	veq.s32 v44, v8  }
0x88: {  	v51 =	vld [tilespmem:$0x87];
	v10 =	vadd.s32 v48, v15;
	v50 =	vsel vm0, $0x1, v0;
	vm0 =	veq.s32 v45, v8  }
0x89: {  	v53 =	vld [tilespmem:$0x86];
	v10 =	vadd.s32 v50, v10;
	v52 =	vsel vm0, $0x1, v0;
	vm0 =	veq.s32 v46, v8  }
0x8a: {  	v55 =	vld [tilespmem:$0x85];
	v10 =	vadd.s32 v52, v10;
	v54 =	vsel vm0, $0x1, v0;
	vm0 =	veq.s32 v14, v8  }
0x8b: {  	v57 =	vld [tilespmem:$0x84];
	v10 =	vadd.s32 v54, v10;
	v56 =	vsel vm0, $0x1, v0;
	vm0 =	veq.s32 v47, v8  }
0x8c: {  	v59 =	vld [tilespmem:$0x83];
	v10 =	vadd.s32 v56, v10;
	v58 =	vsel vm0, $0x1, v0;
	vm0 =	veq.s32 v49, v8  }
0x8d: {  	v61 =	vld [tilespmem:$0x82];
	v10 =	vadd.s32 v58, v10;
	v60 =	vsel vm0, $0x1, v0;
	vm0 =	veq.s32 v51, v8  }
0x8e: {  	v10 =	vadd.s32 v60, v10;
	v62 =	vsel vm0, $0x1, v0;
	vm0 =	veq.s32 v53, v8  }
0x8f: {  	v63 =	vld [tilespmem:$0x81];
	v10 =	vadd.s32 v62, v10;
	v13 =	vsel vm0, $0x1, v0;
	vm0 =	veq.s32 v55, v8  }
0x90: {  	v17 =	vld.idx.msk [tilespmem:v8+s12+$0x0], $0xffff;
	v10 =	vadd.s32 v13, v10;
	v16 =	vsel vm0, $0x1, v0;
	vm0 =	veq.s32 v57, v8  }
0x91: {  	v10 =	vadd.s32 v16, v10;
	v18 =	vsel vm0, $0x1, v0;
	vm0 =	veq.s32 v59, v8  }
0x92: {  	v10 =	vadd.s32 v18, v10;
	v11 =	vsel vm0, $0x1, v0;
	vm0 =	veq.s32 v61, v8  }
0x93: {  	v10 =	vadd.s32 v11, v10;
	v19 =	vsel vm0, $0x1, v0  }
0x94: {  	vm0 =	veq.s32 v63, v8;
	v10 =	vadd.s32 v19, v10  }
0x95: {  	v20 =	vsel vm0, $0x1, v0;
	v9 =	vadd.s32 v17, v10  }
0x96: {  	v9 =	vadd.s32 v20, v9  }
0x97: {  	v21 =	vadd.s32 $0x1, v9  }
0x98: {  	[tilespmem:v8+s12+$0x0] =	vst.idx.msk $0xffff, v21  }
0x99: {  	v10 =	vld [tilespmem:$0x40];
	_ =	sdelay $0x4  }
0x9a: {  	v22 =	vld [tilespmem:$0x1200];
	[tilespmem:$0x90] =	vst v10  }
0x9b: {  	v23 =	vld [tilespmem:$0x8F]  }
0x9c: {  	v24 =	vld [tilespmem:$0x8E]  }
0x9d: {  	v25 =	vld [tilespmem:$0x8D]  }
0x9e: {  	v26 =	vld [tilespmem:$0x8C]  }
0x9f: {  	v16 =	vld [tilespmem:$0x8B]  }
0xa0: {  	v17 =	vld [tilespmem:$0x8A]  }
0xa1: {  	v27 =	vld [tilespmem:$0x89];
	vm0 =	veq.s32 v23, v10;
	vm15 =	veq.s32 v24, v10  }
0xa2: {  	v29 =	vld [tilespmem:$0x88];
	v28 =	vsel vm0, $0x1, v0;
	v18 =	vsel vm15, $0x1, v0;
	vm0 =	veq.s32 v25, v10  }
0xa3: {  	v31 =	vld [tilespmem:$0x87];
	v13 =	vadd.s32 v28, v18;
	v30 =	vsel vm0, $0x1, v0;
	vm0 =	veq.s32 v26, v10  }
0xa4: {  	v33 =	vld [tilespmem:$0x86];
	v13 =	vadd.s32 v30, v13;
	v32 =	vsel vm0, $0x1, v0;
	vm0 =	veq.s32 v16, v10  }
0xa5: {  	v35 =	vld [tilespmem:$0x85];
	v13 =	vadd.s32 v32, v13;
	v34 =	vsel vm0, $0x1, v0;
	vm0 =	veq.s32 v17, v10  }
0xa6: {  	v37 =	vld [tilespmem:$0x84];
	v13 =	vadd.s32 v34, v13;
	v36 =	vsel vm0, $0x1, v0;
	vm0 =	veq.s32 v27, v10  }
0xa7: {  	v39 =	vld [tilespmem:$0x83];
	v13 =	vadd.s32 v36, v13;
	v38 =	vsel vm0, $0x1, v0;
	vm0 =	veq.s32 v29, v10  }
0xa8: {  	v41 =	vld [tilespmem:$0x82];
	v13 =	vadd.s32 v38, v13;
	v40 =	vsel vm0, $0x1, v0;
	vm0 =	veq.s32 v31, v10  }
0xa9: {  	[tilespmem:$0x1200] =	vst v0;
	v42 =	vadd.s32 v40, v13;
	v43 =	vsel vm0, $0x1, v0;
	vm0 =	veq.s32 v33, v10  }
0xaa: {  	[tilespmem:$0x100] =	vst v22;
	v45 =	vld [tilespmem:$0x81];
	v11 =	vadd.s32 v43, v42;
	v44 =	vsel vm0, $0x1, v0;
	vm0 =	veq.s32 v35, v10  }
0xab: {  	v47 =	vld.idx.msk [tilespmem:v10+s12+$0x0], $0xffff;
	v11 =	vadd.s32 v44, v11;
	v46 =	vsel vm0, $0x1, v0;
	vm0 =	veq.s32 v37, v10  }
0xac: {  	v11 =	vadd.s32 v46, v11;
	v48 =	vsel vm0, $0x1, v0;
	vm0 =	veq.s32 v39, v10  }
0xad: {  	v11 =	vadd.s32 v48, v11;
	v49 =	vsel vm0, $0x1, v0;
	vm0 =	veq.s32 v41, v10  }
0xae: {  	v11 =	vadd.s32 v49, v11;
	v50 =	vsel vm0, $0x1, v0  }
0xaf: {  	vm0 =	veq.s32 v45, v10;
	v11 =	vadd.s32 v50, v11  }
0xb0: {  	v51 =	vsel vm0, $0x1, v0;
	v11 =	vadd.s32 v47, v11  }
0xb1: {  	v11 =	vadd.s32 v51, v11  }
0xb2: {  	v52 =	vadd.s32 $0x1, v11  }
0xb3: {  	[tilespmem:v10+s12+$0x0] =	vst.idx.msk $0xffff, v52  }
0xb4: {  	v12 =	vld [tilespmem:$0x50];
	_ =	sdelay $0x4  }
0xb5: {  	[tilespmem:$0x90] =	vst v12  }
0xb6: {  	v53 =	vld [tilespmem:$0x8F]  }
0xb7: {  	v54 =	vld [tilespmem:$0x8E]  }
0xb8: {  	v55 =	vld [tilespmem:$0x8D]  }
0xb9: {  	v56 =	vld [tilespmem:$0x8C]  }
0xba: {  	v57 =	vld [tilespmem:$0x8B]  }
0xbb: {  	v58 =	vld [tilespmem:$0x8A]  }
0xbc: {  	v59 =	vld [tilespmem:$0x89];
	vm0 =	veq.s32 v53, v12;
	vm15 =	veq.s32 v54, v12  }
0xbd: {  	v61 =	vld [tilespmem:$0x88];
	v60 =	vsel vm0, $0x1, v0;
	v19 =	vsel vm15, $0x1, v0;
	vm0 =	veq.s32 v55, v12  }
0xbe: {  	v63 =	vld [tilespmem:$0x87];
	v14 =	vadd.s32 v60, v19;
	v62 =	vsel vm0, $0x1, v0;
	vm0 =	veq.s32 v56, v12  }
0xbf: {  	v22 =	vld [tilespmem:$0x86];
	v14 =	vadd.s32 v62, v14;
	v21 =	vsel vm0, $0x1, v0;
	vm0 =	veq.s32 v57, v12  }
0xc0: {  	v24 =	vld [tilespmem:$0x85];
	v14 =	vadd.s32 v21, v14;
	v23 =	vsel vm0, $0x1, v0;
	vm0 =	veq.s32 v58, v12  }
0xc1: {  	v26 =	vld [tilespmem:$0x84];
	v14 =	vadd.s32 v23, v14;
	v25 =	vsel vm0, $0x1, v0;
	vm0 =	veq.s32 v59, v12  }
0xc2: {  	v28 =	vld [tilespmem:$0x83];
	v14 =	vadd.s32 v25, v14;
	v27 =	vsel vm0, $0x1, v0;
	vm0 =	veq.s32 v61, v12  }
0xc3: {  	v30 =	vld [tilespmem:$0x82];
	v14 =	vadd.s32 v27, v14;
	v29 =	vsel vm0, $0x1, v0;
	vm0 =	veq.s32 v63, v12  }
0xc4: {  	v14 =	vadd.s32 v29, v14;
	v31 =	vsel vm0, $0x1, v0;
	vm0 =	veq.s32 v22, v12  }
0xc5: {  	v32 =	vld [tilespmem:$0x81];
	v14 =	vadd.s32 v31, v14;
	v17 =	vsel vm0, $0x1, v0;
	vm0 =	veq.s32 v24, v12  }
0xc6: {  	v34 =	vld.idx.msk [tilespmem:v12+s12+$0x0], $0xffff;
	v14 =	vadd.s32 v17, v14;
	v33 =	vsel vm0, $0x1, v0;
	vm0 =	veq.s32 v26, v12  }
0xc7: {  	v14 =	vadd.s32 v33, v14;
	v35 =	vsel vm0, $0x1, v0;
	vm0 =	veq.s32 v28, v12  }
0xc8: {  	v14 =	vadd.s32 v35, v14;
	v15 =	vsel vm0, $0x1, v0;
	vm0 =	veq.s32 v30, v12  }
0xc9: {  	v14 =	vadd.s32 v15, v14;
	v36 =	vsel vm0, $0x1, v0  }
0xca: {  	vm0 =	veq.s32 v32, v12;
	v14 =	vadd.s32 v36, v14  }
0xcb: {  	v37 =	vsel vm0, $0x1, v0;
	v13 =	vadd.s32 v34, v14  }
0xcc: {  	v13 =	vadd.s32 v37, v13  }
0xcd: {  	v38 =	vadd.s32 $0x1, v13  }
0xce: {  	[tilespmem:v12+s12+$0x0] =	vst.idx.msk $0xffff, v38  }
0xcf: {  	v14 =	vld [tilespmem:$0x60];
	_ =	sdelay $0x4  }
0xd0: {  	[tilespmem:$0x90] =	vst v14  }
0xd1: {  	v39 =	vld [tilespmem:$0x8F]  }
0xd2: {  	v40 =	vld [tilespmem:$0x8E]  }
0xd3: {  	v41 =	vld [tilespmem:$0x8D]  }
0xd4: {  	v42 =	vld [tilespmem:$0x8C]  }
0xd5: {  	v43 =	vld [tilespmem:$0x8B]  }
0xd6: {  	v20 =	vld [tilespmem:$0x8A]  }
0xd7: {  	v44 =	vld [tilespmem:$0x89];
	vm0 =	veq.s32 v39, v14;
	vm15 =	veq.s32 v40, v14  }
0xd8: {  	v46 =	vld [tilespmem:$0x88];
	v45 =	vsel vm0, $0x1, v0;
	v21 =	vsel vm15, $0x1, v0;
	vm0 =	veq.s32 v41, v14  }
0xd9: {  	v48 =	vld [tilespmem:$0x87];
	v16 =	vadd.s32 v45, v21;
	v47 =	vsel vm0, $0x1, v0;
	vm0 =	veq.s32 v42, v14  }
0xda: {  	v50 =	vld [tilespmem:$0x86];
	v16 =	vadd.s32 v47, v16;
	v49 =	vsel vm0, $0x1, v0;
	vm0 =	veq.s32 v43, v14  }
0xdb: {  	v52 =	vld [tilespmem:$0x85];
	v16 =	vadd.s32 v49, v16;
	v51 =	vsel vm0, $0x1, v0;
	vm0 =	veq.s32 v20, v14  }
0xdc: {  	v54 =	vld [tilespmem:$0x84];
	v16 =	vadd.s32 v51, v16;
	v53 =	vsel vm0, $0x1, v0;
	vm0 =	veq.s32 v44, v14  }
0xdd: {  	v56 =	vld [tilespmem:$0x83];
	v16 =	vadd.s32 v53, v16;
	v55 =	vsel vm0, $0x1, v0;
	vm0 =	veq.s32 v46, v14  }
0xde: {  	v58 =	vld [tilespmem:$0x82];
	v16 =	vadd.s32 v55, v16;
	v57 =	vsel vm0, $0x1, v0;
	vm0 =	veq.s32 v48, v14  }
0xdf: {  	v16 =	vadd.s32 v57, v16;
	v59 =	vsel vm0, $0x1, v0;
	vm0 =	veq.s32 v50, v14  }
0xe0: {  	v60 =	vld [tilespmem:$0x81];
	v16 =	vadd.s32 v59, v16;
	v19 =	vsel vm0, $0x1, v0;
	vm0 =	veq.s32 v52, v14  }
0xe1: {  	v62 =	vld.idx.msk [tilespmem:v14+s12+$0x0], $0xffff;
	v16 =	vadd.s32 v19, v16;
	v61 =	vsel vm0, $0x1, v0;
	vm0 =	veq.s32 v54, v14  }
0xe2: {  	v16 =	vadd.s32 v61, v16;
	v63 =	vsel vm0, $0x1, v0;
	vm0 =	veq.s32 v56, v14  }
0xe3: {  	v16 =	vadd.s32 v63, v16;
	v17 =	vsel vm0, $0x1, v0;
	vm0 =	veq.s32 v58, v14  }
0xe4: {  	v16 =	vadd.s32 v17, v16;
	v21 =	vsel vm0, $0x1, v0  }
0xe5: {  	vm0 =	veq.s32 v60, v14;
	v16 =	vadd.s32 v21, v16  }
0xe6: {  	v22 =	vsel vm0, $0x1, v0;
	v15 =	vadd.s32 v62, v16  }
0xe7: {  	v15 =	vadd.s32 v22, v15  }
0xe8: {  	v23 =	vadd.s32 $0x1, v15  }
0xe9: {  	[tilespmem:v14+s12+$0x0] =	vst.idx.msk $0xffff, v23  }
0xea: {  	v16 =	vld [tilespmem:$0x70];
	_ =	sdelay $0x4  }
0xeb: {  	[tilespmem:$0x90] =	vst v16  }
0xec: {  	v24 =	vld [tilespmem:$0x8F]  }
0xed: {  	v25 =	vld [tilespmem:$0x8E]  }
0xee: {  	v26 =	vld [tilespmem:$0x8D]  }
0xef: {  	v27 =	vld [tilespmem:$0x8C]  }
0xf0: {  	v28 =	vld [tilespmem:$0x8B]  }
0xf1: {  	v22 =	vld [tilespmem:$0x8A]  }
0xf2: {  	v29 =	vld [tilespmem:$0x89];
	vm0 =	veq.s32 v24, v16;
	vm15 =	veq.s32 v25, v16  }
0xf3: {  	v31 =	vld [tilespmem:$0x88];
	v30 =	vsel vm0, $0x1, v0;
	v23 =	vsel vm15, $0x1, v0;
	vm0 =	veq.s32 v26, v16  }
0xf4: {  	v33 =	vld [tilespmem:$0x87];
	v18 =	vadd.s32 v30, v23;
	v32 =	vsel vm0, $0x1, v0;
	vm0 =	veq.s32 v27, v16  }
0xf5: {  	v35 =	vld [tilespmem:$0x86];
	v18 =	vadd.s32 v32, v18;
	v34 =	vsel vm0, $0x1, v0;
	vm0 =	veq.s32 v28, v16  }
0xf6: {  	v37 =	vld [tilespmem:$0x85];
	v18 =	vadd.s32 v34, v18;
	v36 =	vsel vm0, $0x1, v0;
	vm0 =	veq.s32 v22, v16  }
0xf7: {  	v39 =	vld [tilespmem:$0x84];
	v18 =	vadd.s32 v36, v18;
	v38 =	vsel vm0, $0x1, v0;
	vm0 =	veq.s32 v29, v16  }
0xf8: {  	v41 =	vld [tilespmem:$0x83];
	v18 =	vadd.s32 v38, v18;
	v40 =	vsel vm0, $0x1, v0;
	vm0 =	veq.s32 v31, v16  }
0xf9: {  	v43 =	vld [tilespmem:$0x82];
	v18 =	vadd.s32 v40, v18;
	v42 =	vsel vm0, $0x1, v0;
	vm0 =	veq.s32 v33, v16  }
0xfa: {  	v18 =	vadd.s32 v42, v18;
	v44 =	vsel vm0, $0x1, v0;
	vm0 =	veq.s32 v35, v16  }
0xfb: {  	v45 =	vld [tilespmem:$0x81];
	v18 =	vadd.s32 v44, v18;
	v21 =	vsel vm0, $0x1, v0;
	vm0 =	veq.s32 v37, v16  }
0xfc: {  	v47 =	vld.idx.msk [tilespmem:v16+s12+$0x0], $0xffff;
	v18 =	vadd.s32 v21, v18;
	v46 =	vsel vm0, $0x1, v0;
	vm0 =	veq.s32 v39, v16  }
0xfd: {  	v18 =	vadd.s32 v46, v18;
	v48 =	vsel vm0, $0x1, v0;
	vm0 =	veq.s32 v41, v16  }
0xfe: {  	v18 =	vadd.s32 v48, v18;
	v19 =	vsel vm0, $0x1, v0;
	vm0 =	veq.s32 v43, v16  }
0xff: {  	v18 =	vadd.s32 v19, v18;
	v49 =	vsel vm0, $0x1, v0  }
0x100: {  	vm0 =	veq.s32 v45, v16;
	v18 =	vadd.s32 v49, v18  }
0x101: {  	v50 =	vsel vm0, $0x1, v0;
	v17 =	vadd.s32 v47, v18  }
0x102: {  	v17 =	vadd.s32 v50, v17  }
0x103: {  	v51 =	vadd.s32 $0x1, v17  }
0x104: {  	[tilespmem:v16+s12+$0x0] =	vst.idx.msk $0xffff, v51  }
0x105: {  	v18 =	vld [tilespmem:$0x1200];
	_ =	sdelay $0x4  }
0x106: {  	[tilespmem:$0x180] =	vst v18  }
0x107: {  	[hbm4b:s13+s3] =	stream.linear.scatter [tilespmem:s14], [sflag:$0x2], $0x100, $0x38;
	[tilespmem:$0x3400] =	vst v63  }
0x108: {  	_ =	swait.ge [sflag:s10], $0x100  }
0x109: {  	[sflag:s10] =	ssyncset.done $0x0  }
0x10a: {  	[sflag:s10] =	ssyncadd.s32 $0xFFFFFF00  }
0x10b: {  	[bflag:$0x0] =	sbarrier.arrive $0xFFFF  }
0x10c: {  	[tilespmem:s15], [sflag:$0x2] =	stream.linear.gather [hbm4b:s7+s3], $0x1000, $0x38;
	[tilespmem:$0x3400] =	vst v63  }
0x10d: {  	_ =	swait.ge [sflag:s10], $0x1000  }
0x10e: {  	[sflag:s10] =	ssyncset.done $0x0  }
0x10f: {  	[sflag:s10] =	ssyncadd.s32 $0xFFFFF000  }
0x110: {  	v52 =	vld [tilespmem:$0x200]  }
0x111: {  	v53 =	vld [tilespmem:$0x280]  }
0x112: {  	v54 =	vld [tilespmem:$0x300]  }
0x113: {  	v55 =	vld [tilespmem:$0x380]  }
0x114: {  	v56 =	vld [tilespmem:$0x400]  }
0x115: {  	v57 =	vld [tilespmem:$0x480]  }
0x116: {  	v25 =	vld [tilespmem:$0x500];
	v24 =	vadd.s32 v52, v53  }
0x117: {  	v26 =	vld [tilespmem:$0x580];
	v24 =	vadd.s32 v54, v24  }
0x118: {  	v27 =	vld [tilespmem:$0x600];
	v24 =	vadd.s32 v55, v24  }
0x119: {  	v28 =	vld [tilespmem:$0x680];
	v24 =	vadd.s32 v56, v24  }
0x11a: {  	v29 =	vld [tilespmem:$0x700];
	v24 =	vadd.s32 v57, v24  }
0x11b: {  	v30 =	vld [tilespmem:$0x780];
	v24 =	vadd.s32 v25, v24  }
0x11c: {  	v31 =	vld [tilespmem:$0x800];
	v24 =	vadd.s32 v26, v24  }
0x11d: {  	v32 =	vld [tilespmem:$0x880];
	v24 =	vadd.s32 v27, v24  }
0x11e: {  	v33 =	vld [tilespmem:$0x900];
	v24 =	vadd.s32 v28, v24  }
0x11f: {  	v34 =	vld [tilespmem:$0x980];
	v24 =	vadd.s32 v29, v24  }
0x120: {  	v35 =	vld [tilespmem:$0xA00];
	v24 =	vadd.s32 v30, v24  }
0x121: {  	v36 =	vld [tilespmem:$0xA80];
	v24 =	vadd.s32 v31, v24  }
0x122: {  	v37 =	vld [tilespmem:$0xB00];
	v24 =	vadd.s32 v32, v24  }
0x123: {  	v38 =	vld [tilespmem:$0xB80];
	v24 =	vadd.s32 v33, v24  }
0x124: {  	v39 =	vld [tilespmem:$0xC00];
	v24 =	vadd.s32 v34, v24  }
0x125: {  	v40 =	vld [tilespmem:$0xC80];
	v24 =	vadd.s32 v35, v24  }
0x126: {  	v41 =	vld [tilespmem:$0xD00];
	v24 =	vadd.s32 v36, v24  }
0x127: {  	v42 =	vld [tilespmem:$0xD80];
	v24 =	vadd.s32 v37, v24  }
0x128: {  	v43 =	vld [tilespmem:$0xE00];
	v24 =	vadd.s32 v38, v24  }
0x129: {  	v44 =	vld [tilespmem:$0xE80];
	v24 =	vadd.s32 v39, v24  }
0x12a: {  	v45 =	vld [tilespmem:$0xF00];
	v24 =	vadd.s32 v40, v24  }
0x12b: {  	v46 =	vld [tilespmem:$0xF80];
	v24 =	vadd.s32 v41, v24  }
0x12c: {  	v47 =	vld [tilespmem:$0x1000];
	v24 =	vadd.s32 v42, v24  }
0x12d: {  	v48 =	vld [tilespmem:$0x1080];
	v24 =	vadd.s32 v43, v24  }
0x12e: {  	v49 =	vld [tilespmem:$0x1100];
	v24 =	vadd.s32 v44, v24  }
0x12f: {  	v24 =	vadd.s32 v45, v24  }
0x130: {  	v24 =	vadd.s32 v46, v24  }
0x131: {  	v24 =	vadd.s32 v47, v24  }
0x132: {  	v24 =	vadd.s32 v48, v24  }
0x133: {  	v59 =	vadd.s32 v49, v24;
	v24 =	vnsel vm7, $0x0, v26  }
0x134: {  	v26 =	vnsel vm5, $0x0, v28;
	v28 =	vnsel vm3, $0x0, v30;
	v30 =	vnsel vm1, $0x0, v32;
	v32 =	vld [tilespmem:$0x1FFF0];
	_ =	sdelay $0x3  }
0x135: {  	v18 =	vsel vm14, $0x0, v52;
	v19 =	vnsel vm13, $0x0, v53  }
0x136: {  	v20 =	vnsel vm12, $0x0, v54;
	v18 =	vadd.s32 v18, v19;
	vm0 =	vnez.u8 v32  }
0x137: {  	v58 =	vnsel vm11, $0x0, v55;
	v18 =	vadd.s32 v20, v18;
	v20 =	vnsel vm0, $0x0, v33;
	v33 =	vld [tilespmem:$0x1FFE0]  }
0x138: {  	v60 =	vnsel vm10, $0x0, v56;
	v18 =	vadd.s32 v58, v18  }
0x139: {  	v61 =	vnsel vm9, $0x0, v57;
	v18 =	vadd.s32 v60, v18  }
0x13a: {  	v62 =	vnsel vm8, $0x0, v25;
	v18 =	vadd.s32 v61, v18  }
0x13b: {  	v18 =	vadd.s32 v62, v18  }
0x13c: {  	v25 =	vnsel vm6, $0x0, v27;
	v18 =	vadd.s32 v24, v18;
	vm0 =	vnez.u8 v33  }
0x13d: {  	v18 =	vadd.s32 v25, v18;
	v19 =	vnsel vm0, $0x0, v34;
	v34 =	vld [tilespmem:$0x1FFD0]  }
0x13e: {  	v27 =	vnsel vm4, $0x0, v29;
	v18 =	vadd.s32 v26, v18  }
0x13f: {  	v18 =	vadd.s32 v27, v18  }
0x140: {  	v29 =	vnsel vm2, $0x0, v31;
	v18 =	vadd.s32 v28, v18  }
0x141: {  	v18 =	vadd.s32 v29, v18  }
0x142: {  	v18 =	vadd.s32 v30, v18;
	vm0 =	vnez.u8 v34  }
0x143: {  	v18 =	vadd.s32 v20, v18;
	v20 =	vnsel vm0, $0x0, v35;
	v35 =	vld [tilespmem:$0x1FFC0];
	_ =	sdelay $0x2  }
0x144: {  	v50 =	vld [tilespmem:$0x1180];
	_ =	sdelay $0x1  }
0x145: {  	vm0 =	vnez.u8 v35  }
0x146: {  	v18 =	vadd.s32 v19, v18;
	v19 =	vnsel vm0, $0x0, v36;
	v36 =	vld [tilespmem:$0x1FFB0];
	_ =	sdelay $0x1  }
0x147: {  	[tilespmem:$0x80] =	vst v0;
	v21 =	vadd.s32 v50, v59  }
0x148: {  	[tilespmem:$0x90] =	vst v21  }
0x149: {  	v63 =	vld [tilespmem:$0x8F]  }
0x14a: {  	vm0 =	vnez.u8 v36  }
0x14b: {  	v18 =	vadd.s32 v20, v18;
	v20 =	vnsel vm0, $0x0, v37;
	v37 =	vld [tilespmem:$0x1FFA0];
	_ =	sdelay $0x2  }
0x14c: {  	v22 =	vadd.s32 v21, v63  }
0x14d: {  	[tilespmem:$0x90] =	vst v22  }
0x14e: {  	v31 =	vld [tilespmem:$0x8E];
	vm0 =	vnez.u8 v37  }
0x14f: {  	v18 =	vadd.s32 v19, v18;
	v19 =	vnsel vm0, $0x0, v38;
	v38 =	vld [tilespmem:$0x1FF90]  }
0x150: {  	v50 =	vld [tilespmem:$0x1FF80]  }
0x151: {  	v51 =	vld [tilespmem:$0x1FF70]  }
0x152: {  	v52 =	vld [tilespmem:$0x1FF60]  }
0x153: {  	v53 =	vld [tilespmem:$0x1FF50]  }
0x154: {  	v54 =	vld [tilespmem:$0x1FF40];
	v22 =	vadd.s32 v22, v31;
	vm0 =	vnez.u8 v38  }
0x155: {  	v55 =	vld [tilespmem:$0x1FF30];
	[tilespmem:$0x90] =	vst v22;
	v18 =	vadd.s32 v20, v18;
	v20 =	vnsel vm0, $0x0, v39;
	vm0 =	vnez.u8 v50  }
0x156: {  	v18 =	vadd.s32 v19, v18;
	v39 =	vld [tilespmem:$0x8C];
	v19 =	vnsel vm0, $0x0, v40;
	vm0 =	vnez.u8 v51  }
0x157: {  	v56 =	vld [tilespmem:$0x1FF20];
	v18 =	vadd.s32 v20, v18;
	v20 =	vnsel vm0, $0x0, v41;
	vm0 =	vnez.u8 v52  }
0x158: {  	v58 =	vld [tilespmem:$0x1FF10];
	v18 =	vadd.s32 v19, v18;
	v19 =	vnsel vm0, $0x0, v42;
	vm0 =	vnez.u8 v53  }
0x159: {  	v59 =	vld [tilespmem:$0x1FF00];
	v18 =	vadd.s32 v20, v18;
	v20 =	vnsel vm0, $0x0, v43;
	vm0 =	vnez.u8 v54  }
0x15a: {  	v60 =	vld [tilespmem:$0x1FEF0];
	v18 =	vadd.s32 v19, v18;
	v19 =	vnsel vm0, $0x0, v44  }
0x15b: {  	v22 =	vadd.s32 v22, v39;
	v18 =	vadd.s32 v20, v18;
	vm0 =	vnez.u8 v55  }
0x15c: {  	v20 =	vnsel vm0, $0x0, v45;
	[tilespmem:$0x90] =	vst v22;
	v18 =	vadd.s32 v19, v18;
	vm0 =	vnez.u8 v56  }
0x15d: {  	v19 =	vnsel vm0, $0x0, v46;
	v57 =	vld [tilespmem:$0x88];
	v18 =	vadd.s32 v20, v18;
	vm0 =	vnez.u8 v58  }
0x15e: {  	v20 =	vnsel vm0, $0x0, v47;
	v18 =	vadd.s32 v19, v18;
	vm0 =	vnez.u8 v59  }
0x15f: {  	v19 =	vnsel vm0, $0x0, v48;
	v18 =	vadd.s32 v20, v18;
	vm0 =	vnez.u8 v60  }
0x160: {  	v2 =	vpsel p0, v2, v10;
	v20 =	vnsel vm0, $0x0, v49;
	v18 =	vadd.s32 v19, v18  }
0x161: {  	v18 =	vadd.s32 v20, v18  }
0x162: {  	v61 =	vadd.s32 v22, v57;
	v18 =	vsub.s32 v18, v21  }
0x163: {  	v18 =	vadd.s32 v61, v18;
	[tilespmem:$0x3380] =	vst v61  }
0x164: {  	[tilespmem:$0x1280] =	vst v18  }
0x165: {  	v2 =	vld.idx.msk [tilespmem:v2+s16+$0x0], $0xffff;
	_ =	sdelay $0x1  }
0x166: {  	v4 =	vpsel p0, v4, v12;
	_ =	sdelay $0x1  }
0x167: {  	v3 =	vpsel p0, v3, v11  }
0x168: {  	v2 =	vadd.s32 v3, v2  }
0x169: {  	[tilespmem:$0x3300] =	vst v2  }
0x16a: {  	v2 =	vld.idx.msk [tilespmem:v4+s16+$0x0], $0xffff;
	_ =	sdelay $0x1  }
0x16b: {  	v3 =	vpsel p0, v6, v14;
	_ =	sdelay $0x1  }
0x16c: {  	v62 =	vpsel p0, v5, v13  }
0x16d: {  	v2 =	vadd.s32 v62, v2  }
0x16e: {  	[tilespmem:$0x3310] =	vst v2  }
0x16f: {  	v2 =	vld.idx.msk [tilespmem:v3+s16+$0x0], $0xffff;
	_ =	sdelay $0x1  }
0x170: {  	v3 =	vpsel p0, v8, v16;
	_ =	sdelay $0x1  }
0x171: {  	v63 =	vpsel p0, v7, v15  }
0x172: {  	v2 =	vadd.s32 v63, v2  }
0x173: {  	[tilespmem:$0x3320] =	vst v2  }
0x174: {  	v2 =	vld.idx.msk [tilespmem:v3+s16+$0x0], $0xffff;
	_ =	sdelay $0x3  }
0x175: {  	v3 =	vpsel p0, v9, v17  }
0x176: {  	v2 =	vadd.s32 v3, v2  }
0x177: {  	[tilespmem:$0x3330] =	vst v2  }
0x178: {  	_ =	swait.ge [sflag:s17], $0x2000  }
0x179: {  	[sflag:s17] =	ssyncset.done $0x0  }
0x17a: {  	[sflag:s17] =	ssyncadd.s32 $0xFFFFE000  }
0x17b: {  	[hbm4b:s2+s18] =	stream.indirect.scatter [tilespmem:s11], [sflag:$0x1], $0x80, s19, s18, $0xb8;
	[tilespmem:$0x3400] =	vst v63  }
0x17c: {  	_ =	swait.ge [sflag:s17], $0x2000  }
0x17d: {  	[sflag:s17] =	ssyncset.done $0x0  }
0x17e: {  	[sflag:s17] =	ssyncadd.s32 $0xFFFFE000  }
0x17f: {  	[hbm4b:s8+s3] =	stream.linear.scatter [tilespmem:s19], [sflag:$0x2], $0x40, $0x38;
	[tilespmem:$0x3400] =	vst v63  }
0x180: {  	_ =	swait.ge [sflag:s10], $0x40  }
0x181: {  	s20 =	simm.s32 @!p1 $0x0;
	s9 =	sadd.s32 $0xFFFFFFFF, s9;
	[sflag:s10] =	ssyncset.done $0x0  }
0x182: {  	s21 =	simm.s32 @!p1 $0x3380;
	p2 =	sne.s32 s9, $0x0;
	[sflag:s10] =	ssyncadd.s32 $0xFFFFFFC0  }
0x183: {  	[hbm4b:s4+s20] =	stream.linear.scatter @!p1 [tilespmem:s21], [sflag:$0x2], $0x80, $0x38;
	[tilespmem:$0x3400] =	vst v63  }
.Ltmp0:
0x184: {  	_ = 	snop;
	(pc) =	sbr.rel @p2 .LBB2_1-.Ltmp0, $4  }
0x185: {  	s20 =	simm.s32 @!p1 $0x2  }
0x186: {  	_ =	swait.ge @!p1 [sflag:s20], $0x80  }
0x187: {  	[sflag:s20] =	ssyncset.done @!p1 $0x0  }
0x188: {  	[sflag:s20] =	ssyncadd.s32 @!p1 $0xFFFFFF80  }
0x189: {  	_ =	sfence.sel $0x180000  }
0x18a: {  	[bflag:$0x0] =	sbarrier.arrive $0xFFFF  }
0x18b: {  	p0 =	sne.s32 s0, $0x0;
	_ =	strace $0x90000047  }
0x18c: {  	s0 =	sadd.s32 @!p0 $0x100000, s1;
	[bflag:$0x2] =	sbarrier.arrive $0xFFFF  }
0x18d: {  	[sflag:s0] =	ssyncadd.tile.s32 @!p0 $0x1;
	_ =	shalt  }
.Lfunc_end2:
_tile_overlayer_lowered:
.L_overlay_start_2:
0x18e: {  	(tag) =	ssettag $0x2  }
0x18f: {  	s0 =	rddreg [dreg:$0x0];
	s2 =	stileid.u32  }
0x190: {  	s1 =	rddreg [dreg:$0x1];
	p0 =	sne.s32 s2, $0x0  }
0x191: {  	s3 =	rddreg [dreg:$0x2];
	[bflag:$0x3] =	sbarrier.arrive $0xFFFF;
	s2 =	simm.s32 @!p0 $0x1C02  }
0x192: {  	[timem:s3], [sflag:s2] =	dma.local @!p0 [hbm:s0], s1  }
0x193: {  	s0 =	simm.s32 @!p0 $0x2  }
0x194: {  	_ =	swait.ge @!p0 [sflag:s0], s1  }
0x195: {  	s1 =	ssub.s32 @!p0 $0x0, s1;
	[sflag:s0] =	ssyncset.done @!p0 $0x0  }
0x196: {  	[sflag:s0] =	ssyncadd.s32 @!p0 s1  }
0x197: {  	[bflag:$0x3] =	sbarrier.arrive $0xFFFF  }
0x198: {  	_ =	shalt  }

// kernel: kernel.8.cloned.1.call-start
scs
__scs_entry_jumppad:
0x0: {  	(pc) =	sbr.rel $0x88, $3  }
0x1: {  	(tag) =	ssettag $0x0;
	lr =	simm.s32 $0x1  }
0x2: {  	[smem:$0x3F9B] =	sst lr;
	_ =	strace $0xD0000000  }
0x3: {  	_ = 	snop  }
0x4: {  	_ = 	snop  }
0x5: {  	_ = 	snop  }
0x6: {  	_ = 	snop  }
0x7: {  	_ = 	snop  }
__scs_overlays_trampoline_lowered:
0x8: {  	[smem:$0x3FAA] =	sst s0  }
0x9: {  	[smem:$0x3FAB] =	sst s1  }
0xa: {  	[smem:$0x3FAC] =	sst s2  }
0xb: {  	[smem:$0x3FAD] =	sst s3  }
0xc: {  	[smem:$0x3FAE] =	sst s4  }
0xd: {  	[smem:$0x3FAF] =	sst s5  }
0xe: {  	[smem:$0x3FB0] =	sst s6  }
0xf: {  	[smem:$0x3FB1] =	sst s7  }
0x10: {  	[smem:$0x3FB2] =	sst s8  }
0x11: {  	[smem:$0x3FB3] =	sst s9;
	s0 =	simm.s32 @!p0 $0x0  }
0x12: {  	s1 =	sld [smem:$0x3F99];
	s0 =	simm.s32 @p0 $0x1  }
0x13: {  	[smem:$0x3FB4] =	sst s0;
	s0 =	simm.s32 @!p1 $0x0  }
0x14: {  	s2 =	sld [smem:$0x3F98];
	s0 =	simm.s32 @p1 $0x1  }
0x15: {  	[smem:$0x3FB5] =	sst s0;
	s0 =	simm.s32 @!p2 $0x0  }
0x16: {  	s3 =	sld [smem:$0x3FDB];
	s0 =	simm.s32 @p2 $0x1  }
0x17: {  	s4 =	simm.s32 $0x1BF5;
	[smem:$0x3FB7] =	sst s0  }
0x18: {  	s0 =	sld [smem:$0x3F9A];
	_ =	swait.ge [sflag:s4], $0x0  }
0x19: {  	s7 =	sld [smem:$0x3F9B]  }
0x1a: {  	s8 =	sadd.s32 $0xFFFFE003, lr  }
0x1b: {  	s9 =	sadd.s32 $0xFFFFFEF7, lr;
	s5 =	simm.s32 $0xFFFFFFFF;
	p2 =	slt.u32 s8, $0xFFFFF086  }
0x1c: {  	p1 =	slt.u32 s9, $0xF7A;
	s5 =	simm.s32 @!p2 $0x0  }
0x1d: {  	s5 =	simm.s32 @p1 $0x1;
	p0 =	seq.s32 s7, s2  }
0x1e: {  	s7 =	smul.u32 @!p0 $0xF7A, s2;
	p2 =	seq.s32 @!p0 s5, $0x0  }
0x1f: {  	s9 =	smul.u32 $0xF7A, s1;
	s8 =	simm.s32 @!p0 $0x1BF5;
	p2 =	por !p2, p0  }
0x20: {  	[sflag:s8] =	ssyncset.s32 @!p0 $0xFFFFF086;
	s6 =	sadd.s32 @!p0 s3, s7;
	s7 =	simm.s32 @!p0 $0x108  }
0x21: {  	s3 =	sadd.s32 s3, s9;
	s6 =	sadd.s32 @!p0 $0x88, s6;
	s7 =	simm.s32 @p2 $0x1082  }
0x22: {  	[simem:s7], [sflag:s8] =	dma.local @!p0 [hbm:s6], $0xF7A  }
0x23: {  	s9 =	sor.u32 $0xD0000000, s2;
	s6 =	simm.s32 $0x108;
	_ =	swait.ge @!p0 [sflag:s8], $0x0  }
0x24: {  	s3 =	sadd.s32 $0x88, s3;
	s6 =	simm.s32 @!p1 $0x1082;
	[sflag:s4] =	ssyncset.s32 $0xFFFFF086  }
0x25: {  	[simem:s6], [sflag:s4] =	dma.local [hbm:s3], $0xF7A  }
0x26: {  	[smem:$0x3F9B] =	sst s1;
	(tag) =	ssettag s2;
	_ =	strace s9  }
0x27: {  	s1 =	sld [smem:$0x3FAB]  }
0x28: {  	s2 =	sld [smem:$0x3FAC]  }
0x29: {  	s4 =	sld [smem:$0x3FAE]  }
0x2a: {  	p0 =	seq.s32 s5, $0x0;
	s5 =	sld [smem:$0x3FAF]  }
0x2b: {  	s6 =	sld [smem:$0x3FB0]  }
0x2c: {  	s7 =	sld [smem:$0x3FB1]  }
0x2d: {  	s3 =	simm.s32 $0x108;
	s8 =	sld [smem:$0x3FB2]  }
0x2e: {  	s3 =	simm.s32 @!p0 $0x1082;
	s9 =	sld [smem:$0x3FB3]  }
0x2f: {  	lr =	sadd.s32 s0, s3;
	s0 =	sld [smem:$0x3FAA]  }
0x30: {  	s3 =	sld [smem:$0x3FAD]  }
0x31: {  	[smem:$0x3FB6] =	sst s10  }
0x32: {  	s10 =	sld [smem:$0x3FB4];
	_ =	sdelay $0x3  }
0x33: {  	p0 =	seq.s32 s10, $0x1;
	s10 =	sld [smem:$0x3FB6];
	_ =	sdelay $0x3  }
0x34: {  	[smem:$0x3FB6] =	sst s10  }
0x35: {  	s10 =	sld [smem:$0x3FB5];
	_ =	sdelay $0x3  }
0x36: {  	p1 =	seq.s32 s10, $0x1;
	s10 =	sld [smem:$0x3FB6];
	_ =	sdelay $0x3  }
0x37: {  	[smem:$0x3FB6] =	sst s10  }
0x38: {  	s10 =	sld [smem:$0x3FB7]  }
0x39: {  	_ = 	snop;
	(pc) =	sbr.ind lr, $3  }
0x3a: {  	_ = 	snop  }
0x3b: {  	_ = 	snop  }
0x3c: {  	p2 =	seq.s32 s10, $0x1;
	s10 =	sld [smem:$0x3FB6]  }
0x3d: {  	_ =	shalt  }
0x3e: {  	_ =	shalt  }
0x3f: {  	_ =	shalt  }
0x40: {  	_ =	shalt  }
0x41: {  	_ =	shalt  }
0x42: {  	_ =	shalt  }
0x43: {  	_ =	shalt  }
0x44: {  	_ =	shalt  }
0x45: {  	_ =	shalt  }
0x46: {  	_ =	shalt  }
0x47: {  	_ =	shalt  }
0x48: {  	_ =	shalt  }
0x49: {  	_ =	shalt  }
0x4a: {  	_ =	shalt  }
0x4b: {  	_ =	shalt  }
0x4c: {  	_ =	shalt  }
0x4d: {  	_ =	shalt  }
0x4e: {  	_ =	shalt  }
0x4f: {  	_ =	shalt  }
0x50: {  	_ =	shalt  }
0x51: {  	_ =	shalt  }
0x52: {  	_ =	shalt  }
0x53: {  	_ =	shalt  }
0x54: {  	_ =	shalt  }
0x55: {  	_ =	shalt  }
0x56: {  	_ =	shalt  }
0x57: {  	_ =	shalt  }
0x58: {  	_ =	shalt  }
0x59: {  	_ =	shalt  }
0x5a: {  	_ =	shalt  }
0x5b: {  	_ =	shalt  }
0x5c: {  	_ =	shalt  }
0x5d: {  	_ =	shalt  }
0x5e: {  	_ =	shalt  }
0x5f: {  	_ =	shalt  }
0x60: {  	_ =	shalt  }
0x61: {  	_ =	shalt  }
0x62: {  	_ =	shalt  }
0x63: {  	_ =	shalt  }
0x64: {  	_ =	shalt  }
0x65: {  	_ =	shalt  }
0x66: {  	_ =	shalt  }
0x67: {  	_ =	shalt  }
0x68: {  	_ =	shalt  }
0x69: {  	_ =	shalt  }
0x6a: {  	_ =	shalt  }
0x6b: {  	_ =	shalt  }
0x6c: {  	_ =	shalt  }
0x6d: {  	_ =	shalt  }
0x6e: {  	_ =	shalt  }
0x6f: {  	_ =	shalt  }
0x70: {  	_ =	shalt  }
0x71: {  	_ =	shalt  }
0x72: {  	_ =	shalt  }
0x73: {  	_ =	shalt  }
0x74: {  	_ =	shalt  }
0x75: {  	_ =	shalt  }
0x76: {  	_ =	shalt  }
0x77: {  	_ =	shalt  }
0x78: {  	_ =	shalt  }
0x79: {  	_ =	shalt  }
0x7a: {  	_ =	shalt  }
0x7b: {  	_ =	shalt  }
0x7c: {  	_ =	shalt  }
0x7d: {  	_ =	shalt  }
0x7e: {  	_ =	shalt  }
0x7f: {  	_ =	shalt  }
0x80: {  	_ =	shalt  }
0x81: {  	_ =	shalt  }
0x82: {  	_ =	shalt  }
0x83: {  	_ =	shalt  }
0x84: {  	_ =	shalt  }
0x85: {  	_ =	shalt  }
0x86: {  	_ =	shalt  }
0x87: {  	_ =	shalt  }
.Lfunc_end0:
.L_simem_size_0:
called_computation.1_lowered:
.L_overlay_start_0:
0x88: {  	s2 =	sld [smem:$0x3FD9]  }
0x89: {  	s3 =	sld [smem:$0x3FFE];
	_ =	sdelay $0x1  }
0x8a: {  	s1 =	srdreg.scid  }
0x8b: {  	s0 =	sand.u32 $0x1, s1  }
0x8c: {  	s17 =	sshll.u32 s0, $0xA;
	s2 =	sadd.s32 s3, s2  }
0x8d: {  	s2 =	sadd.s32 s2, s17  }
0x8e: {  	[smem:$0x3FC2] =	sst s2  }
0x8f: {  	_ = 	snop  }
0x90: {  	s2 =	sld [smem:$0x3FD0];
	(tm) =	ssettm $0x1  }
0x91: {  	s18 =	sld [smem:$0x3FFB];
	_ =	sdelay $0x3  }
0x92: {  	_ =	strace s18  }
0x93: {  	s3 =	sld [smem:$0x3FFC];
	_ =	sdelay $0x3  }
0x94: {  	_ =	strace s3  }
0x95: {  	s3 =	sld [smem:$0x3FFD];
	_ =	sdelay $0x3  }
0x96: {  	_ =	strace s3  }
0x97: {  	_ =	strace $0x8FFFFFFF  }
0x98: {  	s19 =	sld [smem:$0x3FDB];
	_ =	sdelay $0x1  }
0x99: {  	s4 =	simm.s32 $_scs_section_size  }
0x9a: {  	s5 =	simm.s32 $_size__tile_overlayer_lowered;
	s6 =	simm.s32 $_tile_overlayer_lowered  }
0x9b: {  	s22 =	simm.s32 $0x1BFF;
	s21 =	sshll.u32 s6, $0x1;
	s3 =	sadd.s32 s4, s19  }
0x9c: {  	s7 =	simm.s32 $0x0;
	s20 =	sshll.u32 s5, $0x1;
	s5 =	sadd.s32 s21, s3  }
0x9d: {  	[timem:s7], [sflag:s22] =	dma.local [hbm:s5], s20  }
0x9e: {  	_ =	swait.ge [sflag:s22], s20  }
0x9f: {  	s4 =	ssub.s32 $0x0, s20;
	[sflag:s22] =	ssyncset.done $0x0  }
0xa0: {  	[sflag:s22] =	ssyncadd.s32 s4;
	_ =	sdelay $0x1  }
0xa1: {  	s23 =	simm.s32 $0x1B8B  }
0xa2: {  	_ =	swait.ge [sflag:s23], $0x1  }
0xa3: {  	[sflag:s23] =	ssyncset.done $0x0  }
0xa4: {  	s25 =	simm.s32 $0x1B8E;
	s24 =	sld [smem:$0x3FFE];
	[sflag:s23] =	ssyncadd.s32 $0xFFFFFFFF  }
0xa5: {  	s26 =	simm.s32 $execute0_lowered;
	[smem:$0x3FD2] =	sst s25  }
0xa6: {  	s5 =	sshll.u32 s26, $0x1;
	_ =	strace $0x80000049;
	[dreg:$0x1] =	wrdreg $0xFFFFFFFF  }
0xa7: {  	s28 =	simm.s32 $_size_execute0_lowered;
	s3 =	sadd.s32 s3, s5;
	[dreg:$0x0] =	wrdreg $0x0  }
0xa8: {  	s5 =	sshll.u32 s28, $0x1;
	[dreg:$0x2] =	wrdreg s3  }
0xa9: {  	[dreg:$0x3] =	wrdreg s5  }
0xaa: {  	[dreg:$0x4] =	wrdreg $0xC0  }
0xab: {  	_ =	task [dreg:s7], $0x5FFFF  }
0xac: {  	[dreg:$0x1] =	wrdreg $0xFFFFFFFF  }
0xad: {  	[dreg:$0x0] =	wrdreg $0x60  }
0xae: {  	[dreg:$0x2] =	wrdreg s24  }
0xaf: {  	[dreg:$0x3] =	wrdreg s2  }
0xb0: {  	[dreg:$0x4] =	wrdreg $0x9  }
0xb1: {  	_ =	task.clear_ibuf [dreg:s7], $0x5FFFF;
	_ =	strace $0x90000049  }
0xb2: {  	s29 =	simm.s32 $0x9;
	_ =	strace $0x8000004B  }
0xb3: {  	_ =	swait.ge [sflag:s29], $0x1  }
0xb4: {  	[sflag:s29] =	ssyncadd.s32 $0xFFFFFFFF  }
0xb5: {  	_ =	strace $0x9000004B  }
0xb6: {  	_ =	sfence  }
0xb7: {  	s30 =	sld [smem:$0x0];
	_ =	sdelay $0x2  }
0xb8: {  	s31 =	sshll.u32 s1, $0xD;
	s1 =	sshrl.u32 s1, $0x2  }
0xb9: {  	s3 =	sand.u32 $0x4000, s31;
	s1 =	sadd.s32 s1, s30  }
0xba: {  	s0 =	sor.u32 s3, s0;
	s1 =	sshll.u32 s1, $0x11  }
0xbb: {  	s0 =	sor.u32 s1, s0  }
0xbc: {  	s0 =	sadd.s32 $0x8F2B, s0  }
0xbd: {  	[sflag:s0] =	ssyncadd.remote.s32 $0x1  }
0xbe: {  	_ =	sfence.sel $0xFFFF  }
0xbf: {  	[dreg:$0x0] =	wrdreg $0xFFFFFFFF;
	(pc) =	sbr.abs _section_cstart, $3  }
0xc0: {  	[dreg:$0x1] =	wrdreg $0xFFFFFFFF  }
0xc1: {  	_ =	task.clear_ibuf [dreg:s7], $0x2FFFF;
	_ =	strace $0x9FFFFFFF  }
0xc2: {  	(tm) =	ssettm $0x7FFFFFFF  }
0xc3: {  	_ =	shalt  }
tec
execute0_lowered:
.L_overlay_start_1:
0x0: {  	(tag) =	ssettag $0x1  }
0x1: {  	s1 =	srdreg.scid  }
0x2: {  	s0 =	stileid.u32;
	s6 =	sand.u32 $0x1, s1  }
0x3: {  	s5 =	rddreg [dreg:$0x0];
	s30 =	sshll.u32 s0, $0x7;
	s2 =	sshll.u32 s6, $0x6  }
0x4: {  	s9 =	rddreg [dreg:$0x1];
	s7 =	simm.s32 $0x80;
	s10 =	sor.u32 s2, s30  }
0x5: {  	s1 =	rddreg [dreg:$0x2];
	s2 =	simm.s32 $0x0;
	s3 =	sshrl.u32 s10, $0x3  }
0x6: {  	s11 =	ssub.s32 $0x2, s6;
	[smem:$0x7FF] =	sst s2;
	s3 =	sadd.s32 s3, s5  }
0x7: {  	_ =	strace $0x8000004A;
	s4 =	sadd.s32 $0x2000, s3;
	s3 =	simm.s32 $0x2  }
0x8: {  	[tilespmem:s2], [sflag:$0x2] =	stream.linear.gather [hbm4b:s4+s2], $0x40, $0x38;
	[tilespmem:$0x2080] =	vst v63  }
0x9: {  	s8 =	simm.s32 $0x1;
	s12 =	sshrl.u32 s11, $0x1;
	_ =	swait.ge [sflag:s3], $0x40  }
0xa: {  	s6 =	simm.s32 $0x40;
	s11 =	ssub.s32 s11, s12;
	[sflag:s3] =	ssyncset.done $0x0  }
0xb: {  	s5 =	sadd.s32 $0x2200, s5;
	s31 =	smax.u32 s11, $0x1;
	[sflag:s3] =	ssyncadd.s32 $0xFFFFFFC0  }
0xc: {  	[tilespmem:s7], [sflag:$0x1] =	stream.indirect.gather [hbm4b:s5+s6], $0x80, s2, s6, $0xb8;
	[tilespmem:$0x2080] =	vst v63  }
0xd: {  	p0 =	sne.s32 s31, $0x1;
	_ =	swait.ge [sflag:s8], $0x2000  }
.Ltmp0:
0xe: {  	s10 =	sshll.u32 s10, $0x4;
	[sflag:s8] =	ssyncset.done $0x0;
	(pc) =	sbr.rel @!p0 .LBB2_2-.Ltmp0, $4  }
0xf: {  	s9 =	sadd.s32 s9, s10;
	[sflag:s8] =	ssyncadd.s32 $0xFFFFE000  }
0x10: {  	[hbm4b:s9+s2] =	stream.linear.scatter [tilespmem:s7], [sflag:$0x2], $0x2000, $0x38;
	[tilespmem:$0x2080] =	vst v63  }
0x11: {  	_ =	swait.ge [sflag:s3], $0x2000  }
0x12: {  	s10 =	sadd.s32 $0xFFFFFFFF, s31;
	[sflag:s3] =	ssyncset.done $0x0  }
.LBB2_1:
0x13: {  	p0 =	sne.s32 s10, $0x1;
	s10 =	sadd.s32 $0xFFFFFFFF, s10;
	[sflag:s3] =	ssyncadd.s32 $0xFFFFE000  }
0x14: {  	[tilespmem:s2], [sflag:$0x2] =	stream.linear.gather [hbm4b:s4+s2], $0x40, $0x38;
	[tilespmem:$0x2080] =	vst v63  }
0x15: {  	_ =	swait.ge [sflag:s3], $0x40  }
0x16: {  	[sflag:s3] =	ssyncset.done $0x0  }
0x17: {  	[sflag:s3] =	ssyncadd.s32 $0xFFFFFFC0  }
0x18: {  	[tilespmem:s7], [sflag:$0x1] =	stream.indirect.gather [hbm4b:s5+s6], $0x80, s2, s6, $0xb8;
	[tilespmem:$0x2080] =	vst v63  }
0x19: {  	_ =	swait.ge [sflag:s8], $0x2000  }
.Ltmp1:
0x1a: {  	[sflag:s8] =	ssyncset.done $0x0;
	(pc) =	sbr.rel @p0 .LBB2_1-.Ltmp1, $4  }
0x1b: {  	[sflag:s8] =	ssyncadd.s32 $0xFFFFE000  }
0x1c: {  	[hbm4b:s9+s2] =	stream.linear.scatter [tilespmem:s7], [sflag:$0x2], $0x2000, $0x38;
	[tilespmem:$0x2080] =	vst v63  }
0x1d: {  	_ =	swait.ge [sflag:s3], $0x2000  }
0x1e: {  	[sflag:s3] =	ssyncset.done $0x0  }
.LBB2_2:
0x1f: {  	[sflag:s3] =	ssyncadd.s32 $0xFFFFE000  }
0x20: {  	_ =	sfence.sel $0x180000  }
0x21: {  	[bflag:$0x0] =	sbarrier.arrive $0xFFFF  }
0x22: {  	p0 =	sne.s32 s0, $0x0;
	_ =	strace $0x9000004A  }
0x23: {  	s0 =	sadd.s32 @!p0 $0x100000, s1;
	[bflag:$0x2] =	sbarrier.arrive $0xFFFF  }
0x24: {  	[sflag:s0] =	ssyncadd.tile.s32 @!p0 $0x1;
	_ =	shalt  }
.Lfunc_end2:
_tile_overlayer_lowered:
.L_overlay_start_2:
0x25: {  	(tag) =	ssettag $0x2  }
0x26: {  	s0 =	rddreg [dreg:$0x0];
	s2 =	stileid.u32  }
0x27: {  	s1 =	rddreg [dreg:$0x1];
	p0 =	sne.s32 s2, $0x0  }
0x28: {  	s3 =	rddreg [dreg:$0x2];
	[bflag:$0x3] =	sbarrier.arrive $0xFFFF;
	s2 =	simm.s32 @!p0 $0x1C02  }
0x29: {  	[timem:s3], [sflag:s2] =	dma.local @!p0 [hbm:s0], s1  }
0x2a: {  	s0 =	simm.s32 @!p0 $0x2  }
0x2b: {  	_ =	swait.ge @!p0 [sflag:s0], s1  }
0x2c: {  	s1 =	ssub.s32 @!p0 $0x0, s1;
	[sflag:s0] =	ssyncset.done @!p0 $0x0  }
0x2d: {  	[sflag:s0] =	ssyncadd.s32 @!p0 s1  }
0x2e: {  	[bflag:$0x3] =	sbarrier.arrive $0xFFFF  }
0x2f: {  	_ =	shalt  }

</sc_bundles>
